<compile_context>
chip_gen: v7x
topology: tpu7x:2x2x1
jax: 0.10.2.dev20260603
libtpu: 0.0.44.dev20260713+nightly
codegen_flags: <defaults>
</compile_context>

<pallas_src>
import functools

import jax
import jax.numpy as jnp
from jax import lax
from jax.experimental import pallas as pl
from jax.experimental.pallas import tpu as pltpu
from jax.experimental.pallas import tpu_sc as plsc

N = 10000
N_P = 10112
E = 320000
D = 128
EPS = 1e-5

NC = 2
NS = 16
NW = NC * NS
CH = 128
CPW = 80
E_PAD = NW * CPW * CH
ROWS_PER_TILE = N_P // NS
DEG_PAD = 10240
DEG_PER_TILE = DEG_PAD // NS

_mesh = plsc.VectorSubcoreMesh(core_axis_name="c", subcore_axis_name="s")



@functools.partial(
    pl.kernel,
    out_type=jax.ShapeDtypeStruct((NC, DEG_PAD), jnp.float32),
    mesh=_mesh,
    scratch_types=[
        pltpu.VMEM_SHARED((DEG_PAD,), jnp.float32),
        pltpu.VMEM((CPW, CH), jnp.int32),
        pltpu.VMEM((CH,), jnp.float32),
        pltpu.VMEM((DEG_PER_TILE,), jnp.float32),
        pltpu.SemaphoreType.DMA,
    ],
)
def _deg_kernel(row2_hbm, out_hbm, deg_acc, ridx, ones_v, zer_v, sem):
    c = lax.axis_index("c")
    s = lax.axis_index("s")
    wid = s * NC + c
    for i in range(CH // 16):
        ones_v[pl.ds(i * 16, 16)] = jnp.full((16,), 1.0, jnp.float32)
    for i in range(DEG_PER_TILE // 16):
        zer_v[pl.ds(i * 16, 16)] = jnp.zeros((16,), jnp.float32)
    pltpu.sync_copy(zer_v, deg_acc.at[pl.ds(s * DEG_PER_TILE, DEG_PER_TILE)])
    pltpu.sync_copy(row2_hbm.at[pl.ds(wid * CPW, CPW)], ridx)
    plsc.subcore_barrier()

    def fire(j, carry):
        pltpu.async_copy(ones_v, deg_acc.at[ridx.at[j]], sem, add=True)
        return carry

    lax.fori_loop(0, CPW, fire, 0)

    def drain(j, carry):
        pltpu.make_async_copy(ones_v, deg_acc.at[ridx.at[0]], sem).wait()
        return carry

    lax.fori_loop(0, CPW, drain, 0)
    plsc.subcore_barrier()
    pltpu.sync_copy(deg_acc.at[pl.ds(s * DEG_PER_TILE, DEG_PER_TILE)],
                    out_hbm.at[c, pl.ds(s * DEG_PER_TILE, DEG_PER_TILE)])


@functools.partial(
    pl.kernel,
    out_type=jax.ShapeDtypeStruct((NC, N_P, D), jnp.float32),
    mesh=_mesh,
    scratch_types=[
        pltpu.VMEM_SHARED((N_P, D), jnp.float32),
        pltpu.VMEM((CPW, CH), jnp.int32),
        pltpu.VMEM((8, CH), jnp.int32),
        pltpu.VMEM((CH, D), jnp.float32),
        pltpu.VMEM((CH, D), jnp.float32),
        pltpu.SemaphoreType.DMA,
        pltpu.SemaphoreType.DMA,
    ],
)
def _mp_kernel(table_hbm, row2_hbm, col2_hbm, out_hbm,
               s_acc, cidx, ridx_blk, msgs_a, msgs_b, sem_a, sem_b):
    c = lax.axis_index("c")
    s = lax.axis_index("s")
    wid = s * NC + c
    pltpu.sync_copy(table_hbm.at[pl.ds(s * ROWS_PER_TILE, ROWS_PER_TILE)],
                    s_acc.at[pl.ds(s * ROWS_PER_TILE, ROWS_PER_TILE)])
    pltpu.sync_copy(col2_hbm.at[pl.ds(wid * CPW, CPW)], cidx)
    plsc.subcore_barrier()

    def chunk_group(g, carry):
        pltpu.sync_copy(row2_hbm.at[pl.ds(wid * CPW + 8 * g, 8)], ridx_blk)
        for k in range(0, 8, 2):
            a = pltpu.async_copy(table_hbm.at[cidx.at[8 * g + k]],
                                 msgs_a, sem_a)
            b = pltpu.async_copy(table_hbm.at[cidx.at[8 * g + k + 1]],
                                 msgs_b, sem_b)
            a.wait()
            pltpu.sync_copy(msgs_a, s_acc.at[ridx_blk.at[k]], add=True)
            b.wait()
            pltpu.sync_copy(msgs_b, s_acc.at[ridx_blk.at[k + 1]], add=True)
        return carry

    lax.fori_loop(0, CPW // 8, chunk_group, 0)
    plsc.subcore_barrier()
    pltpu.sync_copy(s_acc.at[pl.ds(s * ROWS_PER_TILE, ROWS_PER_TILE)],
                    out_hbm.at[c, pl.ds(s * ROWS_PER_TILE, ROWS_PER_TILE)])



_RB = 1264
_GRID = N_P // _RB


def _t1_body(dp_ref, x_ref, w_ref, tab_ref, dis_ref):
    deg = dp_ref[0, :, :] + dp_ref[1, :, :] + 1.0
    dis = lax.rsqrt(deg)
    t = jnp.dot(x_ref[...], w_ref[...], preferred_element_type=jnp.float32)
    tab_ref[...] = dis * t
    dis_ref[...] = dis


def _table1(dp3, x, W1):
    return pl.pallas_call(
        _t1_body,
        grid=(_GRID,),
        in_specs=[
            pl.BlockSpec((2, _RB, 1), lambda i: (0, i, 0)),
            pl.BlockSpec((_RB, D), lambda i: (i, 0)),
            pl.BlockSpec((D, D), lambda i: (0, 0)),
        ],
        out_specs=[
            pl.BlockSpec((_RB, D), lambda i: (i, 0)),
            pl.BlockSpec((_RB, 1), lambda i: (i, 0)),
        ],
        out_shape=[
            jax.ShapeDtypeStruct((N_P, D), jnp.float32),
            jax.ShapeDtypeStruct((N_P, 1), jnp.float32),
        ],
    )(dp3, x, W1)


def _bn_elu(h, g, bt, rm, rv):
    xn = (h - rm) * (g * lax.rsqrt(rv + EPS)) + bt
    return jnp.where(xn > 0, xn, jnp.exp(xn) - 1.0)


def _mid_body(sp_ref, tab_ref, dis_ref, b_ref, g_ref, bt_ref, rm_ref, rv_ref,
              w_ref, out_ref):
    dis = dis_ref[...]
    comb = dis * (sp_ref[0, :, :] + sp_ref[1, :, :] - tab_ref[...]) + b_ref[...]
    h = _bn_elu(comb, g_ref[...], bt_ref[...], rm_ref[...], rv_ref[...])
    out_ref[...] = dis * jnp.dot(h, w_ref[...],
                                 preferred_element_type=jnp.float32)


def _table2(sp, tab1, dis, b, g, bt, rm, rv, W2):
    return pl.pallas_call(
        _mid_body,
        grid=(_GRID,),
        in_specs=[
            pl.BlockSpec((2, _RB, D), lambda i: (0, i, 0)),
            pl.BlockSpec((_RB, D), lambda i: (i, 0)),
            pl.BlockSpec((_RB, 1), lambda i: (i, 0)),
        ] + [pl.BlockSpec((1, D), lambda i: (0, 0))] * 5 + [
            pl.BlockSpec((D, D), lambda i: (0, 0)),
        ],
        out_specs=pl.BlockSpec((_RB, D), lambda i: (i, 0)),
        out_shape=jax.ShapeDtypeStruct((N_P, D), jnp.float32),
    )(sp, tab1, dis, b, g, bt, rm, rv, W2)


def _out_body(sp_ref, tab_ref, dis_ref, b_ref, g_ref, bt_ref, rm_ref, rv_ref,
              out_ref):
    comb = (dis_ref[...] * (sp_ref[0, :, :] + sp_ref[1, :, :] - tab_ref[...])
            + b_ref[...])
    out_ref[...] = _bn_elu(comb, g_ref[...], bt_ref[...], rm_ref[...],
                           rv_ref[...])


def _final(sp, tab2, dis, b, g, bt, rm, rv):
    return pl.pallas_call(
        _out_body,
        grid=(_GRID,),
        in_specs=[
            pl.BlockSpec((2, _RB, D), lambda i: (0, i, 0)),
            pl.BlockSpec((_RB, D), lambda i: (i, 0)),
            pl.BlockSpec((_RB, 1), lambda i: (i, 0)),
        ] + [pl.BlockSpec((1, D), lambda i: (0, 0))] * 5,
        out_specs=pl.BlockSpec((_RB, D), lambda i: (i, 0)),
        out_shape=jax.ShapeDtypeStruct((N_P, D), jnp.float32),
    )(sp, tab2, dis, b, g, bt, rm, rv)



def kernel(x, edge_index, W1, b1, g1, bt1, rm1, rv1, W2, b2, g2, bt2, rm2, rv2):
    row = edge_index[0]
    col = edge_index[1]
    pad = E_PAD - E
    rowp = jnp.concatenate(
        [row, jnp.full((pad,), N, jnp.int32)]).reshape(E_PAD // CH, CH)
    colp = jnp.concatenate(
        [col, jnp.zeros((pad,), jnp.int32)]).reshape(E_PAD // CH, CH)
    xp = jnp.concatenate(
        [x, jnp.zeros((N_P - N, D), jnp.float32)], axis=0)

    degp = _deg_kernel(rowp)
    dp3 = degp.reshape(NC, DEG_PAD, 1)

    b1r, g1r, bt1r, rm1r, rv1r = (v.reshape(1, D) for v in (b1, g1, bt1, rm1, rv1))
    b2r, g2r, bt2r, rm2r, rv2r = (v.reshape(1, D) for v in (b2, g2, bt2, rm2, rv2))

    tab1, dis = _table1(dp3, xp, W1)
    sp1 = _mp_kernel(tab1, rowp, colp)
    tab2 = _table2(sp1, tab1, dis, b1r, g1r, bt1r, rm1r, rv1r, W2)
    sp2 = _mp_kernel(tab2, rowp, colp)
    out = _final(sp2, tab2, dis, b2r, g2r, bt2r, rm2r, rv2r)
    return out[:N]

# --- scband reference (transcript-rebuilt; emitter-appended) ---
"""Pipeline reference for scband-gnnencoder-53601191854606 (READ-ONLY COPY).

The authoritative reference and input builder live on the scoring server;
editing this copy changes nothing except your own understanding.
"""

import jax, jax.numpy as jnp
import numpy as np

N = 10000
E = 320000
D_IN = 128
D_HID = 128
D_OUT = 128
EPS = 1e-5


def setup_inputs(seed: int = 0) -> dict:
    key = jax.random.key(seed)
    ks = jax.random.split(key, 8)
    x = jax.random.normal(ks[0], (N, D_IN), dtype=jnp.float32)
    edge_index = jax.random.randint(ks[1], (2, E), 0, N, dtype=jnp.int32)
    # GCNConv layer 1: weight [in, hid], bias [hid]
    W1 = jax.random.normal(ks[2], (D_IN, D_HID), dtype=jnp.float32) * (1.0 / np.sqrt(D_IN))
    b1 = jnp.zeros((D_HID,), dtype=jnp.float32)
    # BatchNorm1d layer 1 params (eval mode: running stats)
    g1 = jnp.ones((D_HID,), dtype=jnp.float32)
    bt1 = jnp.zeros((D_HID,), dtype=jnp.float32)
    rm1 = jnp.zeros((D_HID,), dtype=jnp.float32)
    rv1 = jnp.ones((D_HID,), dtype=jnp.float32)
    # GCNConv layer 2
    W2 = jax.random.normal(ks[3], (D_HID, D_OUT), dtype=jnp.float32) * (1.0 / np.sqrt(D_HID))
    b2 = jnp.zeros((D_OUT,), dtype=jnp.float32)
    g2 = jnp.ones((D_OUT,), dtype=jnp.float32)
    bt2 = jnp.zeros((D_OUT,), dtype=jnp.float32)
    rm2 = jnp.zeros((D_OUT,), dtype=jnp.float32)
    rv2 = jnp.ones((D_OUT,), dtype=jnp.float32)
    return {"x": x, "edge_index": edge_index,
            "W1": W1, "b1": b1, "g1": g1, "bt1": bt1, "rm1": rm1, "rv1": rv1,
            "W2": W2, "b2": b2, "g2": g2, "bt2": bt2, "rm2": rm2, "rv2": rv2}


def reference(x, edge_index, W1, b1, g1, bt1, rm1, rv1, W2, b2, g2, bt2, rm2, rv2):
    row = edge_index[0]
    col = edge_index[1]
    n = x.shape[0]
    # gcn_norm with self-loops (fill_diag=1): deg = rowsum(A + I)
    deg = jnp.zeros((n,), dtype=jnp.float32).at[row].add(1.0) + 1.0
    dis = jax.lax.rsqrt(deg)

    def gcn_conv(h, W, b):
        h = h @ W
        w = dis[row] * dis[col]
        msg = w[:, None] * h[col]
        out = jnp.zeros((n, h.shape[1]), dtype=h.dtype).at[row].add(msg)
        # self-loop contribution: weight dis[i]^2
        out = out + (dis * dis)[:, None] * h
        return out + b

    def bn_eval(h, g, bt, rm, rv):
        return (h - rm) * jax.lax.rsqrt(rv + EPS) * g + bt

    # layer 1 (dropout is identity in eval mode)
    h = gcn_conv(x, W1, b1)
    h = bn_eval(h, g1, bt1, rm1, rv1)
    h = jax.nn.elu(h)
    # layer 2 (last conv -> bn -> activation)
    h = gcn_conv(h, W2, b2)
    h = bn_eval(h, g2, bt2, rm2, rv2)
    h = jax.nn.elu(h)
    return h

if __name__ == "__main__":
    import jax
    _d = setup_inputs()
    print(jax.jit(kernel)(*tuple(_d.values())))

</pallas_src>

<mosaic_0001>
#map = affine_map<(d0, d1) -> (0, 0)>
module attributes {stable_mosaic.version = 14 : i64} {
  func.func @_deg_kernel(%arg0: i32, %arg1: i32, %arg2: memref<2560x128xi32, #tpu.memory_space<hbm>>, %arg3: memref<2x10240xf32, #tpu.memory_space<hbm>>, %arg4: memref<10240xf32, #tpu.memory_space<vmem_shared>>, %arg5: memref<80x128xi32, #tpu.memory_space<vmem>>, %arg6: memref<128xf32, #tpu.memory_space<vmem>>, %arg7: memref<640xf32, #tpu.memory_space<vmem>>, %arg8: memref<!tpu.dma_semaphore, #tpu.memory_space<semaphore_mem>>) attributes {dimension_semantics = [#tpu.dimension_semantics<core_parallel>, #tpu.dimension_semantics<subcore_parallel>], iteration_bounds = array<i64: 2, 16>, scalar_prefetch = 0 : i64, scratch_operands = 5 : i64, tpu.core_type = #tpu.core_type<sc_vector_subcore>, window_params = [{transform_indices = #map}, {transform_indices = #map}]} {
    %mul3A = arith.constant 2 : i32
    %mul3A_0 = arith.muli %arg1, %mul3A : i32
    %add3A = arith.addi %mul3A_0, %arg0 : i32
    %broadcast_in_dim3A = arith.constant 1.000000e+00 : f32
    %broadcast_in_dim3A_1 = vector.broadcast %broadcast_in_dim3A : f32 to vector<16xf32>
    %swap3A = arith.constant 0 : index
    %swap3A_2 = tpu.vector_load %arg6[%swap3A] {strides = array<i32>} : memref<128xf32, #tpu.memory_space<vmem>>, vector<16xf32>,
    %swap3A_3 = vector.shape_cast %swap3A_2 : vector<16xf32> to vector<16xf32>
    %swap3A_4 = vector.shape_cast %broadcast_in_dim3A_1 : vector<16xf32> to vector<16xf32>
    tpu.vector_store %arg6[%swap3A], %swap3A_4 {strides = array<i32>} : memref<128xf32, #tpu.memory_space<vmem>>, vector<16xf32>,
    %broadcast_in_dim3A_5 = arith.constant 1.000000e+00 : f32
    %broadcast_in_dim3A_6 = vector.broadcast %broadcast_in_dim3A_5 : f32 to vector<16xf32>
    %swap3A_7 = arith.constant 16 : index
    %swap3A_8 = tpu.vector_load %arg6[%swap3A_7] {strides = array<i32>} : memref<128xf32, #tpu.memory_space<vmem>>, vector<16xf32>,
    %swap3A_9 = vector.shape_cast %swap3A_8 : vector<16xf32> to vector<16xf32>
    %swap3A_10 = vector.shape_cast %broadcast_in_dim3A_6 : vector<16xf32> to vector<16xf32>
    tpu.vector_store %arg6[%swap3A_7], %swap3A_10 {strides = array<i32>} : memref<128xf32, #tpu.memory_space<vmem>>, vector<16xf32>,
    %broadcast_in_dim3A_11 = arith.constant 1.000000e+00 : f32
    %broadcast_in_dim3A_12 = vector.broadcast %broadcast_in_dim3A_11 : f32 to vector<16xf32>
    %swap3A_13 = arith.constant 32 : index
    %swap3A_14 = tpu.vector_load %arg6[%swap3A_13] {strides = array<i32>} : memref<128xf32, #tpu.memory_space<vmem>>, vector<16xf32>,
    %swap3A_15 = vector.shape_cast %swap3A_14 : vector<16xf32> to vector<16xf32>
    %swap3A_16 = vector.shape_cast %broadcast_in_dim3A_12 : vector<16xf32> to vector<16xf32>
    tpu.vector_store %arg6[%swap3A_13], %swap3A_16 {strides = array<i32>} : memref<128xf32, #tpu.memory_space<vmem>>, vector<16xf32>,
    %broadcast_in_dim3A_17 = arith.constant 1.000000e+00 : f32
    %broadcast_in_dim3A_18 = vector.broadcast %broadcast_in_dim3A_17 : f32 to vector<16xf32>
    %swap3A_19 = arith.constant 48 : index
    %swap3A_20 = tpu.vector_load %arg6[%swap3A_19] {strides = array<i32>} : memref<128xf32, #tpu.memory_space<vmem>>, vector<16xf32>,
    %swap3A_21 = vector.shape_cast %swap3A_20 : vector<16xf32> to vector<16xf32>
    %swap3A_22 = vector.shape_cast %broadcast_in_dim3A_18 : vector<16xf32> to vector<16xf32>
    tpu.vector_store %arg6[%swap3A_19], %swap3A_22 {strides = array<i32>} : memref<128xf32, #tpu.memory_space<vmem>>, vector<16xf32>,
    %broadcast_in_dim3A_23 = arith.constant 1.000000e+00 : f32
    %broadcast_in_dim3A_24 = vector.broadcast %broadcast_in_dim3A_23 : f32 to vector<16xf32>
    %swap3A_25 = arith.constant 64 : index
    %swap3A_26 = tpu.vector_load %arg6[%swap3A_25] {strides = array<i32>} : memref<128xf32, #tpu.memory_space<vmem>>, vector<16xf32>,
    %swap3A_27 = vector.shape_cast %swap3A_26 : vector<16xf32> to vector<16xf32>
    %swap3A_28 = vector.shape_cast %broadcast_in_dim3A_24 : vector<16xf32> to vector<16xf32>
    tpu.vector_store %arg6[%swap3A_25], %swap3A_28 {strides = array<i32>} : memref<128xf32, #tpu.memory_space<vmem>>, vector<16xf32>,
    %broadcast_in_dim3A_29 = arith.constant 1.000000e+00 : f32
    %broadcast_in_dim3A_30 = vector.broadcast %broadcast_in_dim3A_29 : f32 to vector<16xf32>
    %swap3A_31 = arith.constant 80 : index
    %swap3A_32 = tpu.vector_load %arg6[%swap3A_31] {strides = array<i32>} : memref<128xf32, #tpu.memory_space<vmem>>, vector<16xf32>,
    %swap3A_33 = vector.shape_cast %swap3A_32 : vector<16xf32> to vector<16xf32>
    %swap3A_34 = vector.shape_cast %broadcast_in_dim3A_30 : vector<16xf32> to vector<16xf32>
    tpu.vector_store %arg6[%swap3A_31], %swap3A_34 {strides = array<i32>} : memref<128xf32, #tpu.memory_space<vmem>>, vector<16xf32>,
    %broadcast_in_dim3A_35 = arith.constant 1.000000e+00 : f32
    %broadcast_in_dim3A_36 = vector.broadcast %broadcast_in_dim3A_35 : f32 to vector<16xf32>
    %swap3A_37 = arith.constant 96 : index
    %swap3A_38 = tpu.vector_load %arg6[%swap3A_37] {strides = array<i32>} : memref<128xf32, #tpu.memory_space<vmem>>, vector<16xf32>,
    %swap3A_39 = vector.shape_cast %swap3A_38 : vector<16xf32> to vector<16xf32>
    %swap3A_40 = vector.shape_cast %broadcast_in_dim3A_36 : vector<16xf32> to vector<16xf32>
    tpu.vector_store %arg6[%swap3A_37], %swap3A_40 {strides = array<i32>} : memref<128xf32, #tpu.memory_space<vmem>>, vector<16xf32>,
    %broadcast_in_dim3A_41 = arith.constant 1.000000e+00 : f32
    %broadcast_in_dim3A_42 = vector.broadcast %broadcast_in_dim3A_41 : f32 to vector<16xf32>
    %swap3A_43 = arith.constant 112 : index
    %swap3A_44 = tpu.vector_load %arg6[%swap3A_43] {strides = array<i32>} : memref<128xf32, #tpu.memory_space<vmem>>, vector<16xf32>,
    %swap3A_45 = vector.shape_cast %swap3A_44 : vector<16xf32> to vector<16xf32>
    %swap3A_46 = vector.shape_cast %broadcast_in_dim3A_42 : vector<16xf32> to vector<16xf32>
    tpu.vector_store %arg6[%swap3A_43], %swap3A_46 {strides = array<i32>} : memref<128xf32, #tpu.memory_space<vmem>>, vector<16xf32>,
    %broadcast_in_dim3A_47 = arith.constant 0.000000e+00 : f32
    %broadcast_in_dim3A_48 = vector.broadcast %broadcast_in_dim3A_47 : f32 to vector<16xf32>
    %swap3A_49 = arith.constant 0 : index
    %swap3A_50 = tpu.vector_load %arg7[%swap3A_49] {strides = array<i32>} : memref<640xf32, #tpu.memory_space<vmem>>, vector<16xf32>,
    %swap3A_51 = vector.shape_cast %swap3A_50 : vector<16xf32> to vector<16xf32>
    %swap3A_52 = vector.shape_cast %broadcast_in_dim3A_48 : vector<16xf32> to vector<16xf32>
    tpu.vector_store %arg7[%swap3A_49], %swap3A_52 {strides = array<i32>} : memref<640xf32, #tpu.memory_space<vmem>>, vector<16xf32>,
    %broadcast_in_dim3A_53 = arith.constant 0.000000e+00 : f32
    %broadcast_in_dim3A_54 = vector.broadcast %broadcast_in_dim3A_53 : f32 to vector<16xf32>
    %swap3A_55 = arith.constant 16 : index
    %swap3A_56 = tpu.vector_load %arg7[%swap3A_55] {strides = array<i32>} : memref<640xf32, #tpu.memory_space<vmem>>, vector<16xf32>,
    %swap3A_57 = vector.shape_cast %swap3A_56 : vector<16xf32> to vector<16xf32>
    %swap3A_58 = vector.shape_cast %broadcast_in_dim3A_54 : vector<16xf32> to vector<16xf32>
    tpu.vector_store %arg7[%swap3A_55], %swap3A_58 {strides = array<i32>} : memref<640xf32, #tpu.memory_space<vmem>>, vector<16xf32>,
    %broadcast_in_dim3A_59 = arith.constant 0.000000e+00 : f32
    %broadcast_in_dim3A_60 = vector.broadcast %broadcast_in_dim3A_59 : f32 to vector<16xf32>
    %swap3A_61 = arith.constant 32 : index
    %swap3A_62 = tpu.vector_load %arg7[%swap3A_61] {strides = array<i32>} : memref<640xf32, #tpu.memory_space<vmem>>, vector<16xf32>,
    %swap3A_63 = vector.shape_cast %swap3A_62 : vector<16xf32> to vector<16xf32>
    %swap3A_64 = vector.shape_cast %broadcast_in_dim3A_60 : vector<16xf32> to vector<16xf32>
    tpu.vector_store %arg7[%swap3A_61], %swap3A_64 {strides = array<i32>} : memref<640xf32, #tpu.memory_space<vmem>>, vector<16xf32>,
    %broadcast_in_dim3A_65 = arith.constant 0.000000e+00 : f32
    %broadcast_in_dim3A_66 = vector.broadcast %broadcast_in_dim3A_65 : f32 to vector<16xf32>
    %swap3A_67 = arith.constant 48 : index
    %swap3A_68 = tpu.vector_load %arg7[%swap3A_67] {strides = array<i32>} : memref<640xf32, #tpu.memory_space<vmem>>, vector<16xf32>,
    %swap3A_69 = vector.shape_cast %swap3A_68 : vector<16xf32> to vector<16xf32>
    %swap3A_70 = vector.shape_cast %broadcast_in_dim3A_66 : vector<16xf32> to vector<16xf32>
    tpu.vector_store %arg7[%swap3A_67], %swap3A_70 {strides = array<i32>} : memref<640xf32, #tpu.memory_space<vmem>>, vector<16xf32>,
    %broadcast_in_dim3A_71 = arith.constant 0.000000e+00 : f32
    %broadcast_in_dim3A_72 = vector.broadcast %broadcast_in_dim3A_71 : f32 to vector<16xf32>
    %swap3A_73 = arith.constant 64 : index
    %swap3A_74 = tpu.vector_load %arg7[%swap3A_73] {strides = array<i32>} : memref<640xf32, #tpu.memory_space<vmem>>, vector<16xf32>,
    %swap3A_75 = vector.shape_cast %swap3A_74 : vector<16xf32> to vector<16xf32>
    %swap3A_76 = vector.shape_cast %broadcast_in_dim3A_72 : vector<16xf32> to vector<16xf32>
    tpu.vector_store %arg7[%swap3A_73], %swap3A_76 {strides = array<i32>} : memref<640xf32, #tpu.memory_space<vmem>>, vector<16xf32>,
    %broadcast_in_dim3A_77 = arith.constant 0.000000e+00 : f32
    %broadcast_in_dim3A_78 = vector.broadcast %broadcast_in_dim3A_77 : f32 to vector<16xf32>
    %swap3A_79 = arith.constant 80 : index
    %swap3A_80 = tpu.vector_load %arg7[%swap3A_79] {strides = array<i32>} : memref<640xf32, #tpu.memory_space<vmem>>, vector<16xf32>,
    %swap3A_81 = vector.shape_cast %swap3A_80 : vector<16xf32> to vector<16xf32>
    %swap3A_82 = vector.shape_cast %broadcast_in_dim3A_78 : vector<16xf32> to vector<16xf32>
    tpu.vector_store %arg7[%swap3A_79], %swap3A_82 {strides = array<i32>} : memref<640xf32, #tpu.memory_space<vmem>>, vector<16xf32>,
    %broadcast_in_dim3A_83 = arith.constant 0.000000e+00 : f32
    %broadcast_in_dim3A_84 = vector.broadcast %broadcast_in_dim3A_83 : f32 to vector<16xf32>
    %swap3A_85 = arith.constant 96 : index
    %swap3A_86 = tpu.vector_load %arg7[%swap3A_85] {strides = array<i32>} : memref<640xf32, #tpu.memory_space<vmem>>, vector<16xf32>,
    %swap3A_87 = vector.shape_cast %swap3A_86 : vector<16xf32> to vector<16xf32>
    %swap3A_88 = vector.shape_cast %broadcast_in_dim3A_84 : vector<16xf32> to vector<16xf32>
    tpu.vector_store %arg7[%swap3A_85], %swap3A_88 {strides = array<i32>} : memref<640xf32, #tpu.memory_space<vmem>>, vector<16xf32>,
    %broadcast_in_dim3A_89 = arith.constant 0.000000e+00 : f32
    %broadcast_in_dim3A_90 = vector.broadcast %broadcast_in_dim3A_89 : f32 to vector<16xf32>
    %swap3A_91 = arith.constant 112 : index
    %swap3A_92 = tpu.vector_load %arg7[%swap3A_91] {strides = array<i32>} : memref<640xf32, #tpu.memory_space<vmem>>, vector<16xf32>,
    %swap3A_93 = vector.shape_cast %swap3A_92 : vector<16xf32> to vector<16xf32>
    %swap3A_94 = vector.shape_cast %broadcast_in_dim3A_90 : vector<16xf32> to vector<16xf32>
    tpu.vector_store %arg7[%swap3A_91], %swap3A_94 {strides = array<i32>} : memref<640xf32, #tpu.memory_space<vmem>>, vector<16xf32>,
    %broadcast_in_dim3A_95 = arith.constant 0.000000e+00 : f32
    %broadcast_in_dim3A_96 = vector.broadcast %broadcast_in_dim3A_95 : f32 to vector<16xf32>
    %swap3A_97 = arith.constant 128 : index
    %swap3A_98 = tpu.vector_load %arg7[%swap3A_97] {strides = array<i32>} : memref<640xf32, #tpu.memory_space<vmem>>, vector<16xf32>,
    %swap3A_99 = vector.shape_cast %swap3A_98 : vector<16xf32> to vector<16xf32>
    %swap3A_100 = vector.shape_cast %broadcast_in_dim3A_96 : vector<16xf32> to vector<16xf32>
    tpu.vector_store %arg7[%swap3A_97], %swap3A_100 {strides = array<i32>} : memref<640xf32, #tpu.memory_space<vmem>>, vector<16xf32>,
    %broadcast_in_dim3A_101 = arith.constant 0.000000e+00 : f32
    %broadcast_in_dim3A_102 = vector.broadcast %broadcast_in_dim3A_101 : f32 to vector<16xf32>
    %swap3A_103 = arith.constant 144 : index
    %swap3A_104 = tpu.vector_load %arg7[%swap3A_103] {strides = array<i32>} : memref<640xf32, #tpu.memory_space<vmem>>, vector<16xf32>,
    %swap3A_105 = vector.shape_cast %swap3A_104 : vector<16xf32> to vector<16xf32>
    %swap3A_106 = vector.shape_cast %broadcast_in_dim3A_102 : vector<16xf32> to vector<16xf32>
    tpu.vector_store %arg7[%swap3A_103], %swap3A_106 {strides = array<i32>} : memref<640xf32, #tpu.memory_space<vmem>>, vector<16xf32>,
    %broadcast_in_dim3A_107 = arith.constant 0.000000e+00 : f32
    %broadcast_in_dim3A_108 = vector.broadcast %broadcast_in_dim3A_107 : f32 to vector<16xf32>
    %swap3A_109 = arith.constant 160 : index
    %swap3A_110 = tpu.vector_load %arg7[%swap3A_109] {strides = array<i32>} : memref<640xf32, #tpu.memory_space<vmem>>, vector<16xf32>,
    %swap3A_111 = vector.shape_cast %swap3A_110 : vector<16xf32> to vector<16xf32>
    %swap3A_112 = vector.shape_cast %broadcast_in_dim3A_108 : vector<16xf32> to vector<16xf32>
    tpu.vector_store %arg7[%swap3A_109], %swap3A_112 {strides = array<i32>} : memref<640xf32, #tpu.memory_space<vmem>>, vector<16xf32>,
    %broadcast_in_dim3A_113 = arith.constant 0.000000e+00 : f32
    %broadcast_in_dim3A_114 = vector.broadcast %broadcast_in_dim3A_113 : f32 to vector<16xf32>
    %swap3A_115 = arith.constant 176 : index
    %swap3A_116 = tpu.vector_load %arg7[%swap3A_115] {strides = array<i32>} : memref<640xf32, #tpu.memory_space<vmem>>, vector<16xf32>,
    %swap3A_117 = vector.shape_cast %swap3A_116 : vector<16xf32> to vector<16xf32>
    %swap3A_118 = vector.shape_cast %broadcast_in_dim3A_114 : vector<16xf32> to vector<16xf32>
    tpu.vector_store %arg7[%swap3A_115], %swap3A_118 {strides = array<i32>} : memref<640xf32, #tpu.memory_space<vmem>>, vector<16xf32>,
    %broadcast_in_dim3A_119 = arith.constant 0.000000e+00 : f32
    %broadcast_in_dim3A_120 = vector.broadcast %broadcast_in_dim3A_119 : f32 to vector<16xf32>
    %swap3A_121 = arith.constant 192 : index
    %swap3A_122 = tpu.vector_load %arg7[%swap3A_121] {strides = array<i32>} : memref<640xf32, #tpu.memory_space<vmem>>, vector<16xf32>,
    %swap3A_123 = vector.shape_cast %swap3A_122 : vector<16xf32> to vector<16xf32>
    %swap3A_124 = vector.shape_cast %broadcast_in_dim3A_120 : vector<16xf32> to vector<16xf32>
    tpu.vector_store %arg7[%swap3A_121], %swap3A_124 {strides = array<i32>} : memref<640xf32, #tpu.memory_space<vmem>>, vector<16xf32>,
    %broadcast_in_dim3A_125 = arith.constant 0.000000e+00 : f32
    %broadcast_in_dim3A_126 = vector.broadcast %broadcast_in_dim3A_125 : f32 to vector<16xf32>
    %swap3A_127 = arith.constant 208 : index
    %swap3A_128 = tpu.vector_load %arg7[%swap3A_127] {strides = array<i32>} : memref<640xf32, #tpu.memory_space<vmem>>, vector<16xf32>,
    %swap3A_129 = vector.shape_cast %swap3A_128 : vector<16xf32> to vector<16xf32>
    %swap3A_130 = vector.shape_cast %broadcast_in_dim3A_126 : vector<16xf32> to vector<16xf32>
    tpu.vector_store %arg7[%swap3A_127], %swap3A_130 {strides = array<i32>} : memref<640xf32, #tpu.memory_space<vmem>>, vector<16xf32>,
    %broadcast_in_dim3A_131 = arith.constant 0.000000e+00 : f32
    %broadcast_in_dim3A_132 = vector.broadcast %broadcast_in_dim3A_131 : f32 to vector<16xf32>
    %swap3A_133 = arith.constant 224 : index
    %swap3A_134 = tpu.vector_load %arg7[%swap3A_133] {strides = array<i32>} : memref<640xf32, #tpu.memory_space<vmem>>, vector<16xf32>,
    %swap3A_135 = vector.shape_cast %swap3A_134 : vector<16xf32> to vector<16xf32>
    %swap3A_136 = vector.shape_cast %broadcast_in_dim3A_132 : vector<16xf32> to vector<16xf32>
    tpu.vector_store %arg7[%swap3A_133], %swap3A_136 {strides = array<i32>} : memref<640xf32, #tpu.memory_space<vmem>>, vector<16xf32>,
    %broadcast_in_dim3A_137 = arith.constant 0.000000e+00 : f32
    %broadcast_in_dim3A_138 = vector.broadcast %broadcast_in_dim3A_137 : f32 to vector<16xf32>
    %swap3A_139 = arith.constant 240 : index
    %swap3A_140 = tpu.vector_load %arg7[%swap3A_139] {strides = array<i32>} : memref<640xf32, #tpu.memory_space<vmem>>, vector<16xf32>,
    %swap3A_141 = vector.shape_cast %swap3A_140 : vector<16xf32> to vector<16xf32>
    %swap3A_142 = vector.shape_cast %broadcast_in_dim3A_138 : vector<16xf32> to vector<16xf32>
    tpu.vector_store %arg7[%swap3A_139], %swap3A_142 {strides = array<i32>} : memref<640xf32, #tpu.memory_space<vmem>>, vector<16xf32>,
    %broadcast_in_dim3A_143 = arith.constant 0.000000e+00 : f32
    %broadcast_in_dim3A_144 = vector.broadcast %broadcast_in_dim3A_143 : f32 to vector<16xf32>
    %swap3A_145 = arith.constant 256 : index
    %swap3A_146 = tpu.vector_load %arg7[%swap3A_145] {strides = array<i32>} : memref<640xf32, #tpu.memory_space<vmem>>, vector<16xf32>,
    %swap3A_147 = vector.shape_cast %swap3A_146 : vector<16xf32> to vector<16xf32>
    %swap3A_148 = vector.shape_cast %broadcast_in_dim3A_144 : vector<16xf32> to vector<16xf32>
    tpu.vector_store %arg7[%swap3A_145], %swap3A_148 {strides = array<i32>} : memref<640xf32, #tpu.memory_space<vmem>>, vector<16xf32>,
    %broadcast_in_dim3A_149 = arith.constant 0.000000e+00 : f32
    %broadcast_in_dim3A_150 = vector.broadcast %broadcast_in_dim3A_149 : f32 to vector<16xf32>
    %swap3A_151 = arith.constant 272 : index
    %swap3A_152 = tpu.vector_load %arg7[%swap3A_151] {strides = array<i32>} : memref<640xf32, #tpu.memory_space<vmem>>, vector<16xf32>,
    %swap3A_153 = vector.shape_cast %swap3A_152 : vector<16xf32> to vector<16xf32>
    %swap3A_154 = vector.shape_cast %broadcast_in_dim3A_150 : vector<16xf32> to vector<16xf32>
    tpu.vector_store %arg7[%swap3A_151], %swap3A_154 {strides = array<i32>} : memref<640xf32, #tpu.memory_space<vmem>>, vector<16xf32>,
    %broadcast_in_dim3A_155 = arith.constant 0.000000e+00 : f32
    %broadcast_in_dim3A_156 = vector.broadcast %broadcast_in_dim3A_155 : f32 to vector<16xf32>
    %swap3A_157 = arith.constant 288 : index
    %swap3A_158 = tpu.vector_load %arg7[%swap3A_157] {strides = array<i32>} : memref<640xf32, #tpu.memory_space<vmem>>, vector<16xf32>,
    %swap3A_159 = vector.shape_cast %swap3A_158 : vector<16xf32> to vector<16xf32>
    %swap3A_160 = vector.shape_cast %broadcast_in_dim3A_156 : vector<16xf32> to vector<16xf32>
    tpu.vector_store %arg7[%swap3A_157], %swap3A_160 {strides = array<i32>} : memref<640xf32, #tpu.memory_space<vmem>>, vector<16xf32>,
    %broadcast_in_dim3A_161 = arith.constant 0.000000e+00 : f32
    %broadcast_in_dim3A_162 = vector.broadcast %broadcast_in_dim3A_161 : f32 to vector<16xf32>
    %swap3A_163 = arith.constant 304 : index
    %swap3A_164 = tpu.vector_load %arg7[%swap3A_163] {strides = array<i32>} : memref<640xf32, #tpu.memory_space<vmem>>, vector<16xf32>,
    %swap3A_165 = vector.shape_cast %swap3A_164 : vector<16xf32> to vector<16xf32>
    %swap3A_166 = vector.shape_cast %broadcast_in_dim3A_162 : vector<16xf32> to vector<16xf32>
    tpu.vector_store %arg7[%swap3A_163], %swap3A_166 {strides = array<i32>} : memref<640xf32, #tpu.memory_space<vmem>>, vector<16xf32>,
    %broadcast_in_dim3A_167 = arith.constant 0.000000e+00 : f32
    %broadcast_in_dim3A_168 = vector.broadcast %broadcast_in_dim3A_167 : f32 to vector<16xf32>
    %swap3A_169 = arith.constant 320 : index
    %swap3A_170 = tpu.vector_load %arg7[%swap3A_169] {strides = array<i32>} : memref<640xf32, #tpu.memory_space<vmem>>, vector<16xf32>,
    %swap3A_171 = vector.shape_cast %swap3A_170 : vector<16xf32> to vector<16xf32>
    %swap3A_172 = vector.shape_cast %broadcast_in_dim3A_168 : vector<16xf32> to vector<16xf32>
    tpu.vector_store %arg7[%swap3A_169], %swap3A_172 {strides = array<i32>} : memref<640xf32, #tpu.memory_space<vmem>>, vector<16xf32>,
    %broadcast_in_dim3A_173 = arith.constant 0.000000e+00 : f32
    %broadcast_in_dim3A_174 = vector.broadcast %broadcast_in_dim3A_173 : f32 to vector<16xf32>
    %swap3A_175 = arith.constant 336 : index
    %swap3A_176 = tpu.vector_load %arg7[%swap3A_175] {strides = array<i32>} : memref<640xf32, #tpu.memory_space<vmem>>, vector<16xf32>,
    %swap3A_177 = vector.shape_cast %swap3A_176 : vector<16xf32> to vector<16xf32>
    %swap3A_178 = vector.shape_cast %broadcast_in_dim3A_174 : vector<16xf32> to vector<16xf32>
    tpu.vector_store %arg7[%swap3A_175], %swap3A_178 {strides = array<i32>} : memref<640xf32, #tpu.memory_space<vmem>>, vector<16xf32>,
    %broadcast_in_dim3A_179 = arith.constant 0.000000e+00 : f32
    %broadcast_in_dim3A_180 = vector.broadcast %broadcast_in_dim3A_179 : f32 to vector<16xf32>
    %swap3A_181 = arith.constant 352 : index
    %swap3A_182 = tpu.vector_load %arg7[%swap3A_181] {strides = array<i32>} : memref<640xf32, #tpu.memory_space<vmem>>, vector<16xf32>,
    %swap3A_183 = vector.shape_cast %swap3A_182 : vector<16xf32> to vector<16xf32>
    %swap3A_184 = vector.shape_cast %broadcast_in_dim3A_180 : vector<16xf32> to vector<16xf32>
    tpu.vector_store %arg7[%swap3A_181], %swap3A_184 {strides = array<i32>} : memref<640xf32, #tpu.memory_space<vmem>>, vector<16xf32>,
    %broadcast_in_dim3A_185 = arith.constant 0.000000e+00 : f32
    %broadcast_in_dim3A_186 = vector.broadcast %broadcast_in_dim3A_185 : f32 to vector<16xf32>
    %swap3A_187 = arith.constant 368 : index
    %swap3A_188 = tpu.vector_load %arg7[%swap3A_187] {strides = array<i32>} : memref<640xf32, #tpu.memory_space<vmem>>, vector<16xf32>,
    %swap3A_189 = vector.shape_cast %swap3A_188 : vector<16xf32> to vector<16xf32>
    %swap3A_190 = vector.shape_cast %broadcast_in_dim3A_186 : vector<16xf32> to vector<16xf32>
    tpu.vector_store %arg7[%swap3A_187], %swap3A_190 {strides = array<i32>} : memref<640xf32, #tpu.memory_space<vmem>>, vector<16xf32>,
    %broadcast_in_dim3A_191 = arith.constant 0.000000e+00 : f32
    %broadcast_in_dim3A_192 = vector.broadcast %broadcast_in_dim3A_191 : f32 to vector<16xf32>
    %swap3A_193 = arith.constant 384 : index
    %swap3A_194 = tpu.vector_load %arg7[%swap3A_193] {strides = array<i32>} : memref<640xf32, #tpu.memory_space<vmem>>, vector<16xf32>,
    %swap3A_195 = vector.shape_cast %swap3A_194 : vector<16xf32> to vector<16xf32>
    %swap3A_196 = vector.shape_cast %broadcast_in_dim3A_192 : vector<16xf32> to vector<16xf32>
    tpu.vector_store %arg7[%swap3A_193], %swap3A_196 {strides = array<i32>} : memref<640xf32, #tpu.memory_space<vmem>>, vector<16xf32>,
    %broadcast_in_dim3A_197 = arith.constant 0.000000e+00 : f32
    %broadcast_in_dim3A_198 = vector.broadcast %broadcast_in_dim3A_197 : f32 to vector<16xf32>
    %swap3A_199 = arith.constant 400 : index
    %swap3A_200 = tpu.vector_load %arg7[%swap3A_199] {strides = array<i32>} : memref<640xf32, #tpu.memory_space<vmem>>, vector<16xf32>,
    %swap3A_201 = vector.shape_cast %swap3A_200 : vector<16xf32> to vector<16xf32>
    %swap3A_202 = vector.shape_cast %broadcast_in_dim3A_198 : vector<16xf32> to vector<16xf32>
    tpu.vector_store %arg7[%swap3A_199], %swap3A_202 {strides = array<i32>} : memref<640xf32, #tpu.memory_space<vmem>>, vector<16xf32>,
    %broadcast_in_dim3A_203 = arith.constant 0.000000e+00 : f32
    %broadcast_in_dim3A_204 = vector.broadcast %broadcast_in_dim3A_203 : f32 to vector<16xf32>
    %swap3A_205 = arith.constant 416 : index
    %swap3A_206 = tpu.vector_load %arg7[%swap3A_205] {strides = array<i32>} : memref<640xf32, #tpu.memory_space<vmem>>, vector<16xf32>,
    %swap3A_207 = vector.shape_cast %swap3A_206 : vector<16xf32> to vector<16xf32>
    %swap3A_208 = vector.shape_cast %broadcast_in_dim3A_204 : vector<16xf32> to vector<16xf32>
    tpu.vector_store %arg7[%swap3A_205], %swap3A_208 {strides = array<i32>} : memref<640xf32, #tpu.memory_space<vmem>>, vector<16xf32>,
    %broadcast_in_dim3A_209 = arith.constant 0.000000e+00 : f32
    %broadcast_in_dim3A_210 = vector.broadcast %broadcast_in_dim3A_209 : f32 to vector<16xf32>
    %swap3A_211 = arith.constant 432 : index
    %swap3A_212 = tpu.vector_load %arg7[%swap3A_211] {strides = array<i32>} : memref<640xf32, #tpu.memory_space<vmem>>, vector<16xf32>,
    %swap3A_213 = vector.shape_cast %swap3A_212 : vector<16xf32> to vector<16xf32>
    %swap3A_214 = vector.shape_cast %broadcast_in_dim3A_210 : vector<16xf32> to vector<16xf32>
    tpu.vector_store %arg7[%swap3A_211], %swap3A_214 {strides = array<i32>} : memref<640xf32, #tpu.memory_space<vmem>>, vector<16xf32>,
    %broadcast_in_dim3A_215 = arith.constant 0.000000e+00 : f32
    %broadcast_in_dim3A_216 = vector.broadcast %broadcast_in_dim3A_215 : f32 to vector<16xf32>
    %swap3A_217 = arith.constant 448 : index
    %swap3A_218 = tpu.vector_load %arg7[%swap3A_217] {strides = array<i32>} : memref<640xf32, #tpu.memory_space<vmem>>, vector<16xf32>,
    %swap3A_219 = vector.shape_cast %swap3A_218 : vector<16xf32> to vector<16xf32>
    %swap3A_220 = vector.shape_cast %broadcast_in_dim3A_216 : vector<16xf32> to vector<16xf32>
    tpu.vector_store %arg7[%swap3A_217], %swap3A_220 {strides = array<i32>} : memref<640xf32, #tpu.memory_space<vmem>>, vector<16xf32>,
    %broadcast_in_dim3A_221 = arith.constant 0.000000e+00 : f32
    %broadcast_in_dim3A_222 = vector.broadcast %broadcast_in_dim3A_221 : f32 to vector<16xf32>
    %swap3A_223 = arith.constant 464 : index
    %swap3A_224 = tpu.vector_load %arg7[%swap3A_223] {strides = array<i32>} : memref<640xf32, #tpu.memory_space<vmem>>, vector<16xf32>,
    %swap3A_225 = vector.shape_cast %swap3A_224 : vector<16xf32> to vector<16xf32>
    %swap3A_226 = vector.shape_cast %broadcast_in_dim3A_222 : vector<16xf32> to vector<16xf32>
    tpu.vector_store %arg7[%swap3A_223], %swap3A_226 {strides = array<i32>} : memref<640xf32, #tpu.memory_space<vmem>>, vector<16xf32>,
    %broadcast_in_dim3A_227 = arith.constant 0.000000e+00 : f32
    %broadcast_in_dim3A_228 = vector.broadcast %broadcast_in_dim3A_227 : f32 to vector<16xf32>
    %swap3A_229 = arith.constant 480 : index
    %swap3A_230 = tpu.vector_load %arg7[%swap3A_229] {strides = array<i32>} : memref<640xf32, #tpu.memory_space<vmem>>, vector<16xf32>,
    %swap3A_231 = vector.shape_cast %swap3A_230 : vector<16xf32> to vector<16xf32>
    %swap3A_232 = vector.shape_cast %broadcast_in_dim3A_228 : vector<16xf32> to vector<16xf32>
    tpu.vector_store %arg7[%swap3A_229], %swap3A_232 {strides = array<i32>} : memref<640xf32, #tpu.memory_space<vmem>>, vector<16xf32>,
    %broadcast_in_dim3A_233 = arith.constant 0.000000e+00 : f32
    %broadcast_in_dim3A_234 = vector.broadcast %broadcast_in_dim3A_233 : f32 to vector<16xf32>
    %swap3A_235 = arith.constant 496 : index
    %swap3A_236 = tpu.vector_load %arg7[%swap3A_235] {strides = array<i32>} : memref<640xf32, #tpu.memory_space<vmem>>, vector<16xf32>,
    %swap3A_237 = vector.shape_cast %swap3A_236 : vector<16xf32> to vector<16xf32>
    %swap3A_238 = vector.shape_cast %broadcast_in_dim3A_234 : vector<16xf32> to vector<16xf32>
    tpu.vector_store %arg7[%swap3A_235], %swap3A_238 {strides = array<i32>} : memref<640xf32, #tpu.memory_space<vmem>>, vector<16xf32>,
    %broadcast_in_dim3A_239 = arith.constant 0.000000e+00 : f32
    %broadcast_in_dim3A_240 = vector.broadcast %broadcast_in_dim3A_239 : f32 to vector<16xf32>
    %swap3A_241 = arith.constant 512 : index
    %swap3A_242 = tpu.vector_load %arg7[%swap3A_241] {strides = array<i32>} : memref<640xf32, #tpu.memory_space<vmem>>, vector<16xf32>,
    %swap3A_243 = vector.shape_cast %swap3A_242 : vector<16xf32> to vector<16xf32>
    %swap3A_244 = vector.shape_cast %broadcast_in_dim3A_240 : vector<16xf32> to vector<16xf32>
    tpu.vector_store %arg7[%swap3A_241], %swap3A_244 {strides = array<i32>} : memref<640xf32, #tpu.memory_space<vmem>>, vector<16xf32>,
    %broadcast_in_dim3A_245 = arith.constant 0.000000e+00 : f32
    %broadcast_in_dim3A_246 = vector.broadcast %broadcast_in_dim3A_245 : f32 to vector<16xf32>
    %swap3A_247 = arith.constant 528 : index
    %swap3A_248 = tpu.vector_load %arg7[%swap3A_247] {strides = array<i32>} : memref<640xf32, #tpu.memory_space<vmem>>, vector<16xf32>,
    %swap3A_249 = vector.shape_cast %swap3A_248 : vector<16xf32> to vector<16xf32>
    %swap3A_250 = vector.shape_cast %broadcast_in_dim3A_246 : vector<16xf32> to vector<16xf32>
    tpu.vector_store %arg7[%swap3A_247], %swap3A_250 {strides = array<i32>} : memref<640xf32, #tpu.memory_space<vmem>>, vector<16xf32>,
    %broadcast_in_dim3A_251 = arith.constant 0.000000e+00 : f32
    %broadcast_in_dim3A_252 = vector.broadcast %broadcast_in_dim3A_251 : f32 to vector<16xf32>
    %swap3A_253 = arith.constant 544 : index
    %swap3A_254 = tpu.vector_load %arg7[%swap3A_253] {strides = array<i32>} : memref<640xf32, #tpu.memory_space<vmem>>, vector<16xf32>,
    %swap3A_255 = vector.shape_cast %swap3A_254 : vector<16xf32> to vector<16xf32>
    %swap3A_256 = vector.shape_cast %broadcast_in_dim3A_252 : vector<16xf32> to vector<16xf32>
    tpu.vector_store %arg7[%swap3A_253], %swap3A_256 {strides = array<i32>} : memref<640xf32, #tpu.memory_space<vmem>>, vector<16xf32>,
    %broadcast_in_dim3A_257 = arith.constant 0.000000e+00 : f32
    %broadcast_in_dim3A_258 = vector.broadcast %broadcast_in_dim3A_257 : f32 to vector<16xf32>
    %swap3A_259 = arith.constant 560 : index
    %swap3A_260 = tpu.vector_load %arg7[%swap3A_259] {strides = array<i32>} : memref<640xf32, #tpu.memory_space<vmem>>, vector<16xf32>,
    %swap3A_261 = vector.shape_cast %swap3A_260 : vector<16xf32> to vector<16xf32>
    %swap3A_262 = vector.shape_cast %broadcast_in_dim3A_258 : vector<16xf32> to vector<16xf32>
    tpu.vector_store %arg7[%swap3A_259], %swap3A_262 {strides = array<i32>} : memref<640xf32, #tpu.memory_space<vmem>>, vector<16xf32>,
    %broadcast_in_dim3A_263 = arith.constant 0.000000e+00 : f32
    %broadcast_in_dim3A_264 = vector.broadcast %broadcast_in_dim3A_263 : f32 to vector<16xf32>
    %swap3A_265 = arith.constant 576 : index
    %swap3A_266 = tpu.vector_load %arg7[%swap3A_265] {strides = array<i32>} : memref<640xf32, #tpu.memory_space<vmem>>, vector<16xf32>,
    %swap3A_267 = vector.shape_cast %swap3A_266 : vector<16xf32> to vector<16xf32>
    %swap3A_268 = vector.shape_cast %broadcast_in_dim3A_264 : vector<16xf32> to vector<16xf32>
    tpu.vector_store %arg7[%swap3A_265], %swap3A_268 {strides = array<i32>} : memref<640xf32, #tpu.memory_space<vmem>>, vector<16xf32>,
    %broadcast_in_dim3A_269 = arith.constant 0.000000e+00 : f32
    %broadcast_in_dim3A_270 = vector.broadcast %broadcast_in_dim3A_269 : f32 to vector<16xf32>
    %swap3A_271 = arith.constant 592 : index
    %swap3A_272 = tpu.vector_load %arg7[%swap3A_271] {strides = array<i32>} : memref<640xf32, #tpu.memory_space<vmem>>, vector<16xf32>,
    %swap3A_273 = vector.shape_cast %swap3A_272 : vector<16xf32> to vector<16xf32>
    %swap3A_274 = vector.shape_cast %broadcast_in_dim3A_270 : vector<16xf32> to vector<16xf32>
    tpu.vector_store %arg7[%swap3A_271], %swap3A_274 {strides = array<i32>} : memref<640xf32, #tpu.memory_space<vmem>>, vector<16xf32>,
    %broadcast_in_dim3A_275 = arith.constant 0.000000e+00 : f32
    %broadcast_in_dim3A_276 = vector.broadcast %broadcast_in_dim3A_275 : f32 to vector<16xf32>
    %swap3A_277 = arith.constant 608 : index
    %swap3A_278 = tpu.vector_load %arg7[%swap3A_277] {strides = array<i32>} : memref<640xf32, #tpu.memory_space<vmem>>, vector<16xf32>,
    %swap3A_279 = vector.shape_cast %swap3A_278 : vector<16xf32> to vector<16xf32>
    %swap3A_280 = vector.shape_cast %broadcast_in_dim3A_276 : vector<16xf32> to vector<16xf32>
    tpu.vector_store %arg7[%swap3A_277], %swap3A_280 {strides = array<i32>} : memref<640xf32, #tpu.memory_space<vmem>>, vector<16xf32>,
    %broadcast_in_dim3A_281 = arith.constant 0.000000e+00 : f32
    %broadcast_in_dim3A_282 = vector.broadcast %broadcast_in_dim3A_281 : f32 to vector<16xf32>
    %swap3A_283 = arith.constant 624 : index
    %swap3A_284 = tpu.vector_load %arg7[%swap3A_283] {strides = array<i32>} : memref<640xf32, #tpu.memory_space<vmem>>, vector<16xf32>,
    %swap3A_285 = vector.shape_cast %swap3A_284 : vector<16xf32> to vector<16xf32>
    %swap3A_286 = vector.shape_cast %broadcast_in_dim3A_282 : vector<16xf32> to vector<16xf32>
    tpu.vector_store %arg7[%swap3A_283], %swap3A_286 {strides = array<i32>} : memref<640xf32, #tpu.memory_space<vmem>>, vector<16xf32>,
    %mul3A_287 = arith.constant 640 : i32
    %mul3A_288 = arith.muli %arg1, %mul3A_287 : i32
    "tpu.region"() ({
      %run_scoped3A = tpu.sem_alloc : memref<!tpu.dma_semaphore, #tpu.memory_space<semaphore_mem>>
      %dma_start3A = tpu.memref_slice %arg4[%mul3A_288] : memref<10240xf32, #tpu.memory_space<vmem_shared>> -> memref<640xf32, #tpu.memory_space<vmem_shared>>
      %dma_start3A_307 = tpu.memref_slice %arg4[%mul3A_288] : memref<10240xf32, #tpu.memory_space<vmem_shared>> -> memref<640xf32, #tpu.memory_space<vmem_shared>>
      tpu.enqueue_dma source(%arg7 : memref<640xf32, #tpu.memory_space<vmem>>) target(%dma_start3A_307 : memref<640xf32, #tpu.memory_space<vmem_shared>>) target_semaphore(%run_scoped3A : memref<!tpu.dma_semaphore, #tpu.memory_space<semaphore_mem>>)
      %dma_wait3A = tpu.memref_slice %arg4[%mul3A_288] : memref<10240xf32, #tpu.memory_space<vmem_shared>> -> memref<640xf32, #tpu.memory_space<vmem_shared>>
      %dma_wait3A_308 = tpu.memref_slice %arg4[%mul3A_288] : memref<10240xf32, #tpu.memory_space<vmem_shared>> -> memref<640xf32, #tpu.memory_space<vmem_shared>>
      tpu.wait_dma2 semaphore(%run_scoped3A : memref<!tpu.dma_semaphore, #tpu.memory_space<semaphore_mem>>) src(%arg7 : memref<640xf32, #tpu.memory_space<vmem>>) dst(%dma_wait3A_308 : memref<640xf32, #tpu.memory_space<vmem_shared>>)
      tpu.yield
    }) : () -> ()
    %mul3A_289 = arith.constant 80 : i32
    %mul3A_290 = arith.muli %add3A, %mul3A_289 : i32
    "tpu.region"() ({
      %run_scoped3A = tpu.sem_alloc : memref<!tpu.dma_semaphore, #tpu.memory_space<semaphore_mem>>
      %dma_start3A = arith.constant 0 : i32
      %dma_start3A_307 = tpu.memref_slice %arg2[%mul3A_290, %dma_start3A] : memref<2560x128xi32, #tpu.memory_space<hbm>> -> memref<80x128xi32, #tpu.memory_space<hbm>>
      %dma_start3A_308 = arith.constant 0 : i32
      %dma_start3A_309 = tpu.memref_slice %arg2[%mul3A_290, %dma_start3A_308] : memref<2560x128xi32, #tpu.memory_space<hbm>> -> memref<80x128xi32, #tpu.memory_space<hbm>>
      tpu.enqueue_dma source(%dma_start3A_309 : memref<80x128xi32, #tpu.memory_space<hbm>>) target(%arg5 : memref<80x128xi32, #tpu.memory_space<vmem>>) target_semaphore(%run_scoped3A : memref<!tpu.dma_semaphore, #tpu.memory_space<semaphore_mem>>)
      %dma_wait3A = arith.constant 0 : i32
      %dma_wait3A_310 = tpu.memref_slice %arg2[%mul3A_290, %dma_wait3A] : memref<2560x128xi32, #tpu.memory_space<hbm>> -> memref<80x128xi32, #tpu.memory_space<hbm>>
      %dma_wait3A_311 = arith.constant 0 : i32
      %dma_wait3A_312 = tpu.memref_slice %arg2[%mul3A_290, %dma_wait3A_311] : memref<2560x128xi32, #tpu.memory_space<hbm>> -> memref<80x128xi32, #tpu.memory_space<hbm>>
      tpu.wait_dma2 semaphore(%run_scoped3A : memref<!tpu.dma_semaphore, #tpu.memory_space<semaphore_mem>>) src(%dma_wait3A_312 : memref<80x128xi32, #tpu.memory_space<hbm>>) dst(%arg5 : memref<80x128xi32, #tpu.memory_space<vmem>>)
      tpu.yield
    }) : () -> ()
    %barrier3A = arith.constant 0 : index
    tpu.barrier barrier_id(%barrier3A)
    %scan3A = arith.constant 0 : i32
    %scan3A_291 = arith.constant 0 : i32
    %scan3A_292 = arith.constant 80 : i32
    %scan3A_293 = arith.addi %scan3A_291, %scan3A_292 : i32
    %scan3A_294 = arith.constant 1 : i32
    scf.for %scan3A_307 = %scan3A_291 to %scan3A_293 step %scan3A_294  : i32 {
      %dma_start3A = arith.constant 0 : i32
      %dma_start3A_308 = tpu.memref_slice %arg5[%scan3A_307, %dma_start3A] : memref<80x128xi32, #tpu.memory_space<vmem>> -> memref<1x128xi32, #tpu.memory_space<vmem>>
      %dma_start3A_309 = tpu.memref_squeeze %dma_start3A_308 : memref<1x128xi32, #tpu.memory_space<vmem>> -> memref<128xi32, #tpu.memory_space<vmem>>
      %dma_start3A_310 = arith.constant 0 : i32
      %dma_start3A_311 = tpu.memref_slice %arg4[%dma_start3A_310] : memref<10240xf32, #tpu.memory_space<vmem_shared>> -> memref<10240xf32, #tpu.memory_space<vmem_shared>>
      tpu.enqueue_indirect_dma source(%arg6 : memref<128xf32, #tpu.memory_space<vmem>>) target(%dma_start3A_311 : memref<10240xf32, #tpu.memory_space<vmem_shared>>) offsets(%dma_start3A_309 : memref<128xi32, #tpu.memory_space<vmem>>) semaphore(%arg8 : memref<!tpu.dma_semaphore, #tpu.memory_space<semaphore_mem>>) {add = true}
    }
    %scan3A_295 = arith.constant 80 : i32
    %scan3A_296 = arith.constant 0 : i32
    %scan3A_297 = arith.constant 0 : i32
    %scan3A_298 = arith.constant 80 : i32
    %scan3A_299 = arith.addi %scan3A_297, %scan3A_298 : i32
    %scan3A_300 = arith.constant 1 : i32
    scf.for %scan3A_307 = %scan3A_297 to %scan3A_299 step %scan3A_300  : i32 {
      %dma_wait3A = arith.constant 0 : i32
      %dma_wait3A_308 = arith.constant 0 : i32
      %dma_wait3A_309 = tpu.memref_slice %arg5[%dma_wait3A, %dma_wait3A_308] : memref<80x128xi32, #tpu.memory_space<vmem>> -> memref<1x128xi32, #tpu.memory_space<vmem>>
      %dma_wait3A_310 = tpu.memref_squeeze %dma_wait3A_309 : memref<1x128xi32, #tpu.memory_space<vmem>> -> memref<128xi32, #tpu.memory_space<vmem>>
      %dma_wait3A_311 = arith.constant 0 : i32
      %dma_wait3A_312 = tpu.memref_slice %arg4[%dma_wait3A_311] : memref<10240xf32, #tpu.memory_space<vmem_shared>> -> memref<10240xf32, #tpu.memory_space<vmem_shared>>
      tpu.wait_indirect_dma semaphore(%arg8 : memref<!tpu.dma_semaphore, #tpu.memory_space<semaphore_mem>>) src(%arg6 : memref<128xf32, #tpu.memory_space<vmem>>) dst(%dma_wait3A_312 : memref<10240xf32, #tpu.memory_space<vmem_shared>>)
    }
    %scan3A_301 = arith.constant 80 : i32
    %barrier3A_302 = arith.constant 0 : index
    tpu.barrier barrier_id(%barrier3A_302)
    %mul3A_303 = arith.constant 640 : i32
    %mul3A_304 = arith.muli %arg1, %mul3A_303 : i32
    %mul3A_305 = arith.constant 640 : i32
    %mul3A_306 = arith.muli %arg1, %mul3A_305 : i32
    "tpu.region"() ({
      %run_scoped3A = tpu.sem_alloc : memref<!tpu.dma_semaphore, #tpu.memory_space<semaphore_mem>>
      %dma_start3A = tpu.memref_slice %arg3[%arg0, %mul3A_306] : memref<2x10240xf32, #tpu.memory_space<hbm>> -> memref<1x640xf32, #tpu.memory_space<hbm>>
      %dma_start3A_307 = tpu.memref_squeeze %dma_start3A : memref<1x640xf32, #tpu.memory_space<hbm>> -> memref<640xf32, #tpu.memory_space<hbm>>
      %dma_start3A_308 = tpu.memref_slice %arg4[%mul3A_304] : memref<10240xf32, #tpu.memory_space<vmem_shared>> -> memref<640xf32, #tpu.memory_space<vmem_shared>>
      tpu.enqueue_dma source(%dma_start3A_308 : memref<640xf32, #tpu.memory_space<vmem_shared>>) target(%dma_start3A_307 : memref<640xf32, #tpu.memory_space<hbm>>) target_semaphore(%run_scoped3A : memref<!tpu.dma_semaphore, #tpu.memory_space<semaphore_mem>>)
      %dma_wait3A = tpu.memref_slice %arg3[%arg0, %mul3A_306] : memref<2x10240xf32, #tpu.memory_space<hbm>> -> memref<1x640xf32, #tpu.memory_space<hbm>>
      %dma_wait3A_309 = tpu.memref_squeeze %dma_wait3A : memref<1x640xf32, #tpu.memory_space<hbm>> -> memref<640xf32, #tpu.memory_space<hbm>>
      %dma_wait3A_310 = tpu.memref_slice %arg4[%mul3A_304] : memref<10240xf32, #tpu.memory_space<vmem_shared>> -> memref<640xf32, #tpu.memory_space<vmem_shared>>
      tpu.wait_dma2 semaphore(%run_scoped3A : memref<!tpu.dma_semaphore, #tpu.memory_space<semaphore_mem>>) src(%dma_wait3A_310 : memref<640xf32, #tpu.memory_space<vmem_shared>>) dst(%dma_wait3A_309 : memref<640xf32, #tpu.memory_space<hbm>>)
      tpu.yield
    }) : () -> ()
    return
  }
}

#map = affine_map<(d0, d1) -> (0, 0)>
#map1 = affine_map<(d0, d1) -> (0, 0, 0)>
module attributes {stable_mosaic.version = 14 : i64} {
  func.func @_mp_kernel(%arg0: i32, %arg1: i32, %arg2: memref<10112x128xf32, #tpu.memory_space<hbm>>, %arg3: memref<2560x128xi32, #tpu.memory_space<hbm>>, %arg4: memref<2560x128xi32, #tpu.memory_space<hbm>>, %arg5: memref<2x10112x128xf32, #tpu.memory_space<hbm>>, %arg6: memref<10112x128xf32, #tpu.memory_space<vmem_shared>>, %arg7: memref<80x128xi32, #tpu.memory_space<vmem>>, %arg8: memref<8x128xi32, #tpu.memory_space<vmem>>, %arg9: memref<128x128xf32, #tpu.memory_space<vmem>>, %arg10: memref<128x128xf32, #tpu.memory_space<vmem>>, %arg11: memref<!tpu.dma_semaphore, #tpu.memory_space<semaphore_mem>>, %arg12: memref<!tpu.dma_semaphore, #tpu.memory_space<semaphore_mem>>) attributes {dimension_semantics = [#tpu.dimension_semantics<core_parallel>, #tpu.dimension_semantics<subcore_parallel>], iteration_bounds = array<i64: 2, 16>, scalar_prefetch = 0 : i64, scratch_operands = 7 : i64, tpu.core_type = #tpu.core_type<sc_vector_subcore>, window_params = [{transform_indices = #map}, {transform_indices = #map}, {transform_indices = #map}, {transform_indices = #map1}]} {
    %mul3A = arith.constant 2 : i32
    %mul3A_0 = arith.muli %arg1, %mul3A : i32
    %add3A = arith.addi %mul3A_0, %arg0 : i32
    %mul3A_1 = arith.constant 632 : i32
    %mul3A_2 = arith.muli %arg1, %mul3A_1 : i32
    %mul3A_3 = arith.constant 632 : i32
    %mul3A_4 = arith.muli %arg1, %mul3A_3 : i32
    "tpu.region"() ({
      %run_scoped3A = tpu.sem_alloc : memref<!tpu.dma_semaphore, #tpu.memory_space<semaphore_mem>>
      %dma_start3A = arith.constant 0 : i32
      %dma_start3A_17 = tpu.memref_slice %arg6[%mul3A_4, %dma_start3A] : memref<10112x128xf32, #tpu.memory_space<vmem_shared>> -> memref<632x128xf32, #tpu.memory_space<vmem_shared>>
      %dma_start3A_18 = arith.constant 0 : i32
      %dma_start3A_19 = tpu.memref_slice %arg2[%mul3A_2, %dma_start3A_18] : memref<10112x128xf32, #tpu.memory_space<hbm>> -> memref<632x128xf32, #tpu.memory_space<hbm>>
      tpu.enqueue_dma source(%dma_start3A_19 : memref<632x128xf32, #tpu.memory_space<hbm>>) target(%dma_start3A_17 : memref<632x128xf32, #tpu.memory_space<vmem_shared>>) target_semaphore(%run_scoped3A : memref<!tpu.dma_semaphore, #tpu.memory_space<semaphore_mem>>)
      %dma_wait3A = arith.constant 0 : i32
      %dma_wait3A_20 = tpu.memref_slice %arg6[%mul3A_4, %dma_wait3A] : memref<10112x128xf32, #tpu.memory_space<vmem_shared>> -> memref<632x128xf32, #tpu.memory_space<vmem_shared>>
      %dma_wait3A_21 = arith.constant 0 : i32
      %dma_wait3A_22 = tpu.memref_slice %arg2[%mul3A_2, %dma_wait3A_21] : memref<10112x128xf32, #tpu.memory_space<hbm>> -> memref<632x128xf32, #tpu.memory_space<hbm>>
      tpu.wait_dma2 semaphore(%run_scoped3A : memref<!tpu.dma_semaphore, #tpu.memory_space<semaphore_mem>>) src(%dma_wait3A_22 : memref<632x128xf32, #tpu.memory_space<hbm>>) dst(%dma_wait3A_20 : memref<632x128xf32, #tpu.memory_space<vmem_shared>>)
      tpu.yield
    }) : () -> ()
    %mul3A_5 = arith.constant 80 : i32
    %mul3A_6 = arith.muli %add3A, %mul3A_5 : i32
    "tpu.region"() ({
      %run_scoped3A = tpu.sem_alloc : memref<!tpu.dma_semaphore, #tpu.memory_space<semaphore_mem>>
      %dma_start3A = arith.constant 0 : i32
      %dma_start3A_17 = tpu.memref_slice %arg4[%mul3A_6, %dma_start3A] : memref<2560x128xi32, #tpu.memory_space<hbm>> -> memref<80x128xi32, #tpu.memory_space<hbm>>
      %dma_start3A_18 = arith.constant 0 : i32
      %dma_start3A_19 = tpu.memref_slice %arg4[%mul3A_6, %dma_start3A_18] : memref<2560x128xi32, #tpu.memory_space<hbm>> -> memref<80x128xi32, #tpu.memory_space<hbm>>
      tpu.enqueue_dma source(%dma_start3A_19 : memref<80x128xi32, #tpu.memory_space<hbm>>) target(%arg7 : memref<80x128xi32, #tpu.memory_space<vmem>>) target_semaphore(%run_scoped3A : memref<!tpu.dma_semaphore, #tpu.memory_space<semaphore_mem>>)
      %dma_wait3A = arith.constant 0 : i32
      %dma_wait3A_20 = tpu.memref_slice %arg4[%mul3A_6, %dma_wait3A] : memref<2560x128xi32, #tpu.memory_space<hbm>> -> memref<80x128xi32, #tpu.memory_space<hbm>>
      %dma_wait3A_21 = arith.constant 0 : i32
      %dma_wait3A_22 = tpu.memref_slice %arg4[%mul3A_6, %dma_wait3A_21] : memref<2560x128xi32, #tpu.memory_space<hbm>> -> memref<80x128xi32, #tpu.memory_space<hbm>>
      tpu.wait_dma2 semaphore(%run_scoped3A : memref<!tpu.dma_semaphore, #tpu.memory_space<semaphore_mem>>) src(%dma_wait3A_22 : memref<80x128xi32, #tpu.memory_space<hbm>>) dst(%arg7 : memref<80x128xi32, #tpu.memory_space<vmem>>)
      tpu.yield
    }) : () -> ()
    %barrier3A = arith.constant 0 : index
    tpu.barrier barrier_id(%barrier3A)
    %scan3A = arith.constant 0 : i32
    %scan3A_7 = arith.constant 0 : i32
    %scan3A_8 = arith.constant 10 : i32
    %scan3A_9 = arith.addi %scan3A_7, %scan3A_8 : i32
    %scan3A_10 = arith.constant 1 : i32
    scf.for %scan3A_17 = %scan3A_7 to %scan3A_9 step %scan3A_10  : i32 {
      %mul3A_18 = arith.constant 80 : i32
      %mul3A_19 = arith.muli %add3A, %mul3A_18 : i32
      %mul3A_20 = arith.constant 8 : i32
      %mul3A_21 = arith.muli %mul3A_20, %scan3A_17 : i32
      %add3A_22 = arith.addi %mul3A_19, %mul3A_21 : i32
      "tpu.region"() ({
        %run_scoped3A_164 = tpu.sem_alloc : memref<!tpu.dma_semaphore, #tpu.memory_space<semaphore_mem>>
        %dma_start3A_165 = arith.constant 0 : i32
        %dma_start3A_166 = tpu.memref_slice %arg3[%add3A_22, %dma_start3A_165] : memref<2560x128xi32, #tpu.memory_space<hbm>> -> memref<8x128xi32, #tpu.memory_space<hbm>>
        %dma_start3A_167 = arith.constant 0 : i32
        %dma_start3A_168 = tpu.memref_slice %arg3[%add3A_22, %dma_start3A_167] : memref<2560x128xi32, #tpu.memory_space<hbm>> -> memref<8x128xi32, #tpu.memory_space<hbm>>
        tpu.enqueue_dma source(%dma_start3A_168 : memref<8x128xi32, #tpu.memory_space<hbm>>) target(%arg8 : memref<8x128xi32, #tpu.memory_space<vmem>>) target_semaphore(%run_scoped3A_164 : memref<!tpu.dma_semaphore, #tpu.memory_space<semaphore_mem>>)
        %dma_wait3A_169 = arith.constant 0 : i32
        %dma_wait3A_170 = tpu.memref_slice %arg3[%add3A_22, %dma_wait3A_169] : memref<2560x128xi32, #tpu.memory_space<hbm>> -> memref<8x128xi32, #tpu.memory_space<hbm>>
        %dma_wait3A_171 = arith.constant 0 : i32
        %dma_wait3A_172 = tpu.memref_slice %arg3[%add3A_22, %dma_wait3A_171] : memref<2560x128xi32, #tpu.memory_space<hbm>> -> memref<8x128xi32, #tpu.memory_space<hbm>>
        tpu.wait_dma2 semaphore(%run_scoped3A_164 : memref<!tpu.dma_semaphore, #tpu.memory_space<semaphore_mem>>) src(%dma_wait3A_172 : memref<8x128xi32, #tpu.memory_space<hbm>>) dst(%arg8 : memref<8x128xi32, #tpu.memory_space<vmem>>)
        tpu.yield
      }) : () -> ()
      %mul3A_23 = arith.constant 8 : i32
      %mul3A_24 = arith.muli %mul3A_23, %scan3A_17 : i32
      %add3A_25 = arith.constant 0 : i32
      %add3A_26 = arith.addi %mul3A_24, %add3A_25 : i32
      %dma_start3A = arith.constant 0 : i32
      %dma_start3A_27 = tpu.memref_slice %arg7[%add3A_26, %dma_start3A] : memref<80x128xi32, #tpu.memory_space<vmem>> -> memref<1x128xi32, #tpu.memory_space<vmem>>
      %dma_start3A_28 = tpu.memref_squeeze %dma_start3A_27 : memref<1x128xi32, #tpu.memory_space<vmem>> -> memref<128xi32, #tpu.memory_space<vmem>>
      %dma_start3A_29 = arith.constant 0 : i32
      %dma_start3A_30 = arith.constant 0 : i32
      %dma_start3A_31 = tpu.memref_slice %arg2[%dma_start3A_29, %dma_start3A_30] : memref<10112x128xf32, #tpu.memory_space<hbm>> -> memref<10112x128xf32, #tpu.memory_space<hbm>>
      tpu.enqueue_indirect_dma source(%dma_start3A_31 : memref<10112x128xf32, #tpu.memory_space<hbm>>) target(%arg9 : memref<128x128xf32, #tpu.memory_space<vmem>>) offsets(%dma_start3A_28 : memref<128xi32, #tpu.memory_space<vmem>>) semaphore(%arg11 : memref<!tpu.dma_semaphore, #tpu.memory_space<semaphore_mem>>)
      %mul3A_32 = arith.constant 8 : i32
      %mul3A_33 = arith.muli %mul3A_32, %scan3A_17 : i32
      %add3A_34 = arith.constant 0 : i32
      %add3A_35 = arith.addi %mul3A_33, %add3A_34 : i32
      %add3A_36 = arith.constant 1 : i32
      %add3A_37 = arith.addi %add3A_35, %add3A_36 : i32
      %dma_start3A_38 = arith.constant 0 : i32
      %dma_start3A_39 = tpu.memref_slice %arg7[%add3A_37, %dma_start3A_38] : memref<80x128xi32, #tpu.memory_space<vmem>> -> memref<1x128xi32, #tpu.memory_space<vmem>>
      %dma_start3A_40 = tpu.memref_squeeze %dma_start3A_39 : memref<1x128xi32, #tpu.memory_space<vmem>> -> memref<128xi32, #tpu.memory_space<vmem>>
      %dma_start3A_41 = arith.constant 0 : i32
      %dma_start3A_42 = arith.constant 0 : i32
      %dma_start3A_43 = tpu.memref_slice %arg2[%dma_start3A_41, %dma_start3A_42] : memref<10112x128xf32, #tpu.memory_space<hbm>> -> memref<10112x128xf32, #tpu.memory_space<hbm>>
      tpu.enqueue_indirect_dma source(%dma_start3A_43 : memref<10112x128xf32, #tpu.memory_space<hbm>>) target(%arg10 : memref<128x128xf32, #tpu.memory_space<vmem>>) offsets(%dma_start3A_40 : memref<128xi32, #tpu.memory_space<vmem>>) semaphore(%arg12 : memref<!tpu.dma_semaphore, #tpu.memory_space<semaphore_mem>>)
      %dma_wait3A = arith.constant 0 : i32
      %dma_wait3A_44 = tpu.memref_slice %arg7[%add3A_26, %dma_wait3A] : memref<80x128xi32, #tpu.memory_space<vmem>> -> memref<1x128xi32, #tpu.memory_space<vmem>>
      %dma_wait3A_45 = tpu.memref_squeeze %dma_wait3A_44 : memref<1x128xi32, #tpu.memory_space<vmem>> -> memref<128xi32, #tpu.memory_space<vmem>>
      %dma_wait3A_46 = arith.constant 0 : i32
      %dma_wait3A_47 = arith.constant 0 : i32
      %dma_wait3A_48 = tpu.memref_slice %arg2[%dma_wait3A_46, %dma_wait3A_47] : memref<10112x128xf32, #tpu.memory_space<hbm>> -> memref<10112x128xf32, #tpu.memory_space<hbm>>
      tpu.wait_indirect_dma semaphore(%arg11 : memref<!tpu.dma_semaphore, #tpu.memory_space<semaphore_mem>>) src(%dma_wait3A_48 : memref<10112x128xf32, #tpu.memory_space<hbm>>) dst(%arg9 : memref<128x128xf32, #tpu.memory_space<vmem>>)
      %run_scoped3A = arith.constant 0 : i32
      "tpu.region"() ({
        %run_scoped3A_164 = tpu.sem_alloc : memref<!tpu.dma_semaphore, #tpu.memory_space<semaphore_mem>>
        %dma_start3A_165 = arith.constant 0 : i32
        %dma_start3A_166 = tpu.memref_slice %arg8[%run_scoped3A, %dma_start3A_165] : memref<8x128xi32, #tpu.memory_space<vmem>> -> memref<1x128xi32, #tpu.memory_space<vmem>>
        %dma_start3A_167 = tpu.memref_squeeze %dma_start3A_166 : memref<1x128xi32, #tpu.memory_space<vmem>> -> memref<128xi32, #tpu.memory_space<vmem>>
        %dma_start3A_168 = arith.constant 0 : i32
        %dma_start3A_169 = arith.constant 0 : i32
        %dma_start3A_170 = tpu.memref_slice %arg6[%dma_start3A_168, %dma_start3A_169] : memref<10112x128xf32, #tpu.memory_space<vmem_shared>> -> memref<10112x128xf32, #tpu.memory_space<vmem_shared>>
        tpu.enqueue_indirect_dma source(%arg9 : memref<128x128xf32, #tpu.memory_space<vmem>>) target(%dma_start3A_170 : memref<10112x128xf32, #tpu.memory_space<vmem_shared>>) offsets(%dma_start3A_167 : memref<128xi32, #tpu.memory_space<vmem>>) semaphore(%run_scoped3A_164 : memref<!tpu.dma_semaphore, #tpu.memory_space<semaphore_mem>>) {add = true}
        %dma_wait3A_171 = arith.constant 0 : i32
        %dma_wait3A_172 = tpu.memref_slice %arg8[%run_scoped3A, %dma_wait3A_171] : memref<8x128xi32, #tpu.memory_space<vmem>> -> memref<1x128xi32, #tpu.memory_space<vmem>>
        %dma_wait3A_173 = tpu.memref_squeeze %dma_wait3A_172 : memref<1x128xi32, #tpu.memory_space<vmem>> -> memref<128xi32, #tpu.memory_space<vmem>>
        %dma_wait3A_174 = arith.constant 0 : i32
        %dma_wait3A_175 = arith.constant 0 : i32
        %dma_wait3A_176 = tpu.memref_slice %arg6[%dma_wait3A_174, %dma_wait3A_175] : memref<10112x128xf32, #tpu.memory_space<vmem_shared>> -> memref<10112x128xf32, #tpu.memory_space<vmem_shared>>
        tpu.wait_indirect_dma semaphore(%run_scoped3A_164 : memref<!tpu.dma_semaphore, #tpu.memory_space<semaphore_mem>>) src(%arg9 : memref<128x128xf32, #tpu.memory_space<vmem>>) dst(%dma_wait3A_176 : memref<10112x128xf32, #tpu.memory_space<vmem_shared>>)
        tpu.yield
      }) : () -> ()
      %dma_wait3A_49 = arith.constant 0 : i32
      %dma_wait3A_50 = tpu.memref_slice %arg7[%add3A_37, %dma_wait3A_49] : memref<80x128xi32, #tpu.memory_space<vmem>> -> memref<1x128xi32, #tpu.memory_space<vmem>>
      %dma_wait3A_51 = tpu.memref_squeeze %dma_wait3A_50 : memref<1x128xi32, #tpu.memory_space<vmem>> -> memref<128xi32, #tpu.memory_space<vmem>>
      %dma_wait3A_52 = arith.constant 0 : i32
      %dma_wait3A_53 = arith.constant 0 : i32
      %dma_wait3A_54 = tpu.memref_slice %arg2[%dma_wait3A_52, %dma_wait3A_53] : memref<10112x128xf32, #tpu.memory_space<hbm>> -> memref<10112x128xf32, #tpu.memory_space<hbm>>
      tpu.wait_indirect_dma semaphore(%arg12 : memref<!tpu.dma_semaphore, #tpu.memory_space<semaphore_mem>>) src(%dma_wait3A_54 : memref<10112x128xf32, #tpu.memory_space<hbm>>) dst(%arg10 : memref<128x128xf32, #tpu.memory_space<vmem>>)
      %run_scoped3A_55 = arith.constant 1 : i32
      "tpu.region"() ({
        %run_scoped3A_164 = tpu.sem_alloc : memref<!tpu.dma_semaphore, #tpu.memory_space<semaphore_mem>>
        %dma_start3A_165 = arith.constant 0 : i32
        %dma_start3A_166 = tpu.memref_slice %arg8[%run_scoped3A_55, %dma_start3A_165] : memref<8x128xi32, #tpu.memory_space<vmem>> -> memref<1x128xi32, #tpu.memory_space<vmem>>
        %dma_start3A_167 = tpu.memref_squeeze %dma_start3A_166 : memref<1x128xi32, #tpu.memory_space<vmem>> -> memref<128xi32, #tpu.memory_space<vmem>>
        %dma_start3A_168 = arith.constant 0 : i32
        %dma_start3A_169 = arith.constant 0 : i32
        %dma_start3A_170 = tpu.memref_slice %arg6[%dma_start3A_168, %dma_start3A_169] : memref<10112x128xf32, #tpu.memory_space<vmem_shared>> -> memref<10112x128xf32, #tpu.memory_space<vmem_shared>>
        tpu.enqueue_indirect_dma source(%arg10 : memref<128x128xf32, #tpu.memory_space<vmem>>) target(%dma_start3A_170 : memref<10112x128xf32, #tpu.memory_space<vmem_shared>>) offsets(%dma_start3A_167 : memref<128xi32, #tpu.memory_space<vmem>>) semaphore(%run_scoped3A_164 : memref<!tpu.dma_semaphore, #tpu.memory_space<semaphore_mem>>) {add = true}
        %dma_wait3A_171 = arith.constant 0 : i32
        %dma_wait3A_172 = tpu.memref_slice %arg8[%run_scoped3A_55, %dma_wait3A_171] : memref<8x128xi32, #tpu.memory_space<vmem>> -> memref<1x128xi32, #tpu.memory_space<vmem>>
        %dma_wait3A_173 = tpu.memref_squeeze %dma_wait3A_172 : memref<1x128xi32, #tpu.memory_space<vmem>> -> memref<128xi32, #tpu.memory_space<vmem>>
        %dma_wait3A_174 = arith.constant 0 : i32
        %dma_wait3A_175 = arith.constant 0 : i32
        %dma_wait3A_176 = tpu.memref_slice %arg6[%dma_wait3A_174, %dma_wait3A_175] : memref<10112x128xf32, #tpu.memory_space<vmem_shared>> -> memref<10112x128xf32, #tpu.memory_space<vmem_shared>>
        tpu.wait_indirect_dma semaphore(%run_scoped3A_164 : memref<!tpu.dma_semaphore, #tpu.memory_space<semaphore_mem>>) src(%arg10 : memref<128x128xf32, #tpu.memory_space<vmem>>) dst(%dma_wait3A_176 : memref<10112x128xf32, #tpu.memory_space<vmem_shared>>)
        tpu.yield
      }) : () -> ()
      %mul3A_56 = arith.constant 8 : i32
      %mul3A_57 = arith.muli %mul3A_56, %scan3A_17 : i32
      %add3A_58 = arith.constant 2 : i32
      %add3A_59 = arith.addi %mul3A_57, %add3A_58 : i32
      %dma_start3A_60 = arith.constant 0 : i32
      %dma_start3A_61 = tpu.memref_slice %arg7[%add3A_59, %dma_start3A_60] : memref<80x128xi32, #tpu.memory_space<vmem>> -> memref<1x128xi32, #tpu.memory_space<vmem>>
      %dma_start3A_62 = tpu.memref_squeeze %dma_start3A_61 : memref<1x128xi32, #tpu.memory_space<vmem>> -> memref<128xi32, #tpu.memory_space<vmem>>
      %dma_start3A_63 = arith.constant 0 : i32
      %dma_start3A_64 = arith.constant 0 : i32
      %dma_start3A_65 = tpu.memref_slice %arg2[%dma_start3A_63, %dma_start3A_64] : memref<10112x128xf32, #tpu.memory_space<hbm>> -> memref<10112x128xf32, #tpu.memory_space<hbm>>
      tpu.enqueue_indirect_dma source(%dma_start3A_65 : memref<10112x128xf32, #tpu.memory_space<hbm>>) target(%arg9 : memref<128x128xf32, #tpu.memory_space<vmem>>) offsets(%dma_start3A_62 : memref<128xi32, #tpu.memory_space<vmem>>) semaphore(%arg11 : memref<!tpu.dma_semaphore, #tpu.memory_space<semaphore_mem>>)
      %mul3A_66 = arith.constant 8 : i32
      %mul3A_67 = arith.muli %mul3A_66, %scan3A_17 : i32
      %add3A_68 = arith.constant 2 : i32
      %add3A_69 = arith.addi %mul3A_67, %add3A_68 : i32
      %add3A_70 = arith.constant 1 : i32
      %add3A_71 = arith.addi %add3A_69, %add3A_70 : i32
      %dma_start3A_72 = arith.constant 0 : i32
      %dma_start3A_73 = tpu.memref_slice %arg7[%add3A_71, %dma_start3A_72] : memref<80x128xi32, #tpu.memory_space<vmem>> -> memref<1x128xi32, #tpu.memory_space<vmem>>
      %dma_start3A_74 = tpu.memref_squeeze %dma_start3A_73 : memref<1x128xi32, #tpu.memory_space<vmem>> -> memref<128xi32, #tpu.memory_space<vmem>>
      %dma_start3A_75 = arith.constant 0 : i32
      %dma_start3A_76 = arith.constant 0 : i32
      %dma_start3A_77 = tpu.memref_slice %arg2[%dma_start3A_75, %dma_start3A_76] : memref<10112x128xf32, #tpu.memory_space<hbm>> -> memref<10112x128xf32, #tpu.memory_space<hbm>>
      tpu.enqueue_indirect_dma source(%dma_start3A_77 : memref<10112x128xf32, #tpu.memory_space<hbm>>) target(%arg10 : memref<128x128xf32, #tpu.memory_space<vmem>>) offsets(%dma_start3A_74 : memref<128xi32, #tpu.memory_space<vmem>>) semaphore(%arg12 : memref<!tpu.dma_semaphore, #tpu.memory_space<semaphore_mem>>)
      %dma_wait3A_78 = arith.constant 0 : i32
      %dma_wait3A_79 = tpu.memref_slice %arg7[%add3A_59, %dma_wait3A_78] : memref<80x128xi32, #tpu.memory_space<vmem>> -> memref<1x128xi32, #tpu.memory_space<vmem>>
      %dma_wait3A_80 = tpu.memref_squeeze %dma_wait3A_79 : memref<1x128xi32, #tpu.memory_space<vmem>> -> memref<128xi32, #tpu.memory_space<vmem>>
      %dma_wait3A_81 = arith.constant 0 : i32
      %dma_wait3A_82 = arith.constant 0 : i32
      %dma_wait3A_83 = tpu.memref_slice %arg2[%dma_wait3A_81, %dma_wait3A_82] : memref<10112x128xf32, #tpu.memory_space<hbm>> -> memref<10112x128xf32, #tpu.memory_space<hbm>>
      tpu.wait_indirect_dma semaphore(%arg11 : memref<!tpu.dma_semaphore, #tpu.memory_space<semaphore_mem>>) src(%dma_wait3A_83 : memref<10112x128xf32, #tpu.memory_space<hbm>>) dst(%arg9 : memref<128x128xf32, #tpu.memory_space<vmem>>)
      %run_scoped3A_84 = arith.constant 2 : i32
      "tpu.region"() ({
        %run_scoped3A_164 = tpu.sem_alloc : memref<!tpu.dma_semaphore, #tpu.memory_space<semaphore_mem>>
        %dma_start3A_165 = arith.constant 0 : i32
        %dma_start3A_166 = tpu.memref_slice %arg8[%run_scoped3A_84, %dma_start3A_165] : memref<8x128xi32, #tpu.memory_space<vmem>> -> memref<1x128xi32, #tpu.memory_space<vmem>>
        %dma_start3A_167 = tpu.memref_squeeze %dma_start3A_166 : memref<1x128xi32, #tpu.memory_space<vmem>> -> memref<128xi32, #tpu.memory_space<vmem>>
        %dma_start3A_168 = arith.constant 0 : i32
        %dma_start3A_169 = arith.constant 0 : i32
        %dma_start3A_170 = tpu.memref_slice %arg6[%dma_start3A_168, %dma_start3A_169] : memref<10112x128xf32, #tpu.memory_space<vmem_shared>> -> memref<10112x128xf32, #tpu.memory_space<vmem_shared>>
        tpu.enqueue_indirect_dma source(%arg9 : memref<128x128xf32, #tpu.memory_space<vmem>>) target(%dma_start3A_170 : memref<10112x128xf32, #tpu.memory_space<vmem_shared>>) offsets(%dma_start3A_167 : memref<128xi32, #tpu.memory_space<vmem>>) semaphore(%run_scoped3A_164 : memref<!tpu.dma_semaphore, #tpu.memory_space<semaphore_mem>>) {add = true}
        %dma_wait3A_171 = arith.constant 0 : i32
        %dma_wait3A_172 = tpu.memref_slice %arg8[%run_scoped3A_84, %dma_wait3A_171] : memref<8x128xi32, #tpu.memory_space<vmem>> -> memref<1x128xi32, #tpu.memory_space<vmem>>
        %dma_wait3A_173 = tpu.memref_squeeze %dma_wait3A_172 : memref<1x128xi32, #tpu.memory_space<vmem>> -> memref<128xi32, #tpu.memory_space<vmem>>
        %dma_wait3A_174 = arith.constant 0 : i32
        %dma_wait3A_175 = arith.constant 0 : i32
        %dma_wait3A_176 = tpu.memref_slice %arg6[%dma_wait3A_174, %dma_wait3A_175] : memref<10112x128xf32, #tpu.memory_space<vmem_shared>> -> memref<10112x128xf32, #tpu.memory_space<vmem_shared>>
        tpu.wait_indirect_dma semaphore(%run_scoped3A_164 : memref<!tpu.dma_semaphore, #tpu.memory_space<semaphore_mem>>) src(%arg9 : memref<128x128xf32, #tpu.memory_space<vmem>>) dst(%dma_wait3A_176 : memref<10112x128xf32, #tpu.memory_space<vmem_shared>>)
        tpu.yield
      }) : () -> ()
      %dma_wait3A_85 = arith.constant 0 : i32
      %dma_wait3A_86 = tpu.memref_slice %arg7[%add3A_71, %dma_wait3A_85] : memref<80x128xi32, #tpu.memory_space<vmem>> -> memref<1x128xi32, #tpu.memory_space<vmem>>
      %dma_wait3A_87 = tpu.memref_squeeze %dma_wait3A_86 : memref<1x128xi32, #tpu.memory_space<vmem>> -> memref<128xi32, #tpu.memory_space<vmem>>
      %dma_wait3A_88 = arith.constant 0 : i32
      %dma_wait3A_89 = arith.constant 0 : i32
      %dma_wait3A_90 = tpu.memref_slice %arg2[%dma_wait3A_88, %dma_wait3A_89] : memref<10112x128xf32, #tpu.memory_space<hbm>> -> memref<10112x128xf32, #tpu.memory_space<hbm>>
      tpu.wait_indirect_dma semaphore(%arg12 : memref<!tpu.dma_semaphore, #tpu.memory_space<semaphore_mem>>) src(%dma_wait3A_90 : memref<10112x128xf32, #tpu.memory_space<hbm>>) dst(%arg10 : memref<128x128xf32, #tpu.memory_space<vmem>>)
      %run_scoped3A_91 = arith.constant 3 : i32
      "tpu.region"() ({
        %run_scoped3A_164 = tpu.sem_alloc : memref<!tpu.dma_semaphore, #tpu.memory_space<semaphore_mem>>
        %dma_start3A_165 = arith.constant 0 : i32
        %dma_start3A_166 = tpu.memref_slice %arg8[%run_scoped3A_91, %dma_start3A_165] : memref<8x128xi32, #tpu.memory_space<vmem>> -> memref<1x128xi32, #tpu.memory_space<vmem>>
        %dma_start3A_167 = tpu.memref_squeeze %dma_start3A_166 : memref<1x128xi32, #tpu.memory_space<vmem>> -> memref<128xi32, #tpu.memory_space<vmem>>
        %dma_start3A_168 = arith.constant 0 : i32
        %dma_start3A_169 = arith.constant 0 : i32
        %dma_start3A_170 = tpu.memref_slice %arg6[%dma_start3A_168, %dma_start3A_169] : memref<10112x128xf32, #tpu.memory_space<vmem_shared>> -> memref<10112x128xf32, #tpu.memory_space<vmem_shared>>
        tpu.enqueue_indirect_dma source(%arg10 : memref<128x128xf32, #tpu.memory_space<vmem>>) target(%dma_start3A_170 : memref<10112x128xf32, #tpu.memory_space<vmem_shared>>) offsets(%dma_start3A_167 : memref<128xi32, #tpu.memory_space<vmem>>) semaphore(%run_scoped3A_164 : memref<!tpu.dma_semaphore, #tpu.memory_space<semaphore_mem>>) {add = true}
        %dma_wait3A_171 = arith.constant 0 : i32
        %dma_wait3A_172 = tpu.memref_slice %arg8[%run_scoped3A_91, %dma_wait3A_171] : memref<8x128xi32, #tpu.memory_space<vmem>> -> memref<1x128xi32, #tpu.memory_space<vmem>>
        %dma_wait3A_173 = tpu.memref_squeeze %dma_wait3A_172 : memref<1x128xi32, #tpu.memory_space<vmem>> -> memref<128xi32, #tpu.memory_space<vmem>>
        %dma_wait3A_174 = arith.constant 0 : i32
        %dma_wait3A_175 = arith.constant 0 : i32
        %dma_wait3A_176 = tpu.memref_slice %arg6[%dma_wait3A_174, %dma_wait3A_175] : memref<10112x128xf32, #tpu.memory_space<vmem_shared>> -> memref<10112x128xf32, #tpu.memory_space<vmem_shared>>
        tpu.wait_indirect_dma semaphore(%run_scoped3A_164 : memref<!tpu.dma_semaphore, #tpu.memory_space<semaphore_mem>>) src(%arg10 : memref<128x128xf32, #tpu.memory_space<vmem>>) dst(%dma_wait3A_176 : memref<10112x128xf32, #tpu.memory_space<vmem_shared>>)
        tpu.yield
      }) : () -> ()
      %mul3A_92 = arith.constant 8 : i32
      %mul3A_93 = arith.muli %mul3A_92, %scan3A_17 : i32
      %add3A_94 = arith.constant 4 : i32
      %add3A_95 = arith.addi %mul3A_93, %add3A_94 : i32
      %dma_start3A_96 = arith.constant 0 : i32
      %dma_start3A_97 = tpu.memref_slice %arg7[%add3A_95, %dma_start3A_96] : memref<80x128xi32, #tpu.memory_space<vmem>> -> memref<1x128xi32, #tpu.memory_space<vmem>>
      %dma_start3A_98 = tpu.memref_squeeze %dma_start3A_97 : memref<1x128xi32, #tpu.memory_space<vmem>> -> memref<128xi32, #tpu.memory_space<vmem>>
      %dma_start3A_99 = arith.constant 0 : i32
      %dma_start3A_100 = arith.constant 0 : i32
      %dma_start3A_101 = tpu.memref_slice %arg2[%dma_start3A_99, %dma_start3A_100] : memref<10112x128xf32, #tpu.memory_space<hbm>> -> memref<10112x128xf32, #tpu.memory_space<hbm>>
      tpu.enqueue_indirect_dma source(%dma_start3A_101 : memref<10112x128xf32, #tpu.memory_space<hbm>>) target(%arg9 : memref<128x128xf32, #tpu.memory_space<vmem>>) offsets(%dma_start3A_98 : memref<128xi32, #tpu.memory_space<vmem>>) semaphore(%arg11 : memref<!tpu.dma_semaphore, #tpu.memory_space<semaphore_mem>>)
      %mul3A_102 = arith.constant 8 : i32
      %mul3A_103 = arith.muli %mul3A_102, %scan3A_17 : i32
      %add3A_104 = arith.constant 4 : i32
      %add3A_105 = arith.addi %mul3A_103, %add3A_104 : i32
      %add3A_106 = arith.constant 1 : i32
      %add3A_107 = arith.addi %add3A_105, %add3A_106 : i32
      %dma_start3A_108 = arith.constant 0 : i32
      %dma_start3A_109 = tpu.memref_slice %arg7[%add3A_107, %dma_start3A_108] : memref<80x128xi32, #tpu.memory_space<vmem>> -> memref<1x128xi32, #tpu.memory_space<vmem>>
      %dma_start3A_110 = tpu.memref_squeeze %dma_start3A_109 : memref<1x128xi32, #tpu.memory_space<vmem>> -> memref<128xi32, #tpu.memory_space<vmem>>
      %dma_start3A_111 = arith.constant 0 : i32
      %dma_start3A_112 = arith.constant 0 : i32
      %dma_start3A_113 = tpu.memref_slice %arg2[%dma_start3A_111, %dma_start3A_112] : memref<10112x128xf32, #tpu.memory_space<hbm>> -> memref<10112x128xf32, #tpu.memory_space<hbm>>
      tpu.enqueue_indirect_dma source(%dma_start3A_113 : memref<10112x128xf32, #tpu.memory_space<hbm>>) target(%arg10 : memref<128x128xf32, #tpu.memory_space<vmem>>) offsets(%dma_start3A_110 : memref<128xi32, #tpu.memory_space<vmem>>) semaphore(%arg12 : memref<!tpu.dma_semaphore, #tpu.memory_space<semaphore_mem>>)
      %dma_wait3A_114 = arith.constant 0 : i32
      %dma_wait3A_115 = tpu.memref_slice %arg7[%add3A_95, %dma_wait3A_114] : memref<80x128xi32, #tpu.memory_space<vmem>> -> memref<1x128xi32, #tpu.memory_space<vmem>>
      %dma_wait3A_116 = tpu.memref_squeeze %dma_wait3A_115 : memref<1x128xi32, #tpu.memory_space<vmem>> -> memref<128xi32, #tpu.memory_space<vmem>>
      %dma_wait3A_117 = arith.constant 0 : i32
      %dma_wait3A_118 = arith.constant 0 : i32
      %dma_wait3A_119 = tpu.memref_slice %arg2[%dma_wait3A_117, %dma_wait3A_118] : memref<10112x128xf32, #tpu.memory_space<hbm>> -> memref<10112x128xf32, #tpu.memory_space<hbm>>
      tpu.wait_indirect_dma semaphore(%arg11 : memref<!tpu.dma_semaphore, #tpu.memory_space<semaphore_mem>>) src(%dma_wait3A_119 : memref<10112x128xf32, #tpu.memory_space<hbm>>) dst(%arg9 : memref<128x128xf32, #tpu.memory_space<vmem>>)
      %run_scoped3A_120 = arith.constant 4 : i32
      "tpu.region"() ({
        %run_scoped3A_164 = tpu.sem_alloc : memref<!tpu.dma_semaphore, #tpu.memory_space<semaphore_mem>>
        %dma_start3A_165 = arith.constant 0 : i32
        %dma_start3A_166 = tpu.memref_slice %arg8[%run_scoped3A_120, %dma_start3A_165] : memref<8x128xi32, #tpu.memory_space<vmem>> -> memref<1x128xi32, #tpu.memory_space<vmem>>
        %dma_start3A_167 = tpu.memref_squeeze %dma_start3A_166 : memref<1x128xi32, #tpu.memory_space<vmem>> -> memref<128xi32, #tpu.memory_space<vmem>>
        %dma_start3A_168 = arith.constant 0 : i32
        %dma_start3A_169 = arith.constant 0 : i32
        %dma_start3A_170 = tpu.memref_slice %arg6[%dma_start3A_168, %dma_start3A_169] : memref<10112x128xf32, #tpu.memory_space<vmem_shared>> -> memref<10112x128xf32, #tpu.memory_space<vmem_shared>>
        tpu.enqueue_indirect_dma source(%arg9 : memref<128x128xf32, #tpu.memory_space<vmem>>) target(%dma_start3A_170 : memref<10112x128xf32, #tpu.memory_space<vmem_shared>>) offsets(%dma_start3A_167 : memref<128xi32, #tpu.memory_space<vmem>>) semaphore(%run_scoped3A_164 : memref<!tpu.dma_semaphore, #tpu.memory_space<semaphore_mem>>) {add = true}
        %dma_wait3A_171 = arith.constant 0 : i32
        %dma_wait3A_172 = tpu.memref_slice %arg8[%run_scoped3A_120, %dma_wait3A_171] : memref<8x128xi32, #tpu.memory_space<vmem>> -> memref<1x128xi32, #tpu.memory_space<vmem>>
        %dma_wait3A_173 = tpu.memref_squeeze %dma_wait3A_172 : memref<1x128xi32, #tpu.memory_space<vmem>> -> memref<128xi32, #tpu.memory_space<vmem>>
        %dma_wait3A_174 = arith.constant 0 : i32
        %dma_wait3A_175 = arith.constant 0 : i32
        %dma_wait3A_176 = tpu.memref_slice %arg6[%dma_wait3A_174, %dma_wait3A_175] : memref<10112x128xf32, #tpu.memory_space<vmem_shared>> -> memref<10112x128xf32, #tpu.memory_space<vmem_shared>>
        tpu.wait_indirect_dma semaphore(%run_scoped3A_164 : memref<!tpu.dma_semaphore, #tpu.memory_space<semaphore_mem>>) src(%arg9 : memref<128x128xf32, #tpu.memory_space<vmem>>) dst(%dma_wait3A_176 : memref<10112x128xf32, #tpu.memory_space<vmem_shared>>)
        tpu.yield
      }) : () -> ()
      %dma_wait3A_121 = arith.constant 0 : i32
      %dma_wait3A_122 = tpu.memref_slice %arg7[%add3A_107, %dma_wait3A_121] : memref<80x128xi32, #tpu.memory_space<vmem>> -> memref<1x128xi32, #tpu.memory_space<vmem>>
      %dma_wait3A_123 = tpu.memref_squeeze %dma_wait3A_122 : memref<1x128xi32, #tpu.memory_space<vmem>> -> memref<128xi32, #tpu.memory_space<vmem>>
      %dma_wait3A_124 = arith.constant 0 : i32
      %dma_wait3A_125 = arith.constant 0 : i32
      %dma_wait3A_126 = tpu.memref_slice %arg2[%dma_wait3A_124, %dma_wait3A_125] : memref<10112x128xf32, #tpu.memory_space<hbm>> -> memref<10112x128xf32, #tpu.memory_space<hbm>>
      tpu.wait_indirect_dma semaphore(%arg12 : memref<!tpu.dma_semaphore, #tpu.memory_space<semaphore_mem>>) src(%dma_wait3A_126 : memref<10112x128xf32, #tpu.memory_space<hbm>>) dst(%arg10 : memref<128x128xf32, #tpu.memory_space<vmem>>)
      %run_scoped3A_127 = arith.constant 5 : i32
      "tpu.region"() ({
        %run_scoped3A_164 = tpu.sem_alloc : memref<!tpu.dma_semaphore, #tpu.memory_space<semaphore_mem>>
        %dma_start3A_165 = arith.constant 0 : i32
        %dma_start3A_166 = tpu.memref_slice %arg8[%run_scoped3A_127, %dma_start3A_165] : memref<8x128xi32, #tpu.memory_space<vmem>> -> memref<1x128xi32, #tpu.memory_space<vmem>>
        %dma_start3A_167 = tpu.memref_squeeze %dma_start3A_166 : memref<1x128xi32, #tpu.memory_space<vmem>> -> memref<128xi32, #tpu.memory_space<vmem>>
        %dma_start3A_168 = arith.constant 0 : i32
        %dma_start3A_169 = arith.constant 0 : i32
        %dma_start3A_170 = tpu.memref_slice %arg6[%dma_start3A_168, %dma_start3A_169] : memref<10112x128xf32, #tpu.memory_space<vmem_shared>> -> memref<10112x128xf32, #tpu.memory_space<vmem_shared>>
        tpu.enqueue_indirect_dma source(%arg10 : memref<128x128xf32, #tpu.memory_space<vmem>>) target(%dma_start3A_170 : memref<10112x128xf32, #tpu.memory_space<vmem_shared>>) offsets(%dma_start3A_167 : memref<128xi32, #tpu.memory_space<vmem>>) semaphore(%run_scoped3A_164 : memref<!tpu.dma_semaphore, #tpu.memory_space<semaphore_mem>>) {add = true}
        %dma_wait3A_171 = arith.constant 0 : i32
        %dma_wait3A_172 = tpu.memref_slice %arg8[%run_scoped3A_127, %dma_wait3A_171] : memref<8x128xi32, #tpu.memory_space<vmem>> -> memref<1x128xi32, #tpu.memory_space<vmem>>
        %dma_wait3A_173 = tpu.memref_squeeze %dma_wait3A_172 : memref<1x128xi32, #tpu.memory_space<vmem>> -> memref<128xi32, #tpu.memory_space<vmem>>
        %dma_wait3A_174 = arith.constant 0 : i32
        %dma_wait3A_175 = arith.constant 0 : i32
        %dma_wait3A_176 = tpu.memref_slice %arg6[%dma_wait3A_174, %dma_wait3A_175] : memref<10112x128xf32, #tpu.memory_space<vmem_shared>> -> memref<10112x128xf32, #tpu.memory_space<vmem_shared>>
        tpu.wait_indirect_dma semaphore(%run_scoped3A_164 : memref<!tpu.dma_semaphore, #tpu.memory_space<semaphore_mem>>) src(%arg10 : memref<128x128xf32, #tpu.memory_space<vmem>>) dst(%dma_wait3A_176 : memref<10112x128xf32, #tpu.memory_space<vmem_shared>>)
        tpu.yield
      }) : () -> ()
      %mul3A_128 = arith.constant 8 : i32
      %mul3A_129 = arith.muli %mul3A_128, %scan3A_17 : i32
      %add3A_130 = arith.constant 6 : i32
      %add3A_131 = arith.addi %mul3A_129, %add3A_130 : i32
      %dma_start3A_132 = arith.constant 0 : i32
      %dma_start3A_133 = tpu.memref_slice %arg7[%add3A_131, %dma_start3A_132] : memref<80x128xi32, #tpu.memory_space<vmem>> -> memref<1x128xi32, #tpu.memory_space<vmem>>
      %dma_start3A_134 = tpu.memref_squeeze %dma_start3A_133 : memref<1x128xi32, #tpu.memory_space<vmem>> -> memref<128xi32, #tpu.memory_space<vmem>>
      %dma_start3A_135 = arith.constant 0 : i32
      %dma_start3A_136 = arith.constant 0 : i32
      %dma_start3A_137 = tpu.memref_slice %arg2[%dma_start3A_135, %dma_start3A_136] : memref<10112x128xf32, #tpu.memory_space<hbm>> -> memref<10112x128xf32, #tpu.memory_space<hbm>>
      tpu.enqueue_indirect_dma source(%dma_start3A_137 : memref<10112x128xf32, #tpu.memory_space<hbm>>) target(%arg9 : memref<128x128xf32, #tpu.memory_space<vmem>>) offsets(%dma_start3A_134 : memref<128xi32, #tpu.memory_space<vmem>>) semaphore(%arg11 : memref<!tpu.dma_semaphore, #tpu.memory_space<semaphore_mem>>)
      %mul3A_138 = arith.constant 8 : i32
      %mul3A_139 = arith.muli %mul3A_138, %scan3A_17 : i32
      %add3A_140 = arith.constant 6 : i32
      %add3A_141 = arith.addi %mul3A_139, %add3A_140 : i32
      %add3A_142 = arith.constant 1 : i32
      %add3A_143 = arith.addi %add3A_141, %add3A_142 : i32
      %dma_start3A_144 = arith.constant 0 : i32
      %dma_start3A_145 = tpu.memref_slice %arg7[%add3A_143, %dma_start3A_144] : memref<80x128xi32, #tpu.memory_space<vmem>> -> memref<1x128xi32, #tpu.memory_space<vmem>>
      %dma_start3A_146 = tpu.memref_squeeze %dma_start3A_145 : memref<1x128xi32, #tpu.memory_space<vmem>> -> memref<128xi32, #tpu.memory_space<vmem>>
      %dma_start3A_147 = arith.constant 0 : i32
      %dma_start3A_148 = arith.constant 0 : i32
      %dma_start3A_149 = tpu.memref_slice %arg2[%dma_start3A_147, %dma_start3A_148] : memref<10112x128xf32, #tpu.memory_space<hbm>> -> memref<10112x128xf32, #tpu.memory_space<hbm>>
      tpu.enqueue_indirect_dma source(%dma_start3A_149 : memref<10112x128xf32, #tpu.memory_space<hbm>>) target(%arg10 : memref<128x128xf32, #tpu.memory_space<vmem>>) offsets(%dma_start3A_146 : memref<128xi32, #tpu.memory_space<vmem>>) semaphore(%arg12 : memref<!tpu.dma_semaphore, #tpu.memory_space<semaphore_mem>>)
      %dma_wait3A_150 = arith.constant 0 : i32
      %dma_wait3A_151 = tpu.memref_slice %arg7[%add3A_131, %dma_wait3A_150] : memref<80x128xi32, #tpu.memory_space<vmem>> -> memref<1x128xi32, #tpu.memory_space<vmem>>
      %dma_wait3A_152 = tpu.memref_squeeze %dma_wait3A_151 : memref<1x128xi32, #tpu.memory_space<vmem>> -> memref<128xi32, #tpu.memory_space<vmem>>
      %dma_wait3A_153 = arith.constant 0 : i32
      %dma_wait3A_154 = arith.constant 0 : i32
      %dma_wait3A_155 = tpu.memref_slice %arg2[%dma_wait3A_153, %dma_wait3A_154] : memref<10112x128xf32, #tpu.memory_space<hbm>> -> memref<10112x128xf32, #tpu.memory_space<hbm>>
      tpu.wait_indirect_dma semaphore(%arg11 : memref<!tpu.dma_semaphore, #tpu.memory_space<semaphore_mem>>) src(%dma_wait3A_155 : memref<10112x128xf32, #tpu.memory_space<hbm>>) dst(%arg9 : memref<128x128xf32, #tpu.memory_space<vmem>>)
      %run_scoped3A_156 = arith.constant 6 : i32
      "tpu.region"() ({
        %run_scoped3A_164 = tpu.sem_alloc : memref<!tpu.dma_semaphore, #tpu.memory_space<semaphore_mem>>
        %dma_start3A_165 = arith.constant 0 : i32
        %dma_start3A_166 = tpu.memref_slice %arg8[%run_scoped3A_156, %dma_start3A_165] : memref<8x128xi32, #tpu.memory_space<vmem>> -> memref<1x128xi32, #tpu.memory_space<vmem>>
        %dma_start3A_167 = tpu.memref_squeeze %dma_start3A_166 : memref<1x128xi32, #tpu.memory_space<vmem>> -> memref<128xi32, #tpu.memory_space<vmem>>
        %dma_start3A_168 = arith.constant 0 : i32
        %dma_start3A_169 = arith.constant 0 : i32
        %dma_start3A_170 = tpu.memref_slice %arg6[%dma_start3A_168, %dma_start3A_169] : memref<10112x128xf32, #tpu.memory_space<vmem_shared>> -> memref<10112x128xf32, #tpu.memory_space<vmem_shared>>
        tpu.enqueue_indirect_dma source(%arg9 : memref<128x128xf32, #tpu.memory_space<vmem>>) target(%dma_start3A_170 : memref<10112x128xf32, #tpu.memory_space<vmem_shared>>) offsets(%dma_start3A_167 : memref<128xi32, #tpu.memory_space<vmem>>) semaphore(%run_scoped3A_164 : memref<!tpu.dma_semaphore, #tpu.memory_space<semaphore_mem>>) {add = true}
        %dma_wait3A_171 = arith.constant 0 : i32
        %dma_wait3A_172 = tpu.memref_slice %arg8[%run_scoped3A_156, %dma_wait3A_171] : memref<8x128xi32, #tpu.memory_space<vmem>> -> memref<1x128xi32, #tpu.memory_space<vmem>>
        %dma_wait3A_173 = tpu.memref_squeeze %dma_wait3A_172 : memref<1x128xi32, #tpu.memory_space<vmem>> -> memref<128xi32, #tpu.memory_space<vmem>>
        %dma_wait3A_174 = arith.constant 0 : i32
        %dma_wait3A_175 = arith.constant 0 : i32
        %dma_wait3A_176 = tpu.memref_slice %arg6[%dma_wait3A_174, %dma_wait3A_175] : memref<10112x128xf32, #tpu.memory_space<vmem_shared>> -> memref<10112x128xf32, #tpu.memory_space<vmem_shared>>
        tpu.wait_indirect_dma semaphore(%run_scoped3A_164 : memref<!tpu.dma_semaphore, #tpu.memory_space<semaphore_mem>>) src(%arg9 : memref<128x128xf32, #tpu.memory_space<vmem>>) dst(%dma_wait3A_176 : memref<10112x128xf32, #tpu.memory_space<vmem_shared>>)
        tpu.yield
      }) : () -> ()
      %dma_wait3A_157 = arith.constant 0 : i32
      %dma_wait3A_158 = tpu.memref_slice %arg7[%add3A_143, %dma_wait3A_157] : memref<80x128xi32, #tpu.memory_space<vmem>> -> memref<1x128xi32, #tpu.memory_space<vmem>>
      %dma_wait3A_159 = tpu.memref_squeeze %dma_wait3A_158 : memref<1x128xi32, #tpu.memory_space<vmem>> -> memref<128xi32, #tpu.memory_space<vmem>>
      %dma_wait3A_160 = arith.constant 0 : i32
      %dma_wait3A_161 = arith.constant 0 : i32
      %dma_wait3A_162 = tpu.memref_slice %arg2[%dma_wait3A_160, %dma_wait3A_161] : memref<10112x128xf32, #tpu.memory_space<hbm>> -> memref<10112x128xf32, #tpu.memory_space<hbm>>
      tpu.wait_indirect_dma semaphore(%arg12 : memref<!tpu.dma_semaphore, #tpu.memory_space<semaphore_mem>>) src(%dma_wait3A_162 : memref<10112x128xf32, #tpu.memory_space<hbm>>) dst(%arg10 : memref<128x128xf32, #tpu.memory_space<vmem>>)
      %run_scoped3A_163 = arith.constant 7 : i32
      "tpu.region"() ({
        %run_scoped3A_164 = tpu.sem_alloc : memref<!tpu.dma_semaphore, #tpu.memory_space<semaphore_mem>>
        %dma_start3A_165 = arith.constant 0 : i32
        %dma_start3A_166 = tpu.memref_slice %arg8[%run_scoped3A_163, %dma_start3A_165] : memref<8x128xi32, #tpu.memory_space<vmem>> -> memref<1x128xi32, #tpu.memory_space<vmem>>
        %dma_start3A_167 = tpu.memref_squeeze %dma_start3A_166 : memref<1x128xi32, #tpu.memory_space<vmem>> -> memref<128xi32, #tpu.memory_space<vmem>>
        %dma_start3A_168 = arith.constant 0 : i32
        %dma_start3A_169 = arith.constant 0 : i32
        %dma_start3A_170 = tpu.memref_slice %arg6[%dma_start3A_168, %dma_start3A_169] : memref<10112x128xf32, #tpu.memory_space<vmem_shared>> -> memref<10112x128xf32, #tpu.memory_space<vmem_shared>>
        tpu.enqueue_indirect_dma source(%arg10 : memref<128x128xf32, #tpu.memory_space<vmem>>) target(%dma_start3A_170 : memref<10112x128xf32, #tpu.memory_space<vmem_shared>>) offsets(%dma_start3A_167 : memref<128xi32, #tpu.memory_space<vmem>>) semaphore(%run_scoped3A_164 : memref<!tpu.dma_semaphore, #tpu.memory_space<semaphore_mem>>) {add = true}
        %dma_wait3A_171 = arith.constant 0 : i32
        %dma_wait3A_172 = tpu.memref_slice %arg8[%run_scoped3A_163, %dma_wait3A_171] : memref<8x128xi32, #tpu.memory_space<vmem>> -> memref<1x128xi32, #tpu.memory_space<vmem>>
        %dma_wait3A_173 = tpu.memref_squeeze %dma_wait3A_172 : memref<1x128xi32, #tpu.memory_space<vmem>> -> memref<128xi32, #tpu.memory_space<vmem>>
        %dma_wait3A_174 = arith.constant 0 : i32
        %dma_wait3A_175 = arith.constant 0 : i32
        %dma_wait3A_176 = tpu.memref_slice %arg6[%dma_wait3A_174, %dma_wait3A_175] : memref<10112x128xf32, #tpu.memory_space<vmem_shared>> -> memref<10112x128xf32, #tpu.memory_space<vmem_shared>>
        tpu.wait_indirect_dma semaphore(%run_scoped3A_164 : memref<!tpu.dma_semaphore, #tpu.memory_space<semaphore_mem>>) src(%arg10 : memref<128x128xf32, #tpu.memory_space<vmem>>) dst(%dma_wait3A_176 : memref<10112x128xf32, #tpu.memory_space<vmem_shared>>)
        tpu.yield
      }) : () -> ()
    }
    %scan3A_11 = arith.constant 10 : i32
    %barrier3A_12 = arith.constant 0 : index
    tpu.barrier barrier_id(%barrier3A_12)
    %mul3A_13 = arith.constant 632 : i32
    %mul3A_14 = arith.muli %arg1, %mul3A_13 : i32
    %mul3A_15 = arith.constant 632 : i32
    %mul3A_16 = arith.muli %arg1, %mul3A_15 : i32
    "tpu.region"() ({
      %run_scoped3A = tpu.sem_alloc : memref<!tpu.dma_semaphore, #tpu.memory_space<semaphore_mem>>
      %dma_start3A = arith.constant 0 : i32
      %dma_start3A_17 = tpu.memref_slice %arg5[%arg0, %mul3A_16, %dma_start3A] : memref<2x10112x128xf32, #tpu.memory_space<hbm>> -> memref<1x632x128xf32, #tpu.memory_space<hbm>>
      %dma_start3A_18 = tpu.memref_squeeze %dma_start3A_17 : memref<1x632x128xf32, #tpu.memory_space<hbm>> -> memref<632x128xf32, #tpu.memory_space<hbm>>
      %dma_start3A_19 = arith.constant 0 : i32
      %dma_start3A_20 = tpu.memref_slice %arg6[%mul3A_14, %dma_start3A_19] : memref<10112x128xf32, #tpu.memory_space<vmem_shared>> -> memref<632x128xf32, #tpu.memory_space<vmem_shared>>
      tpu.enqueue_dma source(%dma_start3A_20 : memref<632x128xf32, #tpu.memory_space<vmem_shared>>) target(%dma_start3A_18 : memref<632x128xf32, #tpu.memory_space<hbm>>) target_semaphore(%run_scoped3A : memref<!tpu.dma_semaphore, #tpu.memory_space<semaphore_mem>>)
      %dma_wait3A = arith.constant 0 : i32
      %dma_wait3A_21 = tpu.memref_slice %arg5[%arg0, %mul3A_16, %dma_wait3A] : memref<2x10112x128xf32, #tpu.memory_space<hbm>> -> memref<1x632x128xf32, #tpu.memory_space<hbm>>
      %dma_wait3A_22 = tpu.memref_squeeze %dma_wait3A_21 : memref<1x632x128xf32, #tpu.memory_space<hbm>> -> memref<632x128xf32, #tpu.memory_space<hbm>>
      %dma_wait3A_23 = arith.constant 0 : i32
      %dma_wait3A_24 = tpu.memref_slice %arg6[%mul3A_14, %dma_wait3A_23] : memref<10112x128xf32, #tpu.memory_space<vmem_shared>> -> memref<632x128xf32, #tpu.memory_space<vmem_shared>>
      tpu.wait_dma2 semaphore(%run_scoped3A : memref<!tpu.dma_semaphore, #tpu.memory_space<semaphore_mem>>) src(%dma_wait3A_24 : memref<632x128xf32, #tpu.memory_space<vmem_shared>>) dst(%dma_wait3A_22 : memref<632x128xf32, #tpu.memory_space<hbm>>)
      tpu.yield
    }) : () -> ()
    return
  }
}

#map = affine_map<(d0, d1) -> (0, 0)>
#map1 = affine_map<(d0, d1) -> (0, 0, 0)>
module attributes {stable_mosaic.version = 14 : i64} {
  func.func @_mp_kernel(%arg0: i32, %arg1: i32, %arg2: memref<10112x128xf32, #tpu.memory_space<hbm>>, %arg3: memref<2560x128xi32, #tpu.memory_space<hbm>>, %arg4: memref<2560x128xi32, #tpu.memory_space<hbm>>, %arg5: memref<2x10112x128xf32, #tpu.memory_space<hbm>>, %arg6: memref<10112x128xf32, #tpu.memory_space<vmem_shared>>, %arg7: memref<80x128xi32, #tpu.memory_space<vmem>>, %arg8: memref<8x128xi32, #tpu.memory_space<vmem>>, %arg9: memref<128x128xf32, #tpu.memory_space<vmem>>, %arg10: memref<128x128xf32, #tpu.memory_space<vmem>>, %arg11: memref<!tpu.dma_semaphore, #tpu.memory_space<semaphore_mem>>, %arg12: memref<!tpu.dma_semaphore, #tpu.memory_space<semaphore_mem>>) attributes {dimension_semantics = [#tpu.dimension_semantics<core_parallel>, #tpu.dimension_semantics<subcore_parallel>], iteration_bounds = array<i64: 2, 16>, scalar_prefetch = 0 : i64, scratch_operands = 7 : i64, tpu.core_type = #tpu.core_type<sc_vector_subcore>, window_params = [{transform_indices = #map}, {transform_indices = #map}, {transform_indices = #map}, {transform_indices = #map1}]} {
    %mul3A = arith.constant 2 : i32
    %mul3A_0 = arith.muli %arg1, %mul3A : i32
    %add3A = arith.addi %mul3A_0, %arg0 : i32
    %mul3A_1 = arith.constant 632 : i32
    %mul3A_2 = arith.muli %arg1, %mul3A_1 : i32
    %mul3A_3 = arith.constant 632 : i32
    %mul3A_4 = arith.muli %arg1, %mul3A_3 : i32
    "tpu.region"() ({
      %run_scoped3A = tpu.sem_alloc : memref<!tpu.dma_semaphore, #tpu.memory_space<semaphore_mem>>
      %dma_start3A = arith.constant 0 : i32
      %dma_start3A_17 = tpu.memref_slice %arg6[%mul3A_4, %dma_start3A] : memref<10112x128xf32, #tpu.memory_space<vmem_shared>> -> memref<632x128xf32, #tpu.memory_space<vmem_shared>>
      %dma_start3A_18 = arith.constant 0 : i32
      %dma_start3A_19 = tpu.memref_slice %arg2[%mul3A_2, %dma_start3A_18] : memref<10112x128xf32, #tpu.memory_space<hbm>> -> memref<632x128xf32, #tpu.memory_space<hbm>>
      tpu.enqueue_dma source(%dma_start3A_19 : memref<632x128xf32, #tpu.memory_space<hbm>>) target(%dma_start3A_17 : memref<632x128xf32, #tpu.memory_space<vmem_shared>>) target_semaphore(%run_scoped3A : memref<!tpu.dma_semaphore, #tpu.memory_space<semaphore_mem>>)
      %dma_wait3A = arith.constant 0 : i32
      %dma_wait3A_20 = tpu.memref_slice %arg6[%mul3A_4, %dma_wait3A] : memref<10112x128xf32, #tpu.memory_space<vmem_shared>> -> memref<632x128xf32, #tpu.memory_space<vmem_shared>>
      %dma_wait3A_21 = arith.constant 0 : i32
      %dma_wait3A_22 = tpu.memref_slice %arg2[%mul3A_2, %dma_wait3A_21] : memref<10112x128xf32, #tpu.memory_space<hbm>> -> memref<632x128xf32, #tpu.memory_space<hbm>>
      tpu.wait_dma2 semaphore(%run_scoped3A : memref<!tpu.dma_semaphore, #tpu.memory_space<semaphore_mem>>) src(%dma_wait3A_22 : memref<632x128xf32, #tpu.memory_space<hbm>>) dst(%dma_wait3A_20 : memref<632x128xf32, #tpu.memory_space<vmem_shared>>)
      tpu.yield
    }) : () -> ()
    %mul3A_5 = arith.constant 80 : i32
    %mul3A_6 = arith.muli %add3A, %mul3A_5 : i32
    "tpu.region"() ({
      %run_scoped3A = tpu.sem_alloc : memref<!tpu.dma_semaphore, #tpu.memory_space<semaphore_mem>>
      %dma_start3A = arith.constant 0 : i32
      %dma_start3A_17 = tpu.memref_slice %arg4[%mul3A_6, %dma_start3A] : memref<2560x128xi32, #tpu.memory_space<hbm>> -> memref<80x128xi32, #tpu.memory_space<hbm>>
      %dma_start3A_18 = arith.constant 0 : i32
      %dma_start3A_19 = tpu.memref_slice %arg4[%mul3A_6, %dma_start3A_18] : memref<2560x128xi32, #tpu.memory_space<hbm>> -> memref<80x128xi32, #tpu.memory_space<hbm>>
      tpu.enqueue_dma source(%dma_start3A_19 : memref<80x128xi32, #tpu.memory_space<hbm>>) target(%arg7 : memref<80x128xi32, #tpu.memory_space<vmem>>) target_semaphore(%run_scoped3A : memref<!tpu.dma_semaphore, #tpu.memory_space<semaphore_mem>>)
      %dma_wait3A = arith.constant 0 : i32
      %dma_wait3A_20 = tpu.memref_slice %arg4[%mul3A_6, %dma_wait3A] : memref<2560x128xi32, #tpu.memory_space<hbm>> -> memref<80x128xi32, #tpu.memory_space<hbm>>
      %dma_wait3A_21 = arith.constant 0 : i32
      %dma_wait3A_22 = tpu.memref_slice %arg4[%mul3A_6, %dma_wait3A_21] : memref<2560x128xi32, #tpu.memory_space<hbm>> -> memref<80x128xi32, #tpu.memory_space<hbm>>
      tpu.wait_dma2 semaphore(%run_scoped3A : memref<!tpu.dma_semaphore, #tpu.memory_space<semaphore_mem>>) src(%dma_wait3A_22 : memref<80x128xi32, #tpu.memory_space<hbm>>) dst(%arg7 : memref<80x128xi32, #tpu.memory_space<vmem>>)
      tpu.yield
    }) : () -> ()
    %barrier3A = arith.constant 0 : index
    tpu.barrier barrier_id(%barrier3A)
    %scan3A = arith.constant 0 : i32
    %scan3A_7 = arith.constant 0 : i32
    %scan3A_8 = arith.constant 10 : i32
    %scan3A_9 = arith.addi %scan3A_7, %scan3A_8 : i32
    %scan3A_10 = arith.constant 1 : i32
    scf.for %scan3A_17 = %scan3A_7 to %scan3A_9 step %scan3A_10  : i32 {
      %mul3A_18 = arith.constant 80 : i32
      %mul3A_19 = arith.muli %add3A, %mul3A_18 : i32
      %mul3A_20 = arith.constant 8 : i32
      %mul3A_21 = arith.muli %mul3A_20, %scan3A_17 : i32
      %add3A_22 = arith.addi %mul3A_19, %mul3A_21 : i32
      "tpu.region"() ({
        %run_scoped3A_164 = tpu.sem_alloc : memref<!tpu.dma_semaphore, #tpu.memory_space<semaphore_mem>>
        %dma_start3A_165 = arith.constant 0 : i32
        %dma_start3A_166 = tpu.memref_slice %arg3[%add3A_22, %dma_start3A_165] : memref<2560x128xi32, #tpu.memory_space<hbm>> -> memref<8x128xi32, #tpu.memory_space<hbm>>
        %dma_start3A_167 = arith.constant 0 : i32
        %dma_start3A_168 = tpu.memref_slice %arg3[%add3A_22, %dma_start3A_167] : memref<2560x128xi32, #tpu.memory_space<hbm>> -> memref<8x128xi32, #tpu.memory_space<hbm>>
        tpu.enqueue_dma source(%dma_start3A_168 : memref<8x128xi32, #tpu.memory_space<hbm>>) target(%arg8 : memref<8x128xi32, #tpu.memory_space<vmem>>) target_semaphore(%run_scoped3A_164 : memref<!tpu.dma_semaphore, #tpu.memory_space<semaphore_mem>>)
        %dma_wait3A_169 = arith.constant 0 : i32
        %dma_wait3A_170 = tpu.memref_slice %arg3[%add3A_22, %dma_wait3A_169] : memref<2560x128xi32, #tpu.memory_space<hbm>> -> memref<8x128xi32, #tpu.memory_space<hbm>>
        %dma_wait3A_171 = arith.constant 0 : i32
        %dma_wait3A_172 = tpu.memref_slice %arg3[%add3A_22, %dma_wait3A_171] : memref<2560x128xi32, #tpu.memory_space<hbm>> -> memref<8x128xi32, #tpu.memory_space<hbm>>
        tpu.wait_dma2 semaphore(%run_scoped3A_164 : memref<!tpu.dma_semaphore, #tpu.memory_space<semaphore_mem>>) src(%dma_wait3A_172 : memref<8x128xi32, #tpu.memory_space<hbm>>) dst(%arg8 : memref<8x128xi32, #tpu.memory_space<vmem>>)
        tpu.yield
      }) : () -> ()
      %mul3A_23 = arith.constant 8 : i32
      %mul3A_24 = arith.muli %mul3A_23, %scan3A_17 : i32
      %add3A_25 = arith.constant 0 : i32
      %add3A_26 = arith.addi %mul3A_24, %add3A_25 : i32
      %dma_start3A = arith.constant 0 : i32
      %dma_start3A_27 = tpu.memref_slice %arg7[%add3A_26, %dma_start3A] : memref<80x128xi32, #tpu.memory_space<vmem>> -> memref<1x128xi32, #tpu.memory_space<vmem>>
      %dma_start3A_28 = tpu.memref_squeeze %dma_start3A_27 : memref<1x128xi32, #tpu.memory_space<vmem>> -> memref<128xi32, #tpu.memory_space<vmem>>
      %dma_start3A_29 = arith.constant 0 : i32
      %dma_start3A_30 = arith.constant 0 : i32
      %dma_start3A_31 = tpu.memref_slice %arg2[%dma_start3A_29, %dma_start3A_30] : memref<10112x128xf32, #tpu.memory_space<hbm>> -> memref<10112x128xf32, #tpu.memory_space<hbm>>
      tpu.enqueue_indirect_dma source(%dma_start3A_31 : memref<10112x128xf32, #tpu.memory_space<hbm>>) target(%arg9 : memref<128x128xf32, #tpu.memory_space<vmem>>) offsets(%dma_start3A_28 : memref<128xi32, #tpu.memory_space<vmem>>) semaphore(%arg11 : memref<!tpu.dma_semaphore, #tpu.memory_space<semaphore_mem>>)
      %mul3A_32 = arith.constant 8 : i32
      %mul3A_33 = arith.muli %mul3A_32, %scan3A_17 : i32
      %add3A_34 = arith.constant 0 : i32
      %add3A_35 = arith.addi %mul3A_33, %add3A_34 : i32
      %add3A_36 = arith.constant 1 : i32
      %add3A_37 = arith.addi %add3A_35, %add3A_36 : i32
      %dma_start3A_38 = arith.constant 0 : i32
      %dma_start3A_39 = tpu.memref_slice %arg7[%add3A_37, %dma_start3A_38] : memref<80x128xi32, #tpu.memory_space<vmem>> -> memref<1x128xi32, #tpu.memory_space<vmem>>
      %dma_start3A_40 = tpu.memref_squeeze %dma_start3A_39 : memref<1x128xi32, #tpu.memory_space<vmem>> -> memref<128xi32, #tpu.memory_space<vmem>>
      %dma_start3A_41 = arith.constant 0 : i32
      %dma_start3A_42 = arith.constant 0 : i32
      %dma_start3A_43 = tpu.memref_slice %arg2[%dma_start3A_41, %dma_start3A_42] : memref<10112x128xf32, #tpu.memory_space<hbm>> -> memref<10112x128xf32, #tpu.memory_space<hbm>>
      tpu.enqueue_indirect_dma source(%dma_start3A_43 : memref<10112x128xf32, #tpu.memory_space<hbm>>) target(%arg10 : memref<128x128xf32, #tpu.memory_space<vmem>>) offsets(%dma_start3A_40 : memref<128xi32, #tpu.memory_space<vmem>>) semaphore(%arg12 : memref<!tpu.dma_semaphore, #tpu.memory_space<semaphore_mem>>)
      %dma_wait3A = arith.constant 0 : i32
      %dma_wait3A_44 = tpu.memref_slice %arg7[%add3A_26, %dma_wait3A] : memref<80x128xi32, #tpu.memory_space<vmem>> -> memref<1x128xi32, #tpu.memory_space<vmem>>
      %dma_wait3A_45 = tpu.memref_squeeze %dma_wait3A_44 : memref<1x128xi32, #tpu.memory_space<vmem>> -> memref<128xi32, #tpu.memory_space<vmem>>
      %dma_wait3A_46 = arith.constant 0 : i32
      %dma_wait3A_47 = arith.constant 0 : i32
      %dma_wait3A_48 = tpu.memref_slice %arg2[%dma_wait3A_46, %dma_wait3A_47] : memref<10112x128xf32, #tpu.memory_space<hbm>> -> memref<10112x128xf32, #tpu.memory_space<hbm>>
      tpu.wait_indirect_dma semaphore(%arg11 : memref<!tpu.dma_semaphore, #tpu.memory_space<semaphore_mem>>) src(%dma_wait3A_48 : memref<10112x128xf32, #tpu.memory_space<hbm>>) dst(%arg9 : memref<128x128xf32, #tpu.memory_space<vmem>>)
      %run_scoped3A = arith.constant 0 : i32
      "tpu.region"() ({
        %run_scoped3A_164 = tpu.sem_alloc : memref<!tpu.dma_semaphore, #tpu.memory_space<semaphore_mem>>
        %dma_start3A_165 = arith.constant 0 : i32
        %dma_start3A_166 = tpu.memref_slice %arg8[%run_scoped3A, %dma_start3A_165] : memref<8x128xi32, #tpu.memory_space<vmem>> -> memref<1x128xi32, #tpu.memory_space<vmem>>
        %dma_start3A_167 = tpu.memref_squeeze %dma_start3A_166 : memref<1x128xi32, #tpu.memory_space<vmem>> -> memref<128xi32, #tpu.memory_space<vmem>>
        %dma_start3A_168 = arith.constant 0 : i32
        %dma_start3A_169 = arith.constant 0 : i32
        %dma_start3A_170 = tpu.memref_slice %arg6[%dma_start3A_168, %dma_start3A_169] : memref<10112x128xf32, #tpu.memory_space<vmem_shared>> -> memref<10112x128xf32, #tpu.memory_space<vmem_shared>>
        tpu.enqueue_indirect_dma source(%arg9 : memref<128x128xf32, #tpu.memory_space<vmem>>) target(%dma_start3A_170 : memref<10112x128xf32, #tpu.memory_space<vmem_shared>>) offsets(%dma_start3A_167 : memref<128xi32, #tpu.memory_space<vmem>>) semaphore(%run_scoped3A_164 : memref<!tpu.dma_semaphore, #tpu.memory_space<semaphore_mem>>) {add = true}
        %dma_wait3A_171 = arith.constant 0 : i32
        %dma_wait3A_172 = tpu.memref_slice %arg8[%run_scoped3A, %dma_wait3A_171] : memref<8x128xi32, #tpu.memory_space<vmem>> -> memref<1x128xi32, #tpu.memory_space<vmem>>
        %dma_wait3A_173 = tpu.memref_squeeze %dma_wait3A_172 : memref<1x128xi32, #tpu.memory_space<vmem>> -> memref<128xi32, #tpu.memory_space<vmem>>
        %dma_wait3A_174 = arith.constant 0 : i32
        %dma_wait3A_175 = arith.constant 0 : i32
        %dma_wait3A_176 = tpu.memref_slice %arg6[%dma_wait3A_174, %dma_wait3A_175] : memref<10112x128xf32, #tpu.memory_space<vmem_shared>> -> memref<10112x128xf32, #tpu.memory_space<vmem_shared>>
        tpu.wait_indirect_dma semaphore(%run_scoped3A_164 : memref<!tpu.dma_semaphore, #tpu.memory_space<semaphore_mem>>) src(%arg9 : memref<128x128xf32, #tpu.memory_space<vmem>>) dst(%dma_wait3A_176 : memref<10112x128xf32, #tpu.memory_space<vmem_shared>>)
        tpu.yield
      }) : () -> ()
      %dma_wait3A_49 = arith.constant 0 : i32
      %dma_wait3A_50 = tpu.memref_slice %arg7[%add3A_37, %dma_wait3A_49] : memref<80x128xi32, #tpu.memory_space<vmem>> -> memref<1x128xi32, #tpu.memory_space<vmem>>
      %dma_wait3A_51 = tpu.memref_squeeze %dma_wait3A_50 : memref<1x128xi32, #tpu.memory_space<vmem>> -> memref<128xi32, #tpu.memory_space<vmem>>
      %dma_wait3A_52 = arith.constant 0 : i32
      %dma_wait3A_53 = arith.constant 0 : i32
      %dma_wait3A_54 = tpu.memref_slice %arg2[%dma_wait3A_52, %dma_wait3A_53] : memref<10112x128xf32, #tpu.memory_space<hbm>> -> memref<10112x128xf32, #tpu.memory_space<hbm>>
      tpu.wait_indirect_dma semaphore(%arg12 : memref<!tpu.dma_semaphore, #tpu.memory_space<semaphore_mem>>) src(%dma_wait3A_54 : memref<10112x128xf32, #tpu.memory_space<hbm>>) dst(%arg10 : memref<128x128xf32, #tpu.memory_space<vmem>>)
      %run_scoped3A_55 = arith.constant 1 : i32
      "tpu.region"() ({
        %run_scoped3A_164 = tpu.sem_alloc : memref<!tpu.dma_semaphore, #tpu.memory_space<semaphore_mem>>
        %dma_start3A_165 = arith.constant 0 : i32
        %dma_start3A_166 = tpu.memref_slice %arg8[%run_scoped3A_55, %dma_start3A_165] : memref<8x128xi32, #tpu.memory_space<vmem>> -> memref<1x128xi32, #tpu.memory_space<vmem>>
        %dma_start3A_167 = tpu.memref_squeeze %dma_start3A_166 : memref<1x128xi32, #tpu.memory_space<vmem>> -> memref<128xi32, #tpu.memory_space<vmem>>
        %dma_start3A_168 = arith.constant 0 : i32
        %dma_start3A_169 = arith.constant 0 : i32
        %dma_start3A_170 = tpu.memref_slice %arg6[%dma_start3A_168, %dma_start3A_169] : memref<10112x128xf32, #tpu.memory_space<vmem_shared>> -> memref<10112x128xf32, #tpu.memory_space<vmem_shared>>
        tpu.enqueue_indirect_dma source(%arg10 : memref<128x128xf32, #tpu.memory_space<vmem>>) target(%dma_start3A_170 : memref<10112x128xf32, #tpu.memory_space<vmem_shared>>) offsets(%dma_start3A_167 : memref<128xi32, #tpu.memory_space<vmem>>) semaphore(%run_scoped3A_164 : memref<!tpu.dma_semaphore, #tpu.memory_space<semaphore_mem>>) {add = true}
        %dma_wait3A_171 = arith.constant 0 : i32
        %dma_wait3A_172 = tpu.memref_slice %arg8[%run_scoped3A_55, %dma_wait3A_171] : memref<8x128xi32, #tpu.memory_space<vmem>> -> memref<1x128xi32, #tpu.memory_space<vmem>>
        %dma_wait3A_173 = tpu.memref_squeeze %dma_wait3A_172 : memref<1x128xi32, #tpu.memory_space<vmem>> -> memref<128xi32, #tpu.memory_space<vmem>>
        %dma_wait3A_174 = arith.constant 0 : i32
        %dma_wait3A_175 = arith.constant 0 : i32
        %dma_wait3A_176 = tpu.memref_slice %arg6[%dma_wait3A_174, %dma_wait3A_175] : memref<10112x128xf32, #tpu.memory_space<vmem_shared>> -> memref<10112x128xf32, #tpu.memory_space<vmem_shared>>
        tpu.wait_indirect_dma semaphore(%run_scoped3A_164 : memref<!tpu.dma_semaphore, #tpu.memory_space<semaphore_mem>>) src(%arg10 : memref<128x128xf32, #tpu.memory_space<vmem>>) dst(%dma_wait3A_176 : memref<10112x128xf32, #tpu.memory_space<vmem_shared>>)
        tpu.yield
      }) : () -> ()
      %mul3A_56 = arith.constant 8 : i32
      %mul3A_57 = arith.muli %mul3A_56, %scan3A_17 : i32
      %add3A_58 = arith.constant 2 : i32
      %add3A_59 = arith.addi %mul3A_57, %add3A_58 : i32
      %dma_start3A_60 = arith.constant 0 : i32
      %dma_start3A_61 = tpu.memref_slice %arg7[%add3A_59, %dma_start3A_60] : memref<80x128xi32, #tpu.memory_space<vmem>> -> memref<1x128xi32, #tpu.memory_space<vmem>>
      %dma_start3A_62 = tpu.memref_squeeze %dma_start3A_61 : memref<1x128xi32, #tpu.memory_space<vmem>> -> memref<128xi32, #tpu.memory_space<vmem>>
      %dma_start3A_63 = arith.constant 0 : i32
      %dma_start3A_64 = arith.constant 0 : i32
      %dma_start3A_65 = tpu.memref_slice %arg2[%dma_start3A_63, %dma_start3A_64] : memref<10112x128xf32, #tpu.memory_space<hbm>> -> memref<10112x128xf32, #tpu.memory_space<hbm>>
      tpu.enqueue_indirect_dma source(%dma_start3A_65 : memref<10112x128xf32, #tpu.memory_space<hbm>>) target(%arg9 : memref<128x128xf32, #tpu.memory_space<vmem>>) offsets(%dma_start3A_62 : memref<128xi32, #tpu.memory_space<vmem>>) semaphore(%arg11 : memref<!tpu.dma_semaphore, #tpu.memory_space<semaphore_mem>>)
      %mul3A_66 = arith.constant 8 : i32
      %mul3A_67 = arith.muli %mul3A_66, %scan3A_17 : i32
      %add3A_68 = arith.constant 2 : i32
      %add3A_69 = arith.addi %mul3A_67, %add3A_68 : i32
      %add3A_70 = arith.constant 1 : i32
      %add3A_71 = arith.addi %add3A_69, %add3A_70 : i32
      %dma_start3A_72 = arith.constant 0 : i32
      %dma_start3A_73 = tpu.memref_slice %arg7[%add3A_71, %dma_start3A_72] : memref<80x128xi32, #tpu.memory_space<vmem>> -> memref<1x128xi32, #tpu.memory_space<vmem>>
      %dma_start3A_74 = tpu.memref_squeeze %dma_start3A_73 : memref<1x128xi32, #tpu.memory_space<vmem>> -> memref<128xi32, #tpu.memory_space<vmem>>
      %dma_start3A_75 = arith.constant 0 : i32
      %dma_start3A_76 = arith.constant 0 : i32
      %dma_start3A_77 = tpu.memref_slice %arg2[%dma_start3A_75, %dma_start3A_76] : memref<10112x128xf32, #tpu.memory_space<hbm>> -> memref<10112x128xf32, #tpu.memory_space<hbm>>
      tpu.enqueue_indirect_dma source(%dma_start3A_77 : memref<10112x128xf32, #tpu.memory_space<hbm>>) target(%arg10 : memref<128x128xf32, #tpu.memory_space<vmem>>) offsets(%dma_start3A_74 : memref<128xi32, #tpu.memory_space<vmem>>) semaphore(%arg12 : memref<!tpu.dma_semaphore, #tpu.memory_space<semaphore_mem>>)
      %dma_wait3A_78 = arith.constant 0 : i32
      %dma_wait3A_79 = tpu.memref_slice %arg7[%add3A_59, %dma_wait3A_78] : memref<80x128xi32, #tpu.memory_space<vmem>> -> memref<1x128xi32, #tpu.memory_space<vmem>>
      %dma_wait3A_80 = tpu.memref_squeeze %dma_wait3A_79 : memref<1x128xi32, #tpu.memory_space<vmem>> -> memref<128xi32, #tpu.memory_space<vmem>>
      %dma_wait3A_81 = arith.constant 0 : i32
      %dma_wait3A_82 = arith.constant 0 : i32
      %dma_wait3A_83 = tpu.memref_slice %arg2[%dma_wait3A_81, %dma_wait3A_82] : memref<10112x128xf32, #tpu.memory_space<hbm>> -> memref<10112x128xf32, #tpu.memory_space<hbm>>
      tpu.wait_indirect_dma semaphore(%arg11 : memref<!tpu.dma_semaphore, #tpu.memory_space<semaphore_mem>>) src(%dma_wait3A_83 : memref<10112x128xf32, #tpu.memory_space<hbm>>) dst(%arg9 : memref<128x128xf32, #tpu.memory_space<vmem>>)
      %run_scoped3A_84 = arith.constant 2 : i32
      "tpu.region"() ({
        %run_scoped3A_164 = tpu.sem_alloc : memref<!tpu.dma_semaphore, #tpu.memory_space<semaphore_mem>>
        %dma_start3A_165 = arith.constant 0 : i32
        %dma_start3A_166 = tpu.memref_slice %arg8[%run_scoped3A_84, %dma_start3A_165] : memref<8x128xi32, #tpu.memory_space<vmem>> -> memref<1x128xi32, #tpu.memory_space<vmem>>
        %dma_start3A_167 = tpu.memref_squeeze %dma_start3A_166 : memref<1x128xi32, #tpu.memory_space<vmem>> -> memref<128xi32, #tpu.memory_space<vmem>>
        %dma_start3A_168 = arith.constant 0 : i32
        %dma_start3A_169 = arith.constant 0 : i32
        %dma_start3A_170 = tpu.memref_slice %arg6[%dma_start3A_168, %dma_start3A_169] : memref<10112x128xf32, #tpu.memory_space<vmem_shared>> -> memref<10112x128xf32, #tpu.memory_space<vmem_shared>>
        tpu.enqueue_indirect_dma source(%arg9 : memref<128x128xf32, #tpu.memory_space<vmem>>) target(%dma_start3A_170 : memref<10112x128xf32, #tpu.memory_space<vmem_shared>>) offsets(%dma_start3A_167 : memref<128xi32, #tpu.memory_space<vmem>>) semaphore(%run_scoped3A_164 : memref<!tpu.dma_semaphore, #tpu.memory_space<semaphore_mem>>) {add = true}
        %dma_wait3A_171 = arith.constant 0 : i32
        %dma_wait3A_172 = tpu.memref_slice %arg8[%run_scoped3A_84, %dma_wait3A_171] : memref<8x128xi32, #tpu.memory_space<vmem>> -> memref<1x128xi32, #tpu.memory_space<vmem>>
        %dma_wait3A_173 = tpu.memref_squeeze %dma_wait3A_172 : memref<1x128xi32, #tpu.memory_space<vmem>> -> memref<128xi32, #tpu.memory_space<vmem>>
        %dma_wait3A_174 = arith.constant 0 : i32
        %dma_wait3A_175 = arith.constant 0 : i32
        %dma_wait3A_176 = tpu.memref_slice %arg6[%dma_wait3A_174, %dma_wait3A_175] : memref<10112x128xf32, #tpu.memory_space<vmem_shared>> -> memref<10112x128xf32, #tpu.memory_space<vmem_shared>>
        tpu.wait_indirect_dma semaphore(%run_scoped3A_164 : memref<!tpu.dma_semaphore, #tpu.memory_space<semaphore_mem>>) src(%arg9 : memref<128x128xf32, #tpu.memory_space<vmem>>) dst(%dma_wait3A_176 : memref<10112x128xf32, #tpu.memory_space<vmem_shared>>)
        tpu.yield
      }) : () -> ()
      %dma_wait3A_85 = arith.constant 0 : i32
      %dma_wait3A_86 = tpu.memref_slice %arg7[%add3A_71, %dma_wait3A_85] : memref<80x128xi32, #tpu.memory_space<vmem>> -> memref<1x128xi32, #tpu.memory_space<vmem>>
      %dma_wait3A_87 = tpu.memref_squeeze %dma_wait3A_86 : memref<1x128xi32, #tpu.memory_space<vmem>> -> memref<128xi32, #tpu.memory_space<vmem>>
      %dma_wait3A_88 = arith.constant 0 : i32
      %dma_wait3A_89 = arith.constant 0 : i32
      %dma_wait3A_90 = tpu.memref_slice %arg2[%dma_wait3A_88, %dma_wait3A_89] : memref<10112x128xf32, #tpu.memory_space<hbm>> -> memref<10112x128xf32, #tpu.memory_space<hbm>>
      tpu.wait_indirect_dma semaphore(%arg12 : memref<!tpu.dma_semaphore, #tpu.memory_space<semaphore_mem>>) src(%dma_wait3A_90 : memref<10112x128xf32, #tpu.memory_space<hbm>>) dst(%arg10 : memref<128x128xf32, #tpu.memory_space<vmem>>)
      %run_scoped3A_91 = arith.constant 3 : i32
      "tpu.region"() ({
        %run_scoped3A_164 = tpu.sem_alloc : memref<!tpu.dma_semaphore, #tpu.memory_space<semaphore_mem>>
        %dma_start3A_165 = arith.constant 0 : i32
        %dma_start3A_166 = tpu.memref_slice %arg8[%run_scoped3A_91, %dma_start3A_165] : memref<8x128xi32, #tpu.memory_space<vmem>> -> memref<1x128xi32, #tpu.memory_space<vmem>>
        %dma_start3A_167 = tpu.memref_squeeze %dma_start3A_166 : memref<1x128xi32, #tpu.memory_space<vmem>> -> memref<128xi32, #tpu.memory_space<vmem>>
        %dma_start3A_168 = arith.constant 0 : i32
        %dma_start3A_169 = arith.constant 0 : i32
        %dma_start3A_170 = tpu.memref_slice %arg6[%dma_start3A_168, %dma_start3A_169] : memref<10112x128xf32, #tpu.memory_space<vmem_shared>> -> memref<10112x128xf32, #tpu.memory_space<vmem_shared>>
        tpu.enqueue_indirect_dma source(%arg10 : memref<128x128xf32, #tpu.memory_space<vmem>>) target(%dma_start3A_170 : memref<10112x128xf32, #tpu.memory_space<vmem_shared>>) offsets(%dma_start3A_167 : memref<128xi32, #tpu.memory_space<vmem>>) semaphore(%run_scoped3A_164 : memref<!tpu.dma_semaphore, #tpu.memory_space<semaphore_mem>>) {add = true}
        %dma_wait3A_171 = arith.constant 0 : i32
        %dma_wait3A_172 = tpu.memref_slice %arg8[%run_scoped3A_91, %dma_wait3A_171] : memref<8x128xi32, #tpu.memory_space<vmem>> -> memref<1x128xi32, #tpu.memory_space<vmem>>
        %dma_wait3A_173 = tpu.memref_squeeze %dma_wait3A_172 : memref<1x128xi32, #tpu.memory_space<vmem>> -> memref<128xi32, #tpu.memory_space<vmem>>
        %dma_wait3A_174 = arith.constant 0 : i32
        %dma_wait3A_175 = arith.constant 0 : i32
        %dma_wait3A_176 = tpu.memref_slice %arg6[%dma_wait3A_174, %dma_wait3A_175] : memref<10112x128xf32, #tpu.memory_space<vmem_shared>> -> memref<10112x128xf32, #tpu.memory_space<vmem_shared>>
        tpu.wait_indirect_dma semaphore(%run_scoped3A_164 : memref<!tpu.dma_semaphore, #tpu.memory_space<semaphore_mem>>) src(%arg10 : memref<128x128xf32, #tpu.memory_space<vmem>>) dst(%dma_wait3A_176 : memref<10112x128xf32, #tpu.memory_space<vmem_shared>>)
        tpu.yield
      }) : () -> ()
      %mul3A_92 = arith.constant 8 : i32
      %mul3A_93 = arith.muli %mul3A_92, %scan3A_17 : i32
      %add3A_94 = arith.constant 4 : i32
      %add3A_95 = arith.addi %mul3A_93, %add3A_94 : i32
      %dma_start3A_96 = arith.constant 0 : i32
      %dma_start3A_97 = tpu.memref_slice %arg7[%add3A_95, %dma_start3A_96] : memref<80x128xi32, #tpu.memory_space<vmem>> -> memref<1x128xi32, #tpu.memory_space<vmem>>
      %dma_start3A_98 = tpu.memref_squeeze %dma_start3A_97 : memref<1x128xi32, #tpu.memory_space<vmem>> -> memref<128xi32, #tpu.memory_space<vmem>>
      %dma_start3A_99 = arith.constant 0 : i32
      %dma_start3A_100 = arith.constant 0 : i32
      %dma_start3A_101 = tpu.memref_slice %arg2[%dma_start3A_99, %dma_start3A_100] : memref<10112x128xf32, #tpu.memory_space<hbm>> -> memref<10112x128xf32, #tpu.memory_space<hbm>>
      tpu.enqueue_indirect_dma source(%dma_start3A_101 : memref<10112x128xf32, #tpu.memory_space<hbm>>) target(%arg9 : memref<128x128xf32, #tpu.memory_space<vmem>>) offsets(%dma_start3A_98 : memref<128xi32, #tpu.memory_space<vmem>>) semaphore(%arg11 : memref<!tpu.dma_semaphore, #tpu.memory_space<semaphore_mem>>)
      %mul3A_102 = arith.constant 8 : i32
      %mul3A_103 = arith.muli %mul3A_102, %scan3A_17 : i32
      %add3A_104 = arith.constant 4 : i32
      %add3A_105 = arith.addi %mul3A_103, %add3A_104 : i32
      %add3A_106 = arith.constant 1 : i32
      %add3A_107 = arith.addi %add3A_105, %add3A_106 : i32
      %dma_start3A_108 = arith.constant 0 : i32
      %dma_start3A_109 = tpu.memref_slice %arg7[%add3A_107, %dma_start3A_108] : memref<80x128xi32, #tpu.memory_space<vmem>> -> memref<1x128xi32, #tpu.memory_space<vmem>>
      %dma_start3A_110 = tpu.memref_squeeze %dma_start3A_109 : memref<1x128xi32, #tpu.memory_space<vmem>> -> memref<128xi32, #tpu.memory_space<vmem>>
      %dma_start3A_111 = arith.constant 0 : i32
      %dma_start3A_112 = arith.constant 0 : i32
      %dma_start3A_113 = tpu.memref_slice %arg2[%dma_start3A_111, %dma_start3A_112] : memref<10112x128xf32, #tpu.memory_space<hbm>> -> memref<10112x128xf32, #tpu.memory_space<hbm>>
      tpu.enqueue_indirect_dma source(%dma_start3A_113 : memref<10112x128xf32, #tpu.memory_space<hbm>>) target(%arg10 : memref<128x128xf32, #tpu.memory_space<vmem>>) offsets(%dma_start3A_110 : memref<128xi32, #tpu.memory_space<vmem>>) semaphore(%arg12 : memref<!tpu.dma_semaphore, #tpu.memory_space<semaphore_mem>>)
      %dma_wait3A_114 = arith.constant 0 : i32
      %dma_wait3A_115 = tpu.memref_slice %arg7[%add3A_95, %dma_wait3A_114] : memref<80x128xi32, #tpu.memory_space<vmem>> -> memref<1x128xi32, #tpu.memory_space<vmem>>
      %dma_wait3A_116 = tpu.memref_squeeze %dma_wait3A_115 : memref<1x128xi32, #tpu.memory_space<vmem>> -> memref<128xi32, #tpu.memory_space<vmem>>
      %dma_wait3A_117 = arith.constant 0 : i32
      %dma_wait3A_118 = arith.constant 0 : i32
      %dma_wait3A_119 = tpu.memref_slice %arg2[%dma_wait3A_117, %dma_wait3A_118] : memref<10112x128xf32, #tpu.memory_space<hbm>> -> memref<10112x128xf32, #tpu.memory_space<hbm>>
      tpu.wait_indirect_dma semaphore(%arg11 : memref<!tpu.dma_semaphore, #tpu.memory_space<semaphore_mem>>) src(%dma_wait3A_119 : memref<10112x128xf32, #tpu.memory_space<hbm>>) dst(%arg9 : memref<128x128xf32, #tpu.memory_space<vmem>>)
      %run_scoped3A_120 = arith.constant 4 : i32
      "tpu.region"() ({
        %run_scoped3A_164 = tpu.sem_alloc : memref<!tpu.dma_semaphore, #tpu.memory_space<semaphore_mem>>
        %dma_start3A_165 = arith.constant 0 : i32
        %dma_start3A_166 = tpu.memref_slice %arg8[%run_scoped3A_120, %dma_start3A_165] : memref<8x128xi32, #tpu.memory_space<vmem>> -> memref<1x128xi32, #tpu.memory_space<vmem>>
        %dma_start3A_167 = tpu.memref_squeeze %dma_start3A_166 : memref<1x128xi32, #tpu.memory_space<vmem>> -> memref<128xi32, #tpu.memory_space<vmem>>
        %dma_start3A_168 = arith.constant 0 : i32
        %dma_start3A_169 = arith.constant 0 : i32
        %dma_start3A_170 = tpu.memref_slice %arg6[%dma_start3A_168, %dma_start3A_169] : memref<10112x128xf32, #tpu.memory_space<vmem_shared>> -> memref<10112x128xf32, #tpu.memory_space<vmem_shared>>
        tpu.enqueue_indirect_dma source(%arg9 : memref<128x128xf32, #tpu.memory_space<vmem>>) target(%dma_start3A_170 : memref<10112x128xf32, #tpu.memory_space<vmem_shared>>) offsets(%dma_start3A_167 : memref<128xi32, #tpu.memory_space<vmem>>) semaphore(%run_scoped3A_164 : memref<!tpu.dma_semaphore, #tpu.memory_space<semaphore_mem>>) {add = true}
        %dma_wait3A_171 = arith.constant 0 : i32
        %dma_wait3A_172 = tpu.memref_slice %arg8[%run_scoped3A_120, %dma_wait3A_171] : memref<8x128xi32, #tpu.memory_space<vmem>> -> memref<1x128xi32, #tpu.memory_space<vmem>>
        %dma_wait3A_173 = tpu.memref_squeeze %dma_wait3A_172 : memref<1x128xi32, #tpu.memory_space<vmem>> -> memref<128xi32, #tpu.memory_space<vmem>>
        %dma_wait3A_174 = arith.constant 0 : i32
        %dma_wait3A_175 = arith.constant 0 : i32
        %dma_wait3A_176 = tpu.memref_slice %arg6[%dma_wait3A_174, %dma_wait3A_175] : memref<10112x128xf32, #tpu.memory_space<vmem_shared>> -> memref<10112x128xf32, #tpu.memory_space<vmem_shared>>
        tpu.wait_indirect_dma semaphore(%run_scoped3A_164 : memref<!tpu.dma_semaphore, #tpu.memory_space<semaphore_mem>>) src(%arg9 : memref<128x128xf32, #tpu.memory_space<vmem>>) dst(%dma_wait3A_176 : memref<10112x128xf32, #tpu.memory_space<vmem_shared>>)
        tpu.yield
      }) : () -> ()
      %dma_wait3A_121 = arith.constant 0 : i32
      %dma_wait3A_122 = tpu.memref_slice %arg7[%add3A_107, %dma_wait3A_121] : memref<80x128xi32, #tpu.memory_space<vmem>> -> memref<1x128xi32, #tpu.memory_space<vmem>>
      %dma_wait3A_123 = tpu.memref_squeeze %dma_wait3A_122 : memref<1x128xi32, #tpu.memory_space<vmem>> -> memref<128xi32, #tpu.memory_space<vmem>>
      %dma_wait3A_124 = arith.constant 0 : i32
      %dma_wait3A_125 = arith.constant 0 : i32
      %dma_wait3A_126 = tpu.memref_slice %arg2[%dma_wait3A_124, %dma_wait3A_125] : memref<10112x128xf32, #tpu.memory_space<hbm>> -> memref<10112x128xf32, #tpu.memory_space<hbm>>
      tpu.wait_indirect_dma semaphore(%arg12 : memref<!tpu.dma_semaphore, #tpu.memory_space<semaphore_mem>>) src(%dma_wait3A_126 : memref<10112x128xf32, #tpu.memory_space<hbm>>) dst(%arg10 : memref<128x128xf32, #tpu.memory_space<vmem>>)
      %run_scoped3A_127 = arith.constant 5 : i32
      "tpu.region"() ({
        %run_scoped3A_164 = tpu.sem_alloc : memref<!tpu.dma_semaphore, #tpu.memory_space<semaphore_mem>>
        %dma_start3A_165 = arith.constant 0 : i32
        %dma_start3A_166 = tpu.memref_slice %arg8[%run_scoped3A_127, %dma_start3A_165] : memref<8x128xi32, #tpu.memory_space<vmem>> -> memref<1x128xi32, #tpu.memory_space<vmem>>
        %dma_start3A_167 = tpu.memref_squeeze %dma_start3A_166 : memref<1x128xi32, #tpu.memory_space<vmem>> -> memref<128xi32, #tpu.memory_space<vmem>>
        %dma_start3A_168 = arith.constant 0 : i32
        %dma_start3A_169 = arith.constant 0 : i32
        %dma_start3A_170 = tpu.memref_slice %arg6[%dma_start3A_168, %dma_start3A_169] : memref<10112x128xf32, #tpu.memory_space<vmem_shared>> -> memref<10112x128xf32, #tpu.memory_space<vmem_shared>>
        tpu.enqueue_indirect_dma source(%arg10 : memref<128x128xf32, #tpu.memory_space<vmem>>) target(%dma_start3A_170 : memref<10112x128xf32, #tpu.memory_space<vmem_shared>>) offsets(%dma_start3A_167 : memref<128xi32, #tpu.memory_space<vmem>>) semaphore(%run_scoped3A_164 : memref<!tpu.dma_semaphore, #tpu.memory_space<semaphore_mem>>) {add = true}
        %dma_wait3A_171 = arith.constant 0 : i32
        %dma_wait3A_172 = tpu.memref_slice %arg8[%run_scoped3A_127, %dma_wait3A_171] : memref<8x128xi32, #tpu.memory_space<vmem>> -> memref<1x128xi32, #tpu.memory_space<vmem>>
        %dma_wait3A_173 = tpu.memref_squeeze %dma_wait3A_172 : memref<1x128xi32, #tpu.memory_space<vmem>> -> memref<128xi32, #tpu.memory_space<vmem>>
        %dma_wait3A_174 = arith.constant 0 : i32
        %dma_wait3A_175 = arith.constant 0 : i32
        %dma_wait3A_176 = tpu.memref_slice %arg6[%dma_wait3A_174, %dma_wait3A_175] : memref<10112x128xf32, #tpu.memory_space<vmem_shared>> -> memref<10112x128xf32, #tpu.memory_space<vmem_shared>>
        tpu.wait_indirect_dma semaphore(%run_scoped3A_164 : memref<!tpu.dma_semaphore, #tpu.memory_space<semaphore_mem>>) src(%arg10 : memref<128x128xf32, #tpu.memory_space<vmem>>) dst(%dma_wait3A_176 : memref<10112x128xf32, #tpu.memory_space<vmem_shared>>)
        tpu.yield
      }) : () -> ()
      %mul3A_128 = arith.constant 8 : i32
      %mul3A_129 = arith.muli %mul3A_128, %scan3A_17 : i32
      %add3A_130 = arith.constant 6 : i32
      %add3A_131 = arith.addi %mul3A_129, %add3A_130 : i32
      %dma_start3A_132 = arith.constant 0 : i32
      %dma_start3A_133 = tpu.memref_slice %arg7[%add3A_131, %dma_start3A_132] : memref<80x128xi32, #tpu.memory_space<vmem>> -> memref<1x128xi32, #tpu.memory_space<vmem>>
      %dma_start3A_134 = tpu.memref_squeeze %dma_start3A_133 : memref<1x128xi32, #tpu.memory_space<vmem>> -> memref<128xi32, #tpu.memory_space<vmem>>
      %dma_start3A_135 = arith.constant 0 : i32
      %dma_start3A_136 = arith.constant 0 : i32
      %dma_start3A_137 = tpu.memref_slice %arg2[%dma_start3A_135, %dma_start3A_136] : memref<10112x128xf32, #tpu.memory_space<hbm>> -> memref<10112x128xf32, #tpu.memory_space<hbm>>
      tpu.enqueue_indirect_dma source(%dma_start3A_137 : memref<10112x128xf32, #tpu.memory_space<hbm>>) target(%arg9 : memref<128x128xf32, #tpu.memory_space<vmem>>) offsets(%dma_start3A_134 : memref<128xi32, #tpu.memory_space<vmem>>) semaphore(%arg11 : memref<!tpu.dma_semaphore, #tpu.memory_space<semaphore_mem>>)
      %mul3A_138 = arith.constant 8 : i32
      %mul3A_139 = arith.muli %mul3A_138, %scan3A_17 : i32
      %add3A_140 = arith.constant 6 : i32
      %add3A_141 = arith.addi %mul3A_139, %add3A_140 : i32
      %add3A_142 = arith.constant 1 : i32
      %add3A_143 = arith.addi %add3A_141, %add3A_142 : i32
      %dma_start3A_144 = arith.constant 0 : i32
      %dma_start3A_145 = tpu.memref_slice %arg7[%add3A_143, %dma_start3A_144] : memref<80x128xi32, #tpu.memory_space<vmem>> -> memref<1x128xi32, #tpu.memory_space<vmem>>
      %dma_start3A_146 = tpu.memref_squeeze %dma_start3A_145 : memref<1x128xi32, #tpu.memory_space<vmem>> -> memref<128xi32, #tpu.memory_space<vmem>>
      %dma_start3A_147 = arith.constant 0 : i32
      %dma_start3A_148 = arith.constant 0 : i32
      %dma_start3A_149 = tpu.memref_slice %arg2[%dma_start3A_147, %dma_start3A_148] : memref<10112x128xf32, #tpu.memory_space<hbm>> -> memref<10112x128xf32, #tpu.memory_space<hbm>>
      tpu.enqueue_indirect_dma source(%dma_start3A_149 : memref<10112x128xf32, #tpu.memory_space<hbm>>) target(%arg10 : memref<128x128xf32, #tpu.memory_space<vmem>>) offsets(%dma_start3A_146 : memref<128xi32, #tpu.memory_space<vmem>>) semaphore(%arg12 : memref<!tpu.dma_semaphore, #tpu.memory_space<semaphore_mem>>)
      %dma_wait3A_150 = arith.constant 0 : i32
      %dma_wait3A_151 = tpu.memref_slice %arg7[%add3A_131, %dma_wait3A_150] : memref<80x128xi32, #tpu.memory_space<vmem>> -> memref<1x128xi32, #tpu.memory_space<vmem>>
      %dma_wait3A_152 = tpu.memref_squeeze %dma_wait3A_151 : memref<1x128xi32, #tpu.memory_space<vmem>> -> memref<128xi32, #tpu.memory_space<vmem>>
      %dma_wait3A_153 = arith.constant 0 : i32
      %dma_wait3A_154 = arith.constant 0 : i32
      %dma_wait3A_155 = tpu.memref_slice %arg2[%dma_wait3A_153, %dma_wait3A_154] : memref<10112x128xf32, #tpu.memory_space<hbm>> -> memref<10112x128xf32, #tpu.memory_space<hbm>>
      tpu.wait_indirect_dma semaphore(%arg11 : memref<!tpu.dma_semaphore, #tpu.memory_space<semaphore_mem>>) src(%dma_wait3A_155 : memref<10112x128xf32, #tpu.memory_space<hbm>>) dst(%arg9 : memref<128x128xf32, #tpu.memory_space<vmem>>)
      %run_scoped3A_156 = arith.constant 6 : i32
      "tpu.region"() ({
        %run_scoped3A_164 = tpu.sem_alloc : memref<!tpu.dma_semaphore, #tpu.memory_space<semaphore_mem>>
        %dma_start3A_165 = arith.constant 0 : i32
        %dma_start3A_166 = tpu.memref_slice %arg8[%run_scoped3A_156, %dma_start3A_165] : memref<8x128xi32, #tpu.memory_space<vmem>> -> memref<1x128xi32, #tpu.memory_space<vmem>>
        %dma_start3A_167 = tpu.memref_squeeze %dma_start3A_166 : memref<1x128xi32, #tpu.memory_space<vmem>> -> memref<128xi32, #tpu.memory_space<vmem>>
        %dma_start3A_168 = arith.constant 0 : i32
        %dma_start3A_169 = arith.constant 0 : i32
        %dma_start3A_170 = tpu.memref_slice %arg6[%dma_start3A_168, %dma_start3A_169] : memref<10112x128xf32, #tpu.memory_space<vmem_shared>> -> memref<10112x128xf32, #tpu.memory_space<vmem_shared>>
        tpu.enqueue_indirect_dma source(%arg9 : memref<128x128xf32, #tpu.memory_space<vmem>>) target(%dma_start3A_170 : memref<10112x128xf32, #tpu.memory_space<vmem_shared>>) offsets(%dma_start3A_167 : memref<128xi32, #tpu.memory_space<vmem>>) semaphore(%run_scoped3A_164 : memref<!tpu.dma_semaphore, #tpu.memory_space<semaphore_mem>>) {add = true}
        %dma_wait3A_171 = arith.constant 0 : i32
        %dma_wait3A_172 = tpu.memref_slice %arg8[%run_scoped3A_156, %dma_wait3A_171] : memref<8x128xi32, #tpu.memory_space<vmem>> -> memref<1x128xi32, #tpu.memory_space<vmem>>
        %dma_wait3A_173 = tpu.memref_squeeze %dma_wait3A_172 : memref<1x128xi32, #tpu.memory_space<vmem>> -> memref<128xi32, #tpu.memory_space<vmem>>
        %dma_wait3A_174 = arith.constant 0 : i32
        %dma_wait3A_175 = arith.constant 0 : i32
        %dma_wait3A_176 = tpu.memref_slice %arg6[%dma_wait3A_174, %dma_wait3A_175] : memref<10112x128xf32, #tpu.memory_space<vmem_shared>> -> memref<10112x128xf32, #tpu.memory_space<vmem_shared>>
        tpu.wait_indirect_dma semaphore(%run_scoped3A_164 : memref<!tpu.dma_semaphore, #tpu.memory_space<semaphore_mem>>) src(%arg9 : memref<128x128xf32, #tpu.memory_space<vmem>>) dst(%dma_wait3A_176 : memref<10112x128xf32, #tpu.memory_space<vmem_shared>>)
        tpu.yield
      }) : () -> ()
      %dma_wait3A_157 = arith.constant 0 : i32
      %dma_wait3A_158 = tpu.memref_slice %arg7[%add3A_143, %dma_wait3A_157] : memref<80x128xi32, #tpu.memory_space<vmem>> -> memref<1x128xi32, #tpu.memory_space<vmem>>
      %dma_wait3A_159 = tpu.memref_squeeze %dma_wait3A_158 : memref<1x128xi32, #tpu.memory_space<vmem>> -> memref<128xi32, #tpu.memory_space<vmem>>
      %dma_wait3A_160 = arith.constant 0 : i32
      %dma_wait3A_161 = arith.constant 0 : i32
      %dma_wait3A_162 = tpu.memref_slice %arg2[%dma_wait3A_160, %dma_wait3A_161] : memref<10112x128xf32, #tpu.memory_space<hbm>> -> memref<10112x128xf32, #tpu.memory_space<hbm>>
      tpu.wait_indirect_dma semaphore(%arg12 : memref<!tpu.dma_semaphore, #tpu.memory_space<semaphore_mem>>) src(%dma_wait3A_162 : memref<10112x128xf32, #tpu.memory_space<hbm>>) dst(%arg10 : memref<128x128xf32, #tpu.memory_space<vmem>>)
      %run_scoped3A_163 = arith.constant 7 : i32
      "tpu.region"() ({
        %run_scoped3A_164 = tpu.sem_alloc : memref<!tpu.dma_semaphore, #tpu.memory_space<semaphore_mem>>
        %dma_start3A_165 = arith.constant 0 : i32
        %dma_start3A_166 = tpu.memref_slice %arg8[%run_scoped3A_163, %dma_start3A_165] : memref<8x128xi32, #tpu.memory_space<vmem>> -> memref<1x128xi32, #tpu.memory_space<vmem>>
        %dma_start3A_167 = tpu.memref_squeeze %dma_start3A_166 : memref<1x128xi32, #tpu.memory_space<vmem>> -> memref<128xi32, #tpu.memory_space<vmem>>
        %dma_start3A_168 = arith.constant 0 : i32
        %dma_start3A_169 = arith.constant 0 : i32
        %dma_start3A_170 = tpu.memref_slice %arg6[%dma_start3A_168, %dma_start3A_169] : memref<10112x128xf32, #tpu.memory_space<vmem_shared>> -> memref<10112x128xf32, #tpu.memory_space<vmem_shared>>
        tpu.enqueue_indirect_dma source(%arg10 : memref<128x128xf32, #tpu.memory_space<vmem>>) target(%dma_start3A_170 : memref<10112x128xf32, #tpu.memory_space<vmem_shared>>) offsets(%dma_start3A_167 : memref<128xi32, #tpu.memory_space<vmem>>) semaphore(%run_scoped3A_164 : memref<!tpu.dma_semaphore, #tpu.memory_space<semaphore_mem>>) {add = true}
        %dma_wait3A_171 = arith.constant 0 : i32
        %dma_wait3A_172 = tpu.memref_slice %arg8[%run_scoped3A_163, %dma_wait3A_171] : memref<8x128xi32, #tpu.memory_space<vmem>> -> memref<1x128xi32, #tpu.memory_space<vmem>>
        %dma_wait3A_173 = tpu.memref_squeeze %dma_wait3A_172 : memref<1x128xi32, #tpu.memory_space<vmem>> -> memref<128xi32, #tpu.memory_space<vmem>>
        %dma_wait3A_174 = arith.constant 0 : i32
        %dma_wait3A_175 = arith.constant 0 : i32
        %dma_wait3A_176 = tpu.memref_slice %arg6[%dma_wait3A_174, %dma_wait3A_175] : memref<10112x128xf32, #tpu.memory_space<vmem_shared>> -> memref<10112x128xf32, #tpu.memory_space<vmem_shared>>
        tpu.wait_indirect_dma semaphore(%run_scoped3A_164 : memref<!tpu.dma_semaphore, #tpu.memory_space<semaphore_mem>>) src(%arg10 : memref<128x128xf32, #tpu.memory_space<vmem>>) dst(%dma_wait3A_176 : memref<10112x128xf32, #tpu.memory_space<vmem_shared>>)
        tpu.yield
      }) : () -> ()
    }
    %scan3A_11 = arith.constant 10 : i32
    %barrier3A_12 = arith.constant 0 : index
    tpu.barrier barrier_id(%barrier3A_12)
    %mul3A_13 = arith.constant 632 : i32
    %mul3A_14 = arith.muli %arg1, %mul3A_13 : i32
    %mul3A_15 = arith.constant 632 : i32
    %mul3A_16 = arith.muli %arg1, %mul3A_15 : i32
    "tpu.region"() ({
      %run_scoped3A = tpu.sem_alloc : memref<!tpu.dma_semaphore, #tpu.memory_space<semaphore_mem>>
      %dma_start3A = arith.constant 0 : i32
      %dma_start3A_17 = tpu.memref_slice %arg5[%arg0, %mul3A_16, %dma_start3A] : memref<2x10112x128xf32, #tpu.memory_space<hbm>> -> memref<1x632x128xf32, #tpu.memory_space<hbm>>
      %dma_start3A_18 = tpu.memref_squeeze %dma_start3A_17 : memref<1x632x128xf32, #tpu.memory_space<hbm>> -> memref<632x128xf32, #tpu.memory_space<hbm>>
      %dma_start3A_19 = arith.constant 0 : i32
      %dma_start3A_20 = tpu.memref_slice %arg6[%mul3A_14, %dma_start3A_19] : memref<10112x128xf32, #tpu.memory_space<vmem_shared>> -> memref<632x128xf32, #tpu.memory_space<vmem_shared>>
      tpu.enqueue_dma source(%dma_start3A_20 : memref<632x128xf32, #tpu.memory_space<vmem_shared>>) target(%dma_start3A_18 : memref<632x128xf32, #tpu.memory_space<hbm>>) target_semaphore(%run_scoped3A : memref<!tpu.dma_semaphore, #tpu.memory_space<semaphore_mem>>)
      %dma_wait3A = arith.constant 0 : i32
      %dma_wait3A_21 = tpu.memref_slice %arg5[%arg0, %mul3A_16, %dma_wait3A] : memref<2x10112x128xf32, #tpu.memory_space<hbm>> -> memref<1x632x128xf32, #tpu.memory_space<hbm>>
      %dma_wait3A_22 = tpu.memref_squeeze %dma_wait3A_21 : memref<1x632x128xf32, #tpu.memory_space<hbm>> -> memref<632x128xf32, #tpu.memory_space<hbm>>
      %dma_wait3A_23 = arith.constant 0 : i32
      %dma_wait3A_24 = tpu.memref_slice %arg6[%mul3A_14, %dma_wait3A_23] : memref<10112x128xf32, #tpu.memory_space<vmem_shared>> -> memref<632x128xf32, #tpu.memory_space<vmem_shared>>
      tpu.wait_dma2 semaphore(%run_scoped3A : memref<!tpu.dma_semaphore, #tpu.memory_space<semaphore_mem>>) src(%dma_wait3A_24 : memref<632x128xf32, #tpu.memory_space<vmem_shared>>) dst(%dma_wait3A_22 : memref<632x128xf32, #tpu.memory_space<hbm>>)
      tpu.yield
    }) : () -> ()
    return
  }
}

module attributes {stable_mosaic.version = 14 : i64} {
  func.func @_t1_body(%arg0: i32, %arg1: memref<2x1264x1xf32, #tpu.memory_space<vmem>>, %arg2: memref<1264x128xf32, #tpu.memory_space<vmem>>, %arg3: memref<128x128xf32, #tpu.memory_space<vmem>>, %arg4: memref<1264x128xf32, #tpu.memory_space<vmem>>, %arg5: memref<1264x1xf32, #tpu.memory_space<vmem>>) attributes {dimension_semantics = [#tpu.dimension_semantics<arbitrary>], iteration_bounds = array<i64: 8>, scalar_prefetch = 0 : i64, scratch_operands = 0 : i64, tpu.core_type = #tpu.core_type<tc>, window_params = [{transform_indices = @transform_0, window_bounds = array<i64: 2, 1264, 1>}, {transform_indices = @transform_1, window_bounds = array<i64: 1264, 128>}, {pipeline_mode = #tpu.pipeline_mode<synchronous>, transform_indices = @transform_2, window_bounds = array<i64: 128, 128>}, {transform_indices = @transform_3, window_bounds = array<i64: 1264, 128>}, {transform_indices = @transform_4, window_bounds = array<i64: 1264, 1>}]} {
    %get3A = arith.constant 0 : index
    %get3A_0 = arith.constant 0 : index
    %get3A_1 = arith.constant 0 : index
    %get3A_2 = vector.load %arg1[%get3A, %get3A_0, %get3A_1] : memref<2x1264x1xf32, #tpu.memory_space<vmem>>, vector<1x1264x1xf32>
    %get3A_3 = vector.shape_cast %get3A_2 : vector<1x1264x1xf32> to vector<1264x1xf32>
    %get3A_4 = arith.constant 1 : index
    %get3A_5 = arith.constant 0 : index
    %get3A_6 = arith.constant 0 : index
    %get3A_7 = vector.load %arg1[%get3A_4, %get3A_5, %get3A_6] : memref<2x1264x1xf32, #tpu.memory_space<vmem>>, vector<1x1264x1xf32>
    %get3A_8 = vector.shape_cast %get3A_7 : vector<1x1264x1xf32> to vector<1264x1xf32>
    %add3A = arith.addf %get3A_3, %get3A_8 : vector<1264x1xf32>
    %add3A_9 = arith.constant 1.000000e+00 : f32
    %add3A_10 = vector.broadcast %add3A_9 : f32 to vector<1264x1xf32>
    %add3A_11 = arith.addf %add3A, %add3A_10 : vector<1264x1xf32>
    %rsqrt3A = math.rsqrt %add3A_11 : vector<1264x1xf32>
    %get3A_12 = arith.constant 0 : index
    %get3A_13 = arith.constant 0 : index
    %get3A_14 = vector.load %arg2[%get3A_12, %get3A_13] : memref<1264x128xf32, #tpu.memory_space<vmem>>, vector<1264x128xf32>
    %get3A_15 = arith.constant 0 : index
    %get3A_16 = arith.constant 0 : index
    %get3A_17 = vector.load %arg3[%get3A_15, %get3A_16] : memref<128x128xf32, #tpu.memory_space<vmem>>, vector<128x128xf32>
    %dot_general3A = arith.constant dense<0.000000e+00> : vector<1264x128xf32>
    %dot_general3A_18 = tpu.matmul %get3A_14, %get3A_17, %dot_general3A {dimension_numbers = #tpu.dot_dimension_numbers<[1], [0], [0], [1], [0, 0, 1, 1], [], []>, transpose_lhs_hint = false} : vector<1264x128xf32>, vector<128x128xf32>, vector<1264x128xf32> -> vector<1264x128xf32>
    %mul3A = vector.broadcast %rsqrt3A : vector<1264x1xf32> to vector<1264x128xf32>
    %mul3A_19 = arith.mulf %mul3A, %dot_general3A_18 : vector<1264x128xf32>
    %swap3A = arith.constant 0 : index
    %swap3A_20 = arith.constant 0 : index
    %swap3A_21 = vector.load %arg4[%swap3A, %swap3A_20] : memref<1264x128xf32, #tpu.memory_space<vmem>>, vector<1264x128xf32>
    tpu.vector_store %arg4[%swap3A, %swap3A_20], %mul3A_19 {strides = array<i32>} : memref<1264x128xf32, #tpu.memory_space<vmem>>, vector<1264x128xf32>,
    %swap3A_22 = arith.constant 0 : index
    %swap3A_23 = arith.constant 0 : index
    %swap3A_24 = vector.load %arg5[%swap3A_22, %swap3A_23] : memref<1264x1xf32, #tpu.memory_space<vmem>>, vector<1264x1xf32>
    tpu.vector_store %arg5[%swap3A_22, %swap3A_23], %rsqrt3A {strides = array<i32>} : memref<1264x1xf32, #tpu.memory_space<vmem>>, vector<1264x1xf32>,
    return
  }
  func.func @transform_0(%arg0: i32) -> (i32, i32, i32) {
    %c0_i32 = arith.constant 0 : i32
    %c0_i32_0 = arith.constant 0 : i32
    %c0_i32_1 = arith.constant 0 : i32
    return %c0_i32, %arg0, %c0_i32_0 : i32, i32, i32
  }
  func.func @transform_1(%arg0: i32) -> (i32, i32) {
    %c0_i32 = arith.constant 0 : i32
    %c0_i32_0 = arith.constant 0 : i32
    return %arg0, %c0_i32 : i32, i32
  }
  func.func @transform_2(%arg0: i32) -> (i32, i32) {
    %c0_i32 = arith.constant 0 : i32
    %c0_i32_0 = arith.constant 0 : i32
    %c0_i32_1 = arith.constant 0 : i32
    return %c0_i32, %c0_i32_0 : i32, i32
  }
  func.func @transform_3(%arg0: i32) -> (i32, i32) {
    %c0_i32 = arith.constant 0 : i32
    %c0_i32_0 = arith.constant 0 : i32
    return %arg0, %c0_i32 : i32, i32
  }
  func.func @transform_4(%arg0: i32) -> (i32, i32) {
    %c0_i32 = arith.constant 0 : i32
    %c0_i32_0 = arith.constant 0 : i32
    return %arg0, %c0_i32 : i32, i32
  }
}

module attributes {stable_mosaic.version = 14 : i64} {
  func.func @_mid_body(%arg0: i32, %arg1: memref<2x1264x128xf32, #tpu.memory_space<vmem>>, %arg2: memref<1264x128xf32, #tpu.memory_space<vmem>>, %arg3: memref<1264x1xf32, #tpu.memory_space<vmem>>, %arg4: memref<1x128xf32, #tpu.memory_space<vmem>>, %arg5: memref<1x128xf32, #tpu.memory_space<vmem>>, %arg6: memref<1x128xf32, #tpu.memory_space<vmem>>, %arg7: memref<1x128xf32, #tpu.memory_space<vmem>>, %arg8: memref<1x128xf32, #tpu.memory_space<vmem>>, %arg9: memref<128x128xf32, #tpu.memory_space<vmem>>, %arg10: memref<1264x128xf32, #tpu.memory_space<vmem>>) attributes {dimension_semantics = [#tpu.dimension_semantics<arbitrary>], iteration_bounds = array<i64: 8>, scalar_prefetch = 0 : i64, scratch_operands = 0 : i64, tpu.core_type = #tpu.core_type<tc>, window_params = [{transform_indices = @transform_0, window_bounds = array<i64: 2, 1264, 128>}, {transform_indices = @transform_1, window_bounds = array<i64: 1264, 128>}, {transform_indices = @transform_2, window_bounds = array<i64: 1264, 1>}, {pipeline_mode = #tpu.pipeline_mode<synchronous>, transform_indices = @transform_3, window_bounds = array<i64: 1, 128>}, {pipeline_mode = #tpu.pipeline_mode<synchronous>, transform_indices = @transform_4, window_bounds = array<i64: 1, 128>}, {pipeline_mode = #tpu.pipeline_mode<synchronous>, transform_indices = @transform_5, window_bounds = array<i64: 1, 128>}, {pipeline_mode = #tpu.pipeline_mode<synchronous>, transform_indices = @transform_6, window_bounds = array<i64: 1, 128>}, {pipeline_mode = #tpu.pipeline_mode<synchronous>, transform_indices = @transform_7, window_bounds = array<i64: 1, 128>}, {pipeline_mode = #tpu.pipeline_mode<synchronous>, transform_indices = @transform_8, window_bounds = array<i64: 128, 128>}, {transform_indices = @transform_9, window_bounds = array<i64: 1264, 128>}]} {
    %get3A = arith.constant 0 : index
    %get3A_0 = arith.constant 0 : index
    %get3A_1 = vector.load %arg3[%get3A, %get3A_0] : memref<1264x1xf32, #tpu.memory_space<vmem>>, vector<1264x1xf32>
    %get3A_2 = arith.constant 0 : index
    %get3A_3 = arith.constant 0 : index
    %get3A_4 = arith.constant 0 : index
    %get3A_5 = vector.load %arg1[%get3A_2, %get3A_3, %get3A_4] : memref<2x1264x128xf32, #tpu.memory_space<vmem>>, vector<1x1264x128xf32>
    %get3A_6 = vector.shape_cast %get3A_5 : vector<1x1264x128xf32> to vector<1264x128xf32>
    %get3A_7 = arith.constant 1 : index
    %get3A_8 = arith.constant 0 : index
    %get3A_9 = arith.constant 0 : index
    %get3A_10 = vector.load %arg1[%get3A_7, %get3A_8, %get3A_9] : memref<2x1264x128xf32, #tpu.memory_space<vmem>>, vector<1x1264x128xf32>
    %get3A_11 = vector.shape_cast %get3A_10 : vector<1x1264x128xf32> to vector<1264x128xf32>
    %add3A = arith.addf %get3A_6, %get3A_11 : vector<1264x128xf32>
    %get3A_12 = arith.constant 0 : index
    %get3A_13 = arith.constant 0 : index
    %get3A_14 = vector.load %arg2[%get3A_12, %get3A_13] : memref<1264x128xf32, #tpu.memory_space<vmem>>, vector<1264x128xf32>
    %sub3A = arith.subf %add3A, %get3A_14 : vector<1264x128xf32>
    %mul3A = vector.broadcast %get3A_1 : vector<1264x1xf32> to vector<1264x128xf32>
    %mul3A_15 = arith.mulf %mul3A, %sub3A : vector<1264x128xf32>
    %get3A_16 = arith.constant 0 : index
    %get3A_17 = arith.constant 0 : index
    %get3A_18 = vector.load %arg4[%get3A_16, %get3A_17] : memref<1x128xf32, #tpu.memory_space<vmem>>, vector<1x128xf32>
    %add3A_19 = vector.broadcast %get3A_18 : vector<1x128xf32> to vector<1264x128xf32>
    %add3A_20 = arith.addf %mul3A_15, %add3A_19 : vector<1264x128xf32>
    %get3A_21 = arith.constant 0 : index
    %get3A_22 = arith.constant 0 : index
    %get3A_23 = vector.load %arg5[%get3A_21, %get3A_22] : memref<1x128xf32, #tpu.memory_space<vmem>>, vector<1x128xf32>
    %get3A_24 = arith.constant 0 : index
    %get3A_25 = arith.constant 0 : index
    %get3A_26 = vector.load %arg6[%get3A_24, %get3A_25] : memref<1x128xf32, #tpu.memory_space<vmem>>, vector<1x128xf32>
    %get3A_27 = arith.constant 0 : index
    %get3A_28 = arith.constant 0 : index
    %get3A_29 = vector.load %arg7[%get3A_27, %get3A_28] : memref<1x128xf32, #tpu.memory_space<vmem>>, vector<1x128xf32>
    %get3A_30 = arith.constant 0 : index
    %get3A_31 = arith.constant 0 : index
    %get3A_32 = vector.load %arg8[%get3A_30, %get3A_31] : memref<1x128xf32, #tpu.memory_space<vmem>>, vector<1x128xf32>
    %sub3A_33 = vector.broadcast %get3A_29 : vector<1x128xf32> to vector<1264x128xf32>
    %sub3A_34 = arith.subf %add3A_20, %sub3A_33 : vector<1264x128xf32>
    %add3A_35 = arith.constant 9.99999974E-6 : f32
    %add3A_36 = vector.broadcast %add3A_35 : f32 to vector<1x128xf32>
    %add3A_37 = arith.addf %get3A_32, %add3A_36 : vector<1x128xf32>
    %rsqrt3A = math.rsqrt %add3A_37 : vector<1x128xf32>
    %mul3A_38 = arith.mulf %get3A_23, %rsqrt3A : vector<1x128xf32>
    %mul3A_39 = vector.broadcast %mul3A_38 : vector<1x128xf32> to vector<1264x128xf32>
    %mul3A_40 = arith.mulf %sub3A_34, %mul3A_39 : vector<1264x128xf32>
    %add3A_41 = vector.broadcast %get3A_26 : vector<1x128xf32> to vector<1264x128xf32>
    %add3A_42 = arith.addf %mul3A_40, %add3A_41 : vector<1264x128xf32>
    %gt3A = arith.constant 0.000000e+00 : f32
    %gt3A_43 = vector.broadcast %gt3A : f32 to vector<1264x128xf32>
    %gt3A_44 = arith.cmpf ogt, %add3A_42, %gt3A_43 : vector<1264x128xf32>
    %exp3A = math.exp %add3A_42 : vector<1264x128xf32>
    %sub3A_45 = arith.constant 1.000000e+00 : f32
    %sub3A_46 = vector.broadcast %sub3A_45 : f32 to vector<1264x128xf32>
    %sub3A_47 = arith.subf %exp3A, %sub3A_46 : vector<1264x128xf32>
    %select_n3A = arith.select %gt3A_44, %add3A_42, %sub3A_47 : vector<1264x128xi1>, vector<1264x128xf32>
    %get3A_48 = arith.constant 0 : index
    %get3A_49 = arith.constant 0 : index
    %get3A_50 = vector.load %arg9[%get3A_48, %get3A_49] : memref<128x128xf32, #tpu.memory_space<vmem>>, vector<128x128xf32>
    %dot_general3A = arith.constant dense<0.000000e+00> : vector<1264x128xf32>
    %dot_general3A_51 = tpu.matmul %select_n3A, %get3A_50, %dot_general3A {dimension_numbers = #tpu.dot_dimension_numbers<[1], [0], [0], [1], [0, 0, 1, 1], [], []>, transpose_lhs_hint = false} : vector<1264x128xf32>, vector<128x128xf32>, vector<1264x128xf32> -> vector<1264x128xf32>
    %mul3A_52 = vector.broadcast %get3A_1 : vector<1264x1xf32> to vector<1264x128xf32>
    %mul3A_53 = arith.mulf %mul3A_52, %dot_general3A_51 : vector<1264x128xf32>
    %swap3A = arith.constant 0 : index
    %swap3A_54 = arith.constant 0 : index
    %swap3A_55 = vector.load %arg10[%swap3A, %swap3A_54] : memref<1264x128xf32, #tpu.memory_space<vmem>>, vector<1264x128xf32>
    tpu.vector_store %arg10[%swap3A, %swap3A_54], %mul3A_53 {strides = array<i32>} : memref<1264x128xf32, #tpu.memory_space<vmem>>, vector<1264x128xf32>,
    return
  }
  func.func @transform_0(%arg0: i32) -> (i32, i32, i32) {
    %c0_i32 = arith.constant 0 : i32
    %c0_i32_0 = arith.constant 0 : i32
    %c0_i32_1 = arith.constant 0 : i32
    return %c0_i32, %arg0, %c0_i32_0 : i32, i32, i32
  }
  func.func @transform_1(%arg0: i32) -> (i32, i32) {
    %c0_i32 = arith.constant 0 : i32
    %c0_i32_0 = arith.constant 0 : i32
    return %arg0, %c0_i32 : i32, i32
  }
  func.func @transform_2(%arg0: i32) -> (i32, i32) {
    %c0_i32 = arith.constant 0 : i32
    %c0_i32_0 = arith.constant 0 : i32
    return %arg0, %c0_i32 : i32, i32
  }
  func.func @transform_3(%arg0: i32) -> (i32, i32) {
    %c0_i32 = arith.constant 0 : i32
    %c0_i32_0 = arith.constant 0 : i32
    %c0_i32_1 = arith.constant 0 : i32
    return %c0_i32, %c0_i32_0 : i32, i32
  }
  func.func @transform_4(%arg0: i32) -> (i32, i32) {
    %c0_i32 = arith.constant 0 : i32
    %c0_i32_0 = arith.constant 0 : i32
    %c0_i32_1 = arith.constant 0 : i32
    return %c0_i32, %c0_i32_0 : i32, i32
  }
  func.func @transform_5(%arg0: i32) -> (i32, i32) {
    %c0_i32 = arith.constant 0 : i32
    %c0_i32_0 = arith.constant 0 : i32
    %c0_i32_1 = arith.constant 0 : i32
    return %c0_i32, %c0_i32_0 : i32, i32
  }
  func.func @transform_6(%arg0: i32) -> (i32, i32) {
    %c0_i32 = arith.constant 0 : i32
    %c0_i32_0 = arith.constant 0 : i32
    %c0_i32_1 = arith.constant 0 : i32
    return %c0_i32, %c0_i32_0 : i32, i32
  }
  func.func @transform_7(%arg0: i32) -> (i32, i32) {
    %c0_i32 = arith.constant 0 : i32
    %c0_i32_0 = arith.constant 0 : i32
    %c0_i32_1 = arith.constant 0 : i32
    return %c0_i32, %c0_i32_0 : i32, i32
  }
  func.func @transform_8(%arg0: i32) -> (i32, i32) {
    %c0_i32 = arith.constant 0 : i32
    %c0_i32_0 = arith.constant 0 : i32
    %c0_i32_1 = arith.constant 0 : i32
    return %c0_i32, %c0_i32_0 : i32, i32
  }
  func.func @transform_9(%arg0: i32) -> (i32, i32) {
    %c0_i32 = arith.constant 0 : i32
    %c0_i32_0 = arith.constant 0 : i32
    return %arg0, %c0_i32 : i32, i32
  }
}

module attributes {stable_mosaic.version = 14 : i64} {
  func.func @_out_body(%arg0: i32, %arg1: memref<2x1264x128xf32, #tpu.memory_space<vmem>>, %arg2: memref<1264x128xf32, #tpu.memory_space<vmem>>, %arg3: memref<1264x1xf32, #tpu.memory_space<vmem>>, %arg4: memref<1x128xf32, #tpu.memory_space<vmem>>, %arg5: memref<1x128xf32, #tpu.memory_space<vmem>>, %arg6: memref<1x128xf32, #tpu.memory_space<vmem>>, %arg7: memref<1x128xf32, #tpu.memory_space<vmem>>, %arg8: memref<1x128xf32, #tpu.memory_space<vmem>>, %arg9: memref<1264x128xf32, #tpu.memory_space<vmem>>) attributes {dimension_semantics = [#tpu.dimension_semantics<arbitrary>], iteration_bounds = array<i64: 8>, scalar_prefetch = 0 : i64, scratch_operands = 0 : i64, tpu.core_type = #tpu.core_type<tc>, window_params = [{transform_indices = @transform_0, window_bounds = array<i64: 2, 1264, 128>}, {transform_indices = @transform_1, window_bounds = array<i64: 1264, 128>}, {transform_indices = @transform_2, window_bounds = array<i64: 1264, 1>}, {pipeline_mode = #tpu.pipeline_mode<synchronous>, transform_indices = @transform_3, window_bounds = array<i64: 1, 128>}, {pipeline_mode = #tpu.pipeline_mode<synchronous>, transform_indices = @transform_4, window_bounds = array<i64: 1, 128>}, {pipeline_mode = #tpu.pipeline_mode<synchronous>, transform_indices = @transform_5, window_bounds = array<i64: 1, 128>}, {pipeline_mode = #tpu.pipeline_mode<synchronous>, transform_indices = @transform_6, window_bounds = array<i64: 1, 128>}, {pipeline_mode = #tpu.pipeline_mode<synchronous>, transform_indices = @transform_7, window_bounds = array<i64: 1, 128>}, {transform_indices = @transform_8, window_bounds = array<i64: 1264, 128>}]} {
    %get3A = arith.constant 0 : index
    %get3A_0 = arith.constant 0 : index
    %get3A_1 = vector.load %arg3[%get3A, %get3A_0] : memref<1264x1xf32, #tpu.memory_space<vmem>>, vector<1264x1xf32>
    %get3A_2 = arith.constant 0 : index
    %get3A_3 = arith.constant 0 : index
    %get3A_4 = arith.constant 0 : index
    %get3A_5 = vector.load %arg1[%get3A_2, %get3A_3, %get3A_4] : memref<2x1264x128xf32, #tpu.memory_space<vmem>>, vector<1x1264x128xf32>
    %get3A_6 = vector.shape_cast %get3A_5 : vector<1x1264x128xf32> to vector<1264x128xf32>
    %get3A_7 = arith.constant 1 : index
    %get3A_8 = arith.constant 0 : index
    %get3A_9 = arith.constant 0 : index
    %get3A_10 = vector.load %arg1[%get3A_7, %get3A_8, %get3A_9] : memref<2x1264x128xf32, #tpu.memory_space<vmem>>, vector<1x1264x128xf32>
    %get3A_11 = vector.shape_cast %get3A_10 : vector<1x1264x128xf32> to vector<1264x128xf32>
    %add3A = arith.addf %get3A_6, %get3A_11 : vector<1264x128xf32>
    %get3A_12 = arith.constant 0 : index
    %get3A_13 = arith.constant 0 : index
    %get3A_14 = vector.load %arg2[%get3A_12, %get3A_13] : memref<1264x128xf32, #tpu.memory_space<vmem>>, vector<1264x128xf32>
    %sub3A = arith.subf %add3A, %get3A_14 : vector<1264x128xf32>
    %mul3A = vector.broadcast %get3A_1 : vector<1264x1xf32> to vector<1264x128xf32>
    %mul3A_15 = arith.mulf %mul3A, %sub3A : vector<1264x128xf32>
    %get3A_16 = arith.constant 0 : index
    %get3A_17 = arith.constant 0 : index
    %get3A_18 = vector.load %arg4[%get3A_16, %get3A_17] : memref<1x128xf32, #tpu.memory_space<vmem>>, vector<1x128xf32>
    %add3A_19 = vector.broadcast %get3A_18 : vector<1x128xf32> to vector<1264x128xf32>
    %add3A_20 = arith.addf %mul3A_15, %add3A_19 : vector<1264x128xf32>
    %get3A_21 = arith.constant 0 : index
    %get3A_22 = arith.constant 0 : index
    %get3A_23 = vector.load %arg5[%get3A_21, %get3A_22] : memref<1x128xf32, #tpu.memory_space<vmem>>, vector<1x128xf32>
    %get3A_24 = arith.constant 0 : index
    %get3A_25 = arith.constant 0 : index
    %get3A_26 = vector.load %arg6[%get3A_24, %get3A_25] : memref<1x128xf32, #tpu.memory_space<vmem>>, vector<1x128xf32>
    %get3A_27 = arith.constant 0 : index
    %get3A_28 = arith.constant 0 : index
    %get3A_29 = vector.load %arg7[%get3A_27, %get3A_28] : memref<1x128xf32, #tpu.memory_space<vmem>>, vector<1x128xf32>
    %get3A_30 = arith.constant 0 : index
    %get3A_31 = arith.constant 0 : index
    %get3A_32 = vector.load %arg8[%get3A_30, %get3A_31] : memref<1x128xf32, #tpu.memory_space<vmem>>, vector<1x128xf32>
    %sub3A_33 = vector.broadcast %get3A_29 : vector<1x128xf32> to vector<1264x128xf32>
    %sub3A_34 = arith.subf %add3A_20, %sub3A_33 : vector<1264x128xf32>
    %add3A_35 = arith.constant 9.99999974E-6 : f32
    %add3A_36 = vector.broadcast %add3A_35 : f32 to vector<1x128xf32>
    %add3A_37 = arith.addf %get3A_32, %add3A_36 : vector<1x128xf32>
    %rsqrt3A = math.rsqrt %add3A_37 : vector<1x128xf32>
    %mul3A_38 = arith.mulf %get3A_23, %rsqrt3A : vector<1x128xf32>
    %mul3A_39 = vector.broadcast %mul3A_38 : vector<1x128xf32> to vector<1264x128xf32>
    %mul3A_40 = arith.mulf %sub3A_34, %mul3A_39 : vector<1264x128xf32>
    %add3A_41 = vector.broadcast %get3A_26 : vector<1x128xf32> to vector<1264x128xf32>
    %add3A_42 = arith.addf %mul3A_40, %add3A_41 : vector<1264x128xf32>
    %gt3A = arith.constant 0.000000e+00 : f32
    %gt3A_43 = vector.broadcast %gt3A : f32 to vector<1264x128xf32>
    %gt3A_44 = arith.cmpf ogt, %add3A_42, %gt3A_43 : vector<1264x128xf32>
    %exp3A = math.exp %add3A_42 : vector<1264x128xf32>
    %sub3A_45 = arith.constant 1.000000e+00 : f32
    %sub3A_46 = vector.broadcast %sub3A_45 : f32 to vector<1264x128xf32>
    %sub3A_47 = arith.subf %exp3A, %sub3A_46 : vector<1264x128xf32>
    %select_n3A = arith.select %gt3A_44, %add3A_42, %sub3A_47 : vector<1264x128xi1>, vector<1264x128xf32>
    %swap3A = arith.constant 0 : index
    %swap3A_48 = arith.constant 0 : index
    %swap3A_49 = vector.load %arg9[%swap3A, %swap3A_48] : memref<1264x128xf32, #tpu.memory_space<vmem>>, vector<1264x128xf32>
    tpu.vector_store %arg9[%swap3A, %swap3A_48], %select_n3A {strides = array<i32>} : memref<1264x128xf32, #tpu.memory_space<vmem>>, vector<1264x128xf32>,
    return
  }
  func.func @transform_0(%arg0: i32) -> (i32, i32, i32) {
    %c0_i32 = arith.constant 0 : i32
    %c0_i32_0 = arith.constant 0 : i32
    %c0_i32_1 = arith.constant 0 : i32
    return %c0_i32, %arg0, %c0_i32_0 : i32, i32, i32
  }
  func.func @transform_1(%arg0: i32) -> (i32, i32) {
    %c0_i32 = arith.constant 0 : i32
    %c0_i32_0 = arith.constant 0 : i32
    return %arg0, %c0_i32 : i32, i32
  }
  func.func @transform_2(%arg0: i32) -> (i32, i32) {
    %c0_i32 = arith.constant 0 : i32
    %c0_i32_0 = arith.constant 0 : i32
    return %arg0, %c0_i32 : i32, i32
  }
  func.func @transform_3(%arg0: i32) -> (i32, i32) {
    %c0_i32 = arith.constant 0 : i32
    %c0_i32_0 = arith.constant 0 : i32
    %c0_i32_1 = arith.constant 0 : i32
    return %c0_i32, %c0_i32_0 : i32, i32
  }
  func.func @transform_4(%arg0: i32) -> (i32, i32) {
    %c0_i32 = arith.constant 0 : i32
    %c0_i32_0 = arith.constant 0 : i32
    %c0_i32_1 = arith.constant 0 : i32
    return %c0_i32, %c0_i32_0 : i32, i32
  }
  func.func @transform_5(%arg0: i32) -> (i32, i32) {
    %c0_i32 = arith.constant 0 : i32
    %c0_i32_0 = arith.constant 0 : i32
    %c0_i32_1 = arith.constant 0 : i32
    return %c0_i32, %c0_i32_0 : i32, i32
  }
  func.func @transform_6(%arg0: i32) -> (i32, i32) {
    %c0_i32 = arith.constant 0 : i32
    %c0_i32_0 = arith.constant 0 : i32
    %c0_i32_1 = arith.constant 0 : i32
    return %c0_i32, %c0_i32_0 : i32, i32
  }
  func.func @transform_7(%arg0: i32) -> (i32, i32) {
    %c0_i32 = arith.constant 0 : i32
    %c0_i32_0 = arith.constant 0 : i32
    %c0_i32_1 = arith.constant 0 : i32
    return %c0_i32, %c0_i32_0 : i32, i32
  }
  func.func @transform_8(%arg0: i32) -> (i32, i32) {
    %c0_i32 = arith.constant 0 : i32
    %c0_i32_0 = arith.constant 0 : i32
    return %arg0, %c0_i32 : i32, i32
  }
}

</mosaic_0001>

<sc_bundles>
// kernel: kernel.11.cloned.1.call-start
scs
__scs_entry_jumppad:
0x0: {  	(pc) =	sbr.rel $0x88, $3  }
0x1: {  	(tag) =	ssettag $0x0;
	lr =	simm.s32 $0x1  }
0x2: {  	[smem:$0x3F93] =	sst lr;
	_ =	strace $0xD0000000  }
0x3: {  	_ = 	snop  }
0x4: {  	_ = 	snop  }
0x5: {  	_ = 	snop  }
0x6: {  	_ = 	snop  }
0x7: {  	_ = 	snop  }
__scs_overlays_trampoline_lowered:
0x8: {  	[smem:$0x3FA2] =	sst s0  }
0x9: {  	[smem:$0x3FA3] =	sst s1  }
0xa: {  	[smem:$0x3FA4] =	sst s2  }
0xb: {  	[smem:$0x3FA5] =	sst s3  }
0xc: {  	[smem:$0x3FA6] =	sst s4  }
0xd: {  	[smem:$0x3FA7] =	sst s5  }
0xe: {  	[smem:$0x3FA8] =	sst s6  }
0xf: {  	[smem:$0x3FA9] =	sst s7  }
0x10: {  	[smem:$0x3FAA] =	sst s8  }
0x11: {  	[smem:$0x3FAB] =	sst s9;
	s0 =	simm.s32 @!p0 $0x0  }
0x12: {  	s1 =	sld [smem:$0x3F91];
	s0 =	simm.s32 @p0 $0x1  }
0x13: {  	[smem:$0x3FAC] =	sst s0;
	s0 =	simm.s32 @!p1 $0x0  }
0x14: {  	s2 =	sld [smem:$0x3F90];
	s0 =	simm.s32 @p1 $0x1  }
0x15: {  	[smem:$0x3FAD] =	sst s0;
	s0 =	simm.s32 @!p2 $0x0  }
0x16: {  	s3 =	sld [smem:$0x3FDB];
	s0 =	simm.s32 @p2 $0x1  }
0x17: {  	s4 =	simm.s32 $0x1BF5;
	[smem:$0x3FAF] =	sst s0  }
0x18: {  	s0 =	sld [smem:$0x3F92];
	_ =	swait.ge [sflag:s4], $0x0  }
0x19: {  	s7 =	sld [smem:$0x3F93]  }
0x1a: {  	s8 =	sadd.s32 $0xFFFFE003, lr  }
0x1b: {  	s9 =	sadd.s32 $0xFFFFFEF7, lr;
	s5 =	simm.s32 $0xFFFFFFFF;
	p2 =	slt.u32 s8, $0xFFFFF086  }
0x1c: {  	p1 =	slt.u32 s9, $0xF7A;
	s5 =	simm.s32 @!p2 $0x0  }
0x1d: {  	s5 =	simm.s32 @p1 $0x1;
	p0 =	seq.s32 s7, s2  }
0x1e: {  	s7 =	smul.u32 @!p0 $0xF7A, s2;
	p2 =	seq.s32 @!p0 s5, $0x0  }
0x1f: {  	s9 =	smul.u32 $0xF7A, s1;
	s8 =	simm.s32 @!p0 $0x1BF5;
	p2 =	por !p2, p0  }
0x20: {  	[sflag:s8] =	ssyncset.s32 @!p0 $0xFFFFF086;
	s6 =	sadd.s32 @!p0 s3, s7;
	s7 =	simm.s32 @!p0 $0x108  }
0x21: {  	s3 =	sadd.s32 s3, s9;
	s6 =	sadd.s32 @!p0 $0x88, s6;
	s7 =	simm.s32 @p2 $0x1082  }
0x22: {  	[simem:s7], [sflag:s8] =	dma.local @!p0 [hbm:s6], $0xF7A  }
0x23: {  	s9 =	sor.u32 $0xD0000000, s2;
	s6 =	simm.s32 $0x108;
	_ =	swait.ge @!p0 [sflag:s8], $0x0  }
0x24: {  	s3 =	sadd.s32 $0x88, s3;
	s6 =	simm.s32 @!p1 $0x1082;
	[sflag:s4] =	ssyncset.s32 $0xFFFFF086  }
0x25: {  	[simem:s6], [sflag:s4] =	dma.local [hbm:s3], $0xF7A  }
0x26: {  	[smem:$0x3F93] =	sst s1;
	(tag) =	ssettag s2;
	_ =	strace s9  }
0x27: {  	s1 =	sld [smem:$0x3FA3]  }
0x28: {  	s2 =	sld [smem:$0x3FA4]  }
0x29: {  	s4 =	sld [smem:$0x3FA6]  }
0x2a: {  	p0 =	seq.s32 s5, $0x0;
	s5 =	sld [smem:$0x3FA7]  }
0x2b: {  	s6 =	sld [smem:$0x3FA8]  }
0x2c: {  	s7 =	sld [smem:$0x3FA9]  }
0x2d: {  	s3 =	simm.s32 $0x108;
	s8 =	sld [smem:$0x3FAA]  }
0x2e: {  	s3 =	simm.s32 @!p0 $0x1082;
	s9 =	sld [smem:$0x3FAB]  }
0x2f: {  	lr =	sadd.s32 s0, s3;
	s0 =	sld [smem:$0x3FA2]  }
0x30: {  	s3 =	sld [smem:$0x3FA5]  }
0x31: {  	[smem:$0x3FAE] =	sst s10  }
0x32: {  	s10 =	sld [smem:$0x3FAC];
	_ =	sdelay $0x3  }
0x33: {  	p0 =	seq.s32 s10, $0x1;
	s10 =	sld [smem:$0x3FAE];
	_ =	sdelay $0x3  }
0x34: {  	[smem:$0x3FAE] =	sst s10  }
0x35: {  	s10 =	sld [smem:$0x3FAD];
	_ =	sdelay $0x3  }
0x36: {  	p1 =	seq.s32 s10, $0x1;
	s10 =	sld [smem:$0x3FAE];
	_ =	sdelay $0x3  }
0x37: {  	[smem:$0x3FAE] =	sst s10  }
0x38: {  	s10 =	sld [smem:$0x3FAF]  }
0x39: {  	_ = 	snop;
	(pc) =	sbr.ind lr, $3  }
0x3a: {  	_ = 	snop  }
0x3b: {  	_ = 	snop  }
0x3c: {  	p2 =	seq.s32 s10, $0x1;
	s10 =	sld [smem:$0x3FAE]  }
0x3d: {  	_ =	shalt  }
0x3e: {  	_ =	shalt  }
0x3f: {  	_ =	shalt  }
0x40: {  	_ =	shalt  }
0x41: {  	_ =	shalt  }
0x42: {  	_ =	shalt  }
0x43: {  	_ =	shalt  }
0x44: {  	_ =	shalt  }
0x45: {  	_ =	shalt  }
0x46: {  	_ =	shalt  }
0x47: {  	_ =	shalt  }
0x48: {  	_ =	shalt  }
0x49: {  	_ =	shalt  }
0x4a: {  	_ =	shalt  }
0x4b: {  	_ =	shalt  }
0x4c: {  	_ =	shalt  }
0x4d: {  	_ =	shalt  }
0x4e: {  	_ =	shalt  }
0x4f: {  	_ =	shalt  }
0x50: {  	_ =	shalt  }
0x51: {  	_ =	shalt  }
0x52: {  	_ =	shalt  }
0x53: {  	_ =	shalt  }
0x54: {  	_ =	shalt  }
0x55: {  	_ =	shalt  }
0x56: {  	_ =	shalt  }
0x57: {  	_ =	shalt  }
0x58: {  	_ =	shalt  }
0x59: {  	_ =	shalt  }
0x5a: {  	_ =	shalt  }
0x5b: {  	_ =	shalt  }
0x5c: {  	_ =	shalt  }
0x5d: {  	_ =	shalt  }
0x5e: {  	_ =	shalt  }
0x5f: {  	_ =	shalt  }
0x60: {  	_ =	shalt  }
0x61: {  	_ =	shalt  }
0x62: {  	_ =	shalt  }
0x63: {  	_ =	shalt  }
0x64: {  	_ =	shalt  }
0x65: {  	_ =	shalt  }
0x66: {  	_ =	shalt  }
0x67: {  	_ =	shalt  }
0x68: {  	_ =	shalt  }
0x69: {  	_ =	shalt  }
0x6a: {  	_ =	shalt  }
0x6b: {  	_ =	shalt  }
0x6c: {  	_ =	shalt  }
0x6d: {  	_ =	shalt  }
0x6e: {  	_ =	shalt  }
0x6f: {  	_ =	shalt  }
0x70: {  	_ =	shalt  }
0x71: {  	_ =	shalt  }
0x72: {  	_ =	shalt  }
0x73: {  	_ =	shalt  }
0x74: {  	_ =	shalt  }
0x75: {  	_ =	shalt  }
0x76: {  	_ =	shalt  }
0x77: {  	_ =	shalt  }
0x78: {  	_ =	shalt  }
0x79: {  	_ =	shalt  }
0x7a: {  	_ =	shalt  }
0x7b: {  	_ =	shalt  }
0x7c: {  	_ =	shalt  }
0x7d: {  	_ =	shalt  }
0x7e: {  	_ =	shalt  }
0x7f: {  	_ =	shalt  }
0x80: {  	_ =	shalt  }
0x81: {  	_ =	shalt  }
0x82: {  	_ =	shalt  }
0x83: {  	_ =	shalt  }
0x84: {  	_ =	shalt  }
0x85: {  	_ =	shalt  }
0x86: {  	_ =	shalt  }
0x87: {  	_ =	shalt  }
.Lfunc_end0:
.L_simem_size_0:
called_computation.1_lowered:
.L_overlay_start_0:
0x88: {  	s2 =	sld [smem:$0x3FD9]  }
0x89: {  	s3 =	sld [smem:$0x3FFE];
	_ =	sdelay $0x1  }
0x8a: {  	s1 =	srdreg.scid  }
0x8b: {  	s0 =	sand.u32 $0x1, s1  }
0x8c: {  	s17 =	sshll.u32 s0, $0xA;
	s2 =	sadd.s32 s3, s2  }
0x8d: {  	s2 =	sadd.s32 s2, s17  }
0x8e: {  	[smem:$0x3FBA] =	sst s2  }
0x8f: {  	_ = 	snop  }
0x90: {  	s2 =	sld [smem:$0x3FD0];
	(tm) =	ssettm $0x1  }
0x91: {  	s18 =	sld [smem:$0x3FFB];
	_ =	sdelay $0x3  }
0x92: {  	_ =	strace s18  }
0x93: {  	s3 =	sld [smem:$0x3FFC];
	_ =	sdelay $0x3  }
0x94: {  	_ =	strace s3  }
0x95: {  	s3 =	sld [smem:$0x3FFD];
	_ =	sdelay $0x3  }
0x96: {  	_ =	strace s3  }
0x97: {  	_ =	strace $0x8FFFFFFF  }
0x98: {  	s19 =	sld [smem:$0x3FDB];
	_ =	sdelay $0x1  }
0x99: {  	s4 =	simm.s32 $_scs_section_size  }
0x9a: {  	s5 =	simm.s32 $_size__tile_overlayer_lowered;
	s6 =	simm.s32 $_tile_overlayer_lowered  }
0x9b: {  	s22 =	simm.s32 $0x1BFF;
	s21 =	sshll.u32 s6, $0x1;
	s3 =	sadd.s32 s4, s19  }
0x9c: {  	s7 =	simm.s32 $0x0;
	s20 =	sshll.u32 s5, $0x1;
	s5 =	sadd.s32 s21, s3  }
0x9d: {  	[timem:s7], [sflag:s22] =	dma.local [hbm:s5], s20  }
0x9e: {  	_ =	swait.ge [sflag:s22], s20  }
0x9f: {  	s4 =	ssub.s32 $0x0, s20;
	[sflag:s22] =	ssyncset.done $0x0  }
0xa0: {  	[sflag:s22] =	ssyncadd.s32 s4;
	_ =	sdelay $0x1  }
0xa1: {  	s23 =	simm.s32 $0x1B8B  }
0xa2: {  	_ =	swait.ge [sflag:s23], $0x1  }
0xa3: {  	[sflag:s23] =	ssyncset.done $0x0  }
0xa4: {  	s25 =	simm.s32 $0x1B8E;
	s24 =	sld [smem:$0x3FFE];
	[sflag:s23] =	ssyncadd.s32 $0xFFFFFFFF  }
0xa5: {  	s26 =	simm.s32 $execute0_lowered;
	[smem:$0x3FD2] =	sst s25  }
0xa6: {  	s5 =	sshll.u32 s26, $0x1;
	_ =	strace $0x80000049;
	[dreg:$0x1] =	wrdreg $0xFFFFFFFF  }
0xa7: {  	s28 =	simm.s32 $_size_execute0_lowered;
	s3 =	sadd.s32 s3, s5;
	[dreg:$0x0] =	wrdreg $0x0  }
0xa8: {  	s5 =	sshll.u32 s28, $0x1;
	[dreg:$0x2] =	wrdreg s3  }
0xa9: {  	[dreg:$0x3] =	wrdreg s5  }
0xaa: {  	[dreg:$0x4] =	wrdreg $0xC0  }
0xab: {  	_ =	task [dreg:s7], $0x5FFFF  }
0xac: {  	[dreg:$0x1] =	wrdreg $0xFFFFFFFF  }
0xad: {  	[dreg:$0x0] =	wrdreg $0x60  }
0xae: {  	[dreg:$0x2] =	wrdreg s24  }
0xaf: {  	[dreg:$0x3] =	wrdreg s2  }
0xb0: {  	[dreg:$0x4] =	wrdreg $0x0  }
0xb1: {  	[dreg:$0x5] =	wrdreg $0x9  }
0xb2: {  	_ =	task.clear_ibuf [dreg:s7], $0x6FFFF;
	_ =	strace $0x90000049  }
0xb3: {  	s29 =	simm.s32 $0x9;
	_ =	strace $0x8000004B  }
0xb4: {  	_ =	swait.ge [sflag:s29], $0x1  }
0xb5: {  	[sflag:s29] =	ssyncadd.s32 $0xFFFFFFFF  }
0xb6: {  	_ =	strace $0x9000004B  }
0xb7: {  	_ =	sfence  }
0xb8: {  	s30 =	sld [smem:$0x0];
	_ =	sdelay $0x2  }
0xb9: {  	s31 =	sshll.u32 s1, $0xD;
	s1 =	sshrl.u32 s1, $0x2  }
0xba: {  	s3 =	sand.u32 $0x4000, s31;
	s1 =	sadd.s32 s1, s30  }
0xbb: {  	s0 =	sor.u32 s3, s0;
	s1 =	sshll.u32 s1, $0x11  }
0xbc: {  	s0 =	sor.u32 s1, s0  }
0xbd: {  	s0 =	sadd.s32 $0x8F2B, s0  }
0xbe: {  	[sflag:s0] =	ssyncadd.remote.s32 $0x1  }
0xbf: {  	_ =	sfence.sel $0xFFFF  }
0xc0: {  	[dreg:$0x0] =	wrdreg $0xFFFFFFFF;
	(pc) =	sbr.abs _section_cstart, $3  }
0xc1: {  	[dreg:$0x1] =	wrdreg $0xFFFFFFFF  }
0xc2: {  	_ =	task.clear_ibuf [dreg:s7], $0x2FFFF;
	_ =	strace $0x9FFFFFFF  }
0xc3: {  	(tm) =	ssettm $0x7FFFFFFF  }
tec
execute0_lowered:
.L_overlay_start_1:
0x0: {  	(tag) =	ssettag $0x1  }
0x1: {  	s5 =	rddreg [dreg:$0x0]  }
0x2: {  	s7 =	rddreg [dreg:$0x1];
	s0 =	stileid.u32  }
0x3: {  	s1 =	srdreg.scid;
	s2 =	rddreg [dreg:$0x2]  }
0x4: {  	s3 =	simm.s32 $0x0;
	s15 =	simm.s32 $0x80;
	s16 =	simm.s32 $0x16800  }
0x5: {  	s17 =	simm.s32 $0x1A800;
	s18 =	simm.s32 $0x1;
	s19 =	simm.s32 $0x2  }
0x6: {  	s20 =	simm.s32 $0x16480;
	s21 =	simm.s32 $0x16500;
	s22 =	simm.s32 $0x16580  }
0x7: {  	s23 =	simm.s32 $0x16600;
	s24 =	simm.s32 $0x16680;
	s25 =	simm.s32 $0x16700  }
0x8: {  	s26 =	simm.s32 $0x16780;
	s28 =	simm.s32 $0x0;
	s8 =	smul.u32 $0x13C00, s0  }
0x9: {  	s6 =	sand.u32 $0x1, s1;
	[smem:$0x7FF] =	sst s3;
	s10 =	smul.u32 $0xA00, s0  }
0xa: {  	s4 =	sadd.s32 $0xD600, s5;
	s11 =	smul.u32 $0x4F000, s0;
	s12 =	sshll.u32 s0, $0x1  }
0xb: {  	s31 =	sshll.u32 s0, $0x6;
	s9 =	smul.u32 $0x13C000, s6;
	_ =	strace $0x8000004A  }
0xc: {  	s29 =	ssub.s32 $0x2, s6;
	s12 =	sor.u32 s6, s12;
	s14 =	smul.u32 $0x500, s6  }
0xd: {  	s6 =	sor.u32 $0x1C03, s31;
	s10 =	sadd.s32 s10, s5;
	s13 =	sshrl.u32 s29, $0x1  }
0xe: {  	s11 =	sshrl.u32 s11, $0x2;
	s12 =	smul.u32 $0x500, s12;
	s30 =	sshrl.u32 s8, $0x3  }
0xf: {  	s9 =	sadd.s32 s8, s9;
	s13 =	ssub.s32 s29, s13;
	s11 =	sadd.s32 s11, s2  }
0x10: {  	s10 =	sadd.s32 s14, s10;
	s14 =	simm.s32 $0x16400;
	s9 =	sshrl.u32 s9, $0x3  }
0x11: {  	s7 =	sadd.s32 s7, s12;
	s10 =	sadd.s32 $0x3600, s10;
	s11 =	sshrl.u32 s11, $0x3  }
0x12: {  	s12 =	simm.s32 $0x3;
	s9 =	sadd.s32 s9, s5;
	s5 =	sadd.s32 s4, s30  }
0x13: {  	s8 =	sadd.s32 $0x34E00, s9;
	s9 =	smax.u32 s13, $0x1;
	s13 =	simm.s32 $0x13C00  }
.LBB2_1:
0x14: {  	[spmem:s11], [sflag:s6] =	dma.local [hbm:s5], $0x2780  }
0x15: {  	_ =	swait.ge [sflag:s12], $0x2780  }
0x16: {  	[sflag:s12] =	ssyncset.done $0x0  }
0x17: {  	[sflag:s12] =	ssyncadd.s32 $0xFFFFD880  }
0x18: {  	[tilespmem:s13], [sflag:$0x3] =	stream.linear.gather [hbm4b:s7+s3], $0x2800, $0x38;
	[tilespmem:$0x1E800] =	vst v63  }
0x19: {  	_ =	swait.ge [sflag:s12], $0x2800  }
0x1a: {  	[sflag:s12] =	ssyncset.done $0x0  }
0x1b: {  	[sflag:s12] =	ssyncadd.s32 $0xFFFFD800  }
0x1c: {  	[bflag:$0x0] =	sbarrier.arrive $0xFFFF  }
0x1d: {  	[tilespmem:s14], [sflag:$0x3] =	stream.linear.gather [hbm4b:s10+s3], $0x400, $0x38;
	[tilespmem:$0x1E800] =	vst v63  }
0x1e: {  	_ =	swait.ge [sflag:s12], $0x400  }
0x1f: {  	[sflag:s12] =	ssyncset.done $0x0  }
0x20: {  	s29 =	simm.s32 $0x13C00;
	[sflag:s12] =	ssyncadd.s32 $0xFFFFFC00  }
0x21: {  	[tilespmem:s16], [sflag:$0x1] =	stream.indirect.gather [hbm4b:s4+s15], $0x80, s29, s15, $0xb8;
	[tilespmem:$0x1E800] =	vst v63  }
0x22: {  	s29 =	simm.s32 $0x13C80  }
0x23: {  	[tilespmem:s17], [sflag:$0x2] =	stream.indirect.gather [hbm4b:s4+s15], $0x80, s29, s15, $0xb8;
	[tilespmem:$0x1E800] =	vst v63  }
0x24: {  	_ =	swait.ge [sflag:s18], $0x4000  }
0x25: {  	[sflag:s18] =	ssyncset.done $0x0  }
0x26: {  	[sflag:s18] =	ssyncadd.s32 $0xFFFFC000  }
0x27: {  	[spmem:s2] =	stream.indirect.scatter.add.f32 [tilespmem:s16], [sflag:$0x3], $0x80, s14, s15, $0xb8;
	[tilespmem:$0x1E800] =	vst v63  }
0x28: {  	_ =	swait.ge [sflag:s12], $0x4000  }
0x29: {  	[sflag:s12] =	ssyncset.done $0x0  }
0x2a: {  	[sflag:s12] =	ssyncadd.s32 $0xFFFFC000  }
0x2b: {  	_ =	swait.ge [sflag:s19], $0x4000  }
0x2c: {  	[sflag:s19] =	ssyncset.done $0x0  }
0x2d: {  	[sflag:s19] =	ssyncadd.s32 $0xFFFFC000  }
0x2e: {  	[spmem:s2] =	stream.indirect.scatter.add.f32 [tilespmem:s17], [sflag:$0x3], $0x80, s20, s15, $0xb8;
	[tilespmem:$0x1E800] =	vst v63  }
0x2f: {  	_ =	swait.ge [sflag:s12], $0x4000  }
0x30: {  	[sflag:s12] =	ssyncset.done $0x0  }
0x31: {  	s29 =	simm.s32 $0x13D00;
	[sflag:s12] =	ssyncadd.s32 $0xFFFFC000  }
0x32: {  	[tilespmem:s16], [sflag:$0x1] =	stream.indirect.gather [hbm4b:s4+s15], $0x80, s29, s15, $0xb8;
	[tilespmem:$0x1E800] =	vst v63  }
0x33: {  	s29 =	simm.s32 $0x13D80  }
0x34: {  	[tilespmem:s17], [sflag:$0x2] =	stream.indirect.gather [hbm4b:s4+s15], $0x80, s29, s15, $0xb8;
	[tilespmem:$0x1E800] =	vst v63  }
0x35: {  	_ =	swait.ge [sflag:s18], $0x4000  }
0x36: {  	[sflag:s18] =	ssyncset.done $0x0  }
0x37: {  	[sflag:s18] =	ssyncadd.s32 $0xFFFFC000  }
0x38: {  	[spmem:s2] =	stream.indirect.scatter.add.f32 [tilespmem:s16], [sflag:$0x3], $0x80, s21, s15, $0xb8;
	[tilespmem:$0x1E800] =	vst v63  }
0x39: {  	_ =	swait.ge [sflag:s12], $0x4000  }
0x3a: {  	[sflag:s12] =	ssyncset.done $0x0  }
0x3b: {  	[sflag:s12] =	ssyncadd.s32 $0xFFFFC000  }
0x3c: {  	_ =	swait.ge [sflag:s19], $0x4000  }
0x3d: {  	[sflag:s19] =	ssyncset.done $0x0  }
0x3e: {  	[sflag:s19] =	ssyncadd.s32 $0xFFFFC000  }
0x3f: {  	[spmem:s2] =	stream.indirect.scatter.add.f32 [tilespmem:s17], [sflag:$0x3], $0x80, s22, s15, $0xb8;
	[tilespmem:$0x1E800] =	vst v63  }
0x40: {  	_ =	swait.ge [sflag:s12], $0x4000  }
0x41: {  	[sflag:s12] =	ssyncset.done $0x0  }
0x42: {  	s29 =	simm.s32 $0x13E00;
	[sflag:s12] =	ssyncadd.s32 $0xFFFFC000  }
0x43: {  	[tilespmem:s16], [sflag:$0x1] =	stream.indirect.gather [hbm4b:s4+s15], $0x80, s29, s15, $0xb8;
	[tilespmem:$0x1E800] =	vst v63  }
0x44: {  	s29 =	simm.s32 $0x13E80  }
0x45: {  	[tilespmem:s17], [sflag:$0x2] =	stream.indirect.gather [hbm4b:s4+s15], $0x80, s29, s15, $0xb8;
	[tilespmem:$0x1E800] =	vst v63  }
0x46: {  	_ =	swait.ge [sflag:s18], $0x4000  }
0x47: {  	[sflag:s18] =	ssyncset.done $0x0  }
0x48: {  	[sflag:s18] =	ssyncadd.s32 $0xFFFFC000  }
0x49: {  	[spmem:s2] =	stream.indirect.scatter.add.f32 [tilespmem:s16], [sflag:$0x3], $0x80, s23, s15, $0xb8;
	[tilespmem:$0x1E800] =	vst v63  }
0x4a: {  	_ =	swait.ge [sflag:s12], $0x4000  }
0x4b: {  	[sflag:s12] =	ssyncset.done $0x0  }
0x4c: {  	[sflag:s12] =	ssyncadd.s32 $0xFFFFC000  }
0x4d: {  	_ =	swait.ge [sflag:s19], $0x4000  }
0x4e: {  	[sflag:s19] =	ssyncset.done $0x0  }
0x4f: {  	[sflag:s19] =	ssyncadd.s32 $0xFFFFC000  }
0x50: {  	[spmem:s2] =	stream.indirect.scatter.add.f32 [tilespmem:s17], [sflag:$0x3], $0x80, s24, s15, $0xb8;
	[tilespmem:$0x1E800] =	vst v63  }
0x51: {  	_ =	swait.ge [sflag:s12], $0x4000  }
0x52: {  	[sflag:s12] =	ssyncset.done $0x0  }
0x53: {  	s29 =	simm.s32 $0x13F00;
	[sflag:s12] =	ssyncadd.s32 $0xFFFFC000  }
0x54: {  	[tilespmem:s16], [sflag:$0x1] =	stream.indirect.gather [hbm4b:s4+s15], $0x80, s29, s15, $0xb8;
	[tilespmem:$0x1E800] =	vst v63  }
0x55: {  	s29 =	simm.s32 $0x13F80  }
0x56: {  	[tilespmem:s17], [sflag:$0x2] =	stream.indirect.gather [hbm4b:s4+s15], $0x80, s29, s15, $0xb8;
	[tilespmem:$0x1E800] =	vst v63  }
0x57: {  	_ =	swait.ge [sflag:s18], $0x4000  }
0x58: {  	[sflag:s18] =	ssyncset.done $0x0  }
0x59: {  	[sflag:s18] =	ssyncadd.s32 $0xFFFFC000  }
0x5a: {  	[spmem:s2] =	stream.indirect.scatter.add.f32 [tilespmem:s16], [sflag:$0x3], $0x80, s25, s15, $0xb8;
	[tilespmem:$0x1E800] =	vst v63  }
0x5b: {  	_ =	swait.ge [sflag:s12], $0x4000  }
0x5c: {  	[sflag:s12] =	ssyncset.done $0x0  }
0x5d: {  	[sflag:s12] =	ssyncadd.s32 $0xFFFFC000  }
0x5e: {  	_ =	swait.ge [sflag:s19], $0x4000  }
0x5f: {  	[sflag:s19] =	ssyncset.done $0x0  }
0x60: {  	[sflag:s19] =	ssyncadd.s32 $0xFFFFC000  }
0x61: {  	[spmem:s2] =	stream.indirect.scatter.add.f32 [tilespmem:s17], [sflag:$0x3], $0x80, s26, s15, $0xb8;
	[tilespmem:$0x1E800] =	vst v63  }
0x62: {  	_ =	swait.ge [sflag:s12], $0x4000  }
0x63: {  	s30 =	smov.u32 s10;
	s29 =	simm.s32 $0x1000;
	[sflag:s12] =	ssyncset.done $0x0  }
.LBB2_2:
0x64: {  	p0 =	sne.s32 s29, $0x9000;
	[sflag:s12] =	ssyncadd.s32 $0xFFFFC000;
	s30 =	sadd.s32 $0x80, s30  }
0x65: {  	[tilespmem:s14], [sflag:$0x3] =	stream.linear.gather [hbm4b:s30+s3], $0x400, $0x38;
	[tilespmem:$0x1E800] =	vst v63  }
0x66: {  	s31 =	smov.u32 s29;
	s29 =	sadd.s32 $0x1000, s29;
	_ =	swait.ge [sflag:s12], $0x400  }
0x67: {  	s31 =	sshra.s32 s31, $0x2;
	[sflag:s12] =	ssyncset.done $0x0  }
0x68: {  	s1 =	sadd.s32 $0x13C00, s31;
	[sflag:s12] =	ssyncadd.s32 $0xFFFFFC00  }
0x69: {  	[tilespmem:s16], [sflag:$0x1] =	stream.indirect.gather [hbm4b:s4+s15], $0x80, s1, s15, $0xb8;
	[tilespmem:$0x1E800] =	vst v63  }
0x6a: {  	s1 =	sadd.s32 $0x13C80, s31  }
0x6b: {  	[tilespmem:s17], [sflag:$0x2] =	stream.indirect.gather [hbm4b:s4+s15], $0x80, s1, s15, $0xb8;
	[tilespmem:$0x1E800] =	vst v63  }
0x6c: {  	_ =	swait.ge [sflag:s18], $0x4000  }
0x6d: {  	[sflag:s18] =	ssyncset.done $0x0  }
0x6e: {  	[sflag:s18] =	ssyncadd.s32 $0xFFFFC000  }
0x6f: {  	[spmem:s2] =	stream.indirect.scatter.add.f32 [tilespmem:s16], [sflag:$0x3], $0x80, s14, s15, $0xb8;
	[tilespmem:$0x1E800] =	vst v63  }
0x70: {  	_ =	swait.ge [sflag:s12], $0x4000  }
0x71: {  	[sflag:s12] =	ssyncset.done $0x0  }
0x72: {  	[sflag:s12] =	ssyncadd.s32 $0xFFFFC000  }
0x73: {  	_ =	swait.ge [sflag:s19], $0x4000  }
0x74: {  	[sflag:s19] =	ssyncset.done $0x0  }
0x75: {  	[sflag:s19] =	ssyncadd.s32 $0xFFFFC000  }
0x76: {  	[spmem:s2] =	stream.indirect.scatter.add.f32 [tilespmem:s17], [sflag:$0x3], $0x80, s20, s15, $0xb8;
	[tilespmem:$0x1E800] =	vst v63  }
0x77: {  	_ =	swait.ge [sflag:s12], $0x4000  }
0x78: {  	[sflag:s12] =	ssyncset.done $0x0  }
0x79: {  	s1 =	sadd.s32 $0x13D00, s31;
	[sflag:s12] =	ssyncadd.s32 $0xFFFFC000  }
0x7a: {  	[tilespmem:s16], [sflag:$0x1] =	stream.indirect.gather [hbm4b:s4+s15], $0x80, s1, s15, $0xb8;
	[tilespmem:$0x1E800] =	vst v63  }
0x7b: {  	s1 =	sadd.s32 $0x13D80, s31  }
0x7c: {  	[tilespmem:s17], [sflag:$0x2] =	stream.indirect.gather [hbm4b:s4+s15], $0x80, s1, s15, $0xb8;
	[tilespmem:$0x1E800] =	vst v63  }
0x7d: {  	_ =	swait.ge [sflag:s18], $0x4000  }
0x7e: {  	[sflag:s18] =	ssyncset.done $0x0  }
0x7f: {  	[sflag:s18] =	ssyncadd.s32 $0xFFFFC000  }
0x80: {  	[spmem:s2] =	stream.indirect.scatter.add.f32 [tilespmem:s16], [sflag:$0x3], $0x80, s21, s15, $0xb8;
	[tilespmem:$0x1E800] =	vst v63  }
0x81: {  	_ =	swait.ge [sflag:s12], $0x4000  }
0x82: {  	[sflag:s12] =	ssyncset.done $0x0  }
0x83: {  	[sflag:s12] =	ssyncadd.s32 $0xFFFFC000  }
0x84: {  	_ =	swait.ge [sflag:s19], $0x4000  }
0x85: {  	[sflag:s19] =	ssyncset.done $0x0  }
0x86: {  	[sflag:s19] =	ssyncadd.s32 $0xFFFFC000  }
0x87: {  	[spmem:s2] =	stream.indirect.scatter.add.f32 [tilespmem:s17], [sflag:$0x3], $0x80, s22, s15, $0xb8;
	[tilespmem:$0x1E800] =	vst v63  }
0x88: {  	_ =	swait.ge [sflag:s12], $0x4000  }
0x89: {  	[sflag:s12] =	ssyncset.done $0x0  }
0x8a: {  	s1 =	sadd.s32 $0x13E00, s31;
	[sflag:s12] =	ssyncadd.s32 $0xFFFFC000  }
0x8b: {  	[tilespmem:s16], [sflag:$0x1] =	stream.indirect.gather [hbm4b:s4+s15], $0x80, s1, s15, $0xb8;
	[tilespmem:$0x1E800] =	vst v63  }
0x8c: {  	s1 =	sadd.s32 $0x13E80, s31  }
0x8d: {  	[tilespmem:s17], [sflag:$0x2] =	stream.indirect.gather [hbm4b:s4+s15], $0x80, s1, s15, $0xb8;
	[tilespmem:$0x1E800] =	vst v63  }
0x8e: {  	_ =	swait.ge [sflag:s18], $0x4000  }
0x8f: {  	[sflag:s18] =	ssyncset.done $0x0  }
0x90: {  	[sflag:s18] =	ssyncadd.s32 $0xFFFFC000  }
0x91: {  	[spmem:s2] =	stream.indirect.scatter.add.f32 [tilespmem:s16], [sflag:$0x3], $0x80, s23, s15, $0xb8;
	[tilespmem:$0x1E800] =	vst v63  }
0x92: {  	_ =	swait.ge [sflag:s12], $0x4000  }
0x93: {  	[sflag:s12] =	ssyncset.done $0x0  }
0x94: {  	[sflag:s12] =	ssyncadd.s32 $0xFFFFC000  }
0x95: {  	_ =	swait.ge [sflag:s19], $0x4000  }
0x96: {  	[sflag:s19] =	ssyncset.done $0x0  }
0x97: {  	[sflag:s19] =	ssyncadd.s32 $0xFFFFC000  }
0x98: {  	[spmem:s2] =	stream.indirect.scatter.add.f32 [tilespmem:s17], [sflag:$0x3], $0x80, s24, s15, $0xb8;
	[tilespmem:$0x1E800] =	vst v63  }
0x99: {  	_ =	swait.ge [sflag:s12], $0x4000  }
0x9a: {  	[sflag:s12] =	ssyncset.done $0x0  }
0x9b: {  	s1 =	sadd.s32 $0x13F00, s31;
	[sflag:s12] =	ssyncadd.s32 $0xFFFFC000  }
0x9c: {  	[tilespmem:s16], [sflag:$0x1] =	stream.indirect.gather [hbm4b:s4+s15], $0x80, s1, s15, $0xb8;
	[tilespmem:$0x1E800] =	vst v63  }
0x9d: {  	s1 =	sadd.s32 $0x13F80, s31  }
0x9e: {  	[tilespmem:s17], [sflag:$0x2] =	stream.indirect.gather [hbm4b:s4+s15], $0x80, s1, s15, $0xb8;
	[tilespmem:$0x1E800] =	vst v63  }
0x9f: {  	_ =	swait.ge [sflag:s18], $0x4000  }
0xa0: {  	[sflag:s18] =	ssyncset.done $0x0  }
0xa1: {  	[sflag:s18] =	ssyncadd.s32 $0xFFFFC000  }
0xa2: {  	[spmem:s2] =	stream.indirect.scatter.add.f32 [tilespmem:s16], [sflag:$0x3], $0x80, s25, s15, $0xb8;
	[tilespmem:$0x1E800] =	vst v63  }
0xa3: {  	_ =	swait.ge [sflag:s12], $0x4000  }
0xa4: {  	[sflag:s12] =	ssyncset.done $0x0  }
0xa5: {  	[sflag:s12] =	ssyncadd.s32 $0xFFFFC000  }
0xa6: {  	_ =	swait.ge [sflag:s19], $0x4000  }
.Ltmp0:
0xa7: {  	[sflag:s19] =	ssyncset.done $0x0;
	(pc) =	sbr.rel @p0 .LBB2_2-.Ltmp0, $4  }
0xa8: {  	[sflag:s19] =	ssyncadd.s32 $0xFFFFC000  }
0xa9: {  	[spmem:s2] =	stream.indirect.scatter.add.f32 [tilespmem:s17], [sflag:$0x3], $0x80, s26, s15, $0xb8;
	[tilespmem:$0x1E800] =	vst v63  }
0xaa: {  	_ =	swait.ge [sflag:s12], $0x4000  }
0xab: {  	[sflag:s12] =	ssyncset.done $0x0  }
0xac: {  	s28 =	sadd.s32 $0x1, s28  }
0xad: {  	[sflag:s12] =	ssyncadd.s32 $0xFFFFC000;
	p0 =	sne.s32 s28, s9  }
.Ltmp1:
0xae: {  	[bflag:$0x0] =	sbarrier.arrive $0xFFFF;
	(pc) =	sbr.rel @p0 .LBB2_1-.Ltmp1, $4  }
0xaf: {  	[hbm:s8], [sflag:s6] =	dma.local [spmem:s11], $0x2780  }
0xb0: {  	_ =	swait.ge [sflag:s12], $0x2780  }
0xb1: {  	[sflag:s12] =	ssyncset.done $0x0  }
0xb2: {  	[sflag:s12] =	ssyncadd.s32 $0xFFFFD880  }
0xb3: {  	_ =	sfence.sel $0x180000  }
0xb4: {  	[bflag:$0x0] =	sbarrier.arrive $0xFFFF  }
0xb5: {  	_ =	strace $0x9000004A  }
0xb6: {  	[bflag:$0x2] =	sbarrier.arrive $0xFFFF  }
0xb7: {  	p0 =	sne.s32 s0, $0x0;
	s0 =	rddreg [dreg:$0x3]  }
0xb8: {  	s0 =	sadd.s32 @!p0 $0x100000, s0  }
0xb9: {  	[sflag:s0] =	ssyncadd.tile.s32 @!p0 $0x1;
	_ =	shalt  }
.Lfunc_end2:
_tile_overlayer_lowered:
.L_overlay_start_2:
0xba: {  	(tag) =	ssettag $0x2  }
0xbb: {  	s0 =	rddreg [dreg:$0x0];
	s2 =	stileid.u32  }
0xbc: {  	s1 =	rddreg [dreg:$0x1];
	p0 =	sne.s32 s2, $0x0  }
0xbd: {  	s3 =	rddreg [dreg:$0x2];
	[bflag:$0x3] =	sbarrier.arrive $0xFFFF;
	s2 =	simm.s32 @!p0 $0x1C03  }
0xbe: {  	[timem:s3], [sflag:s2] =	dma.local @!p0 [hbm:s0], s1  }
0xbf: {  	s0 =	simm.s32 @!p0 $0x3  }
0xc0: {  	_ =	swait.ge @!p0 [sflag:s0], s1  }
0xc1: {  	s1 =	ssub.s32 @!p0 $0x0, s1;
	[sflag:s0] =	ssyncset.done @!p0 $0x0  }
0xc2: {  	[sflag:s0] =	ssyncadd.s32 @!p0 s1  }
0xc3: {  	[bflag:$0x3] =	sbarrier.arrive $0xFFFF  }
0xc4: {  	_ =	shalt  }

// kernel: kernel.14.cloned.1.call-start
scs
__scs_entry_jumppad:
0x0: {  	(pc) =	sbr.rel $0x88, $3  }
0x1: {  	(tag) =	ssettag $0x0;
	lr =	simm.s32 $0x1  }
0x2: {  	[smem:$0x3F93] =	sst lr;
	_ =	strace $0xD0000000  }
0x3: {  	_ = 	snop  }
0x4: {  	_ = 	snop  }
0x5: {  	_ = 	snop  }
0x6: {  	_ = 	snop  }
0x7: {  	_ = 	snop  }
__scs_overlays_trampoline_lowered:
0x8: {  	[smem:$0x3FA2] =	sst s0  }
0x9: {  	[smem:$0x3FA3] =	sst s1  }
0xa: {  	[smem:$0x3FA4] =	sst s2  }
0xb: {  	[smem:$0x3FA5] =	sst s3  }
0xc: {  	[smem:$0x3FA6] =	sst s4  }
0xd: {  	[smem:$0x3FA7] =	sst s5  }
0xe: {  	[smem:$0x3FA8] =	sst s6  }
0xf: {  	[smem:$0x3FA9] =	sst s7  }
0x10: {  	[smem:$0x3FAA] =	sst s8  }
0x11: {  	[smem:$0x3FAB] =	sst s9;
	s0 =	simm.s32 @!p0 $0x0  }
0x12: {  	s1 =	sld [smem:$0x3F91];
	s0 =	simm.s32 @p0 $0x1  }
0x13: {  	[smem:$0x3FAC] =	sst s0;
	s0 =	simm.s32 @!p1 $0x0  }
0x14: {  	s2 =	sld [smem:$0x3F90];
	s0 =	simm.s32 @p1 $0x1  }
0x15: {  	[smem:$0x3FAD] =	sst s0;
	s0 =	simm.s32 @!p2 $0x0  }
0x16: {  	s3 =	sld [smem:$0x3FDB];
	s0 =	simm.s32 @p2 $0x1  }
0x17: {  	s4 =	simm.s32 $0x1BF5;
	[smem:$0x3FAF] =	sst s0  }
0x18: {  	s0 =	sld [smem:$0x3F92];
	_ =	swait.ge [sflag:s4], $0x0  }
0x19: {  	s7 =	sld [smem:$0x3F93]  }
0x1a: {  	s8 =	sadd.s32 $0xFFFFE003, lr  }
0x1b: {  	s9 =	sadd.s32 $0xFFFFFEF7, lr;
	s5 =	simm.s32 $0xFFFFFFFF;
	p2 =	slt.u32 s8, $0xFFFFF086  }
0x1c: {  	p1 =	slt.u32 s9, $0xF7A;
	s5 =	simm.s32 @!p2 $0x0  }
0x1d: {  	s5 =	simm.s32 @p1 $0x1;
	p0 =	seq.s32 s7, s2  }
0x1e: {  	s7 =	smul.u32 @!p0 $0xF7A, s2;
	p2 =	seq.s32 @!p0 s5, $0x0  }
0x1f: {  	s9 =	smul.u32 $0xF7A, s1;
	s8 =	simm.s32 @!p0 $0x1BF5;
	p2 =	por !p2, p0  }
0x20: {  	[sflag:s8] =	ssyncset.s32 @!p0 $0xFFFFF086;
	s6 =	sadd.s32 @!p0 s3, s7;
	s7 =	simm.s32 @!p0 $0x108  }
0x21: {  	s3 =	sadd.s32 s3, s9;
	s6 =	sadd.s32 @!p0 $0x88, s6;
	s7 =	simm.s32 @p2 $0x1082  }
0x22: {  	[simem:s7], [sflag:s8] =	dma.local @!p0 [hbm:s6], $0xF7A  }
0x23: {  	s9 =	sor.u32 $0xD0000000, s2;
	s6 =	simm.s32 $0x108;
	_ =	swait.ge @!p0 [sflag:s8], $0x0  }
0x24: {  	s3 =	sadd.s32 $0x88, s3;
	s6 =	simm.s32 @!p1 $0x1082;
	[sflag:s4] =	ssyncset.s32 $0xFFFFF086  }
0x25: {  	[simem:s6], [sflag:s4] =	dma.local [hbm:s3], $0xF7A  }
0x26: {  	[smem:$0x3F93] =	sst s1;
	(tag) =	ssettag s2;
	_ =	strace s9  }
0x27: {  	s1 =	sld [smem:$0x3FA3]  }
0x28: {  	s2 =	sld [smem:$0x3FA4]  }
0x29: {  	s4 =	sld [smem:$0x3FA6]  }
0x2a: {  	p0 =	seq.s32 s5, $0x0;
	s5 =	sld [smem:$0x3FA7]  }
0x2b: {  	s6 =	sld [smem:$0x3FA8]  }
0x2c: {  	s7 =	sld [smem:$0x3FA9]  }
0x2d: {  	s3 =	simm.s32 $0x108;
	s8 =	sld [smem:$0x3FAA]  }
0x2e: {  	s3 =	simm.s32 @!p0 $0x1082;
	s9 =	sld [smem:$0x3FAB]  }
0x2f: {  	lr =	sadd.s32 s0, s3;
	s0 =	sld [smem:$0x3FA2]  }
0x30: {  	s3 =	sld [smem:$0x3FA5]  }
0x31: {  	[smem:$0x3FAE] =	sst s10  }
0x32: {  	s10 =	sld [smem:$0x3FAC];
	_ =	sdelay $0x3  }
0x33: {  	p0 =	seq.s32 s10, $0x1;
	s10 =	sld [smem:$0x3FAE];
	_ =	sdelay $0x3  }
0x34: {  	[smem:$0x3FAE] =	sst s10  }
0x35: {  	s10 =	sld [smem:$0x3FAD];
	_ =	sdelay $0x3  }
0x36: {  	p1 =	seq.s32 s10, $0x1;
	s10 =	sld [smem:$0x3FAE];
	_ =	sdelay $0x3  }
0x37: {  	[smem:$0x3FAE] =	sst s10  }
0x38: {  	s10 =	sld [smem:$0x3FAF]  }
0x39: {  	_ = 	snop;
	(pc) =	sbr.ind lr, $3  }
0x3a: {  	_ = 	snop  }
0x3b: {  	_ = 	snop  }
0x3c: {  	p2 =	seq.s32 s10, $0x1;
	s10 =	sld [smem:$0x3FAE]  }
0x3d: {  	_ =	shalt  }
0x3e: {  	_ =	shalt  }
0x3f: {  	_ =	shalt  }
0x40: {  	_ =	shalt  }
0x41: {  	_ =	shalt  }
0x42: {  	_ =	shalt  }
0x43: {  	_ =	shalt  }
0x44: {  	_ =	shalt  }
0x45: {  	_ =	shalt  }
0x46: {  	_ =	shalt  }
0x47: {  	_ =	shalt  }
0x48: {  	_ =	shalt  }
0x49: {  	_ =	shalt  }
0x4a: {  	_ =	shalt  }
0x4b: {  	_ =	shalt  }
0x4c: {  	_ =	shalt  }
0x4d: {  	_ =	shalt  }
0x4e: {  	_ =	shalt  }
0x4f: {  	_ =	shalt  }
0x50: {  	_ =	shalt  }
0x51: {  	_ =	shalt  }
0x52: {  	_ =	shalt  }
0x53: {  	_ =	shalt  }
0x54: {  	_ =	shalt  }
0x55: {  	_ =	shalt  }
0x56: {  	_ =	shalt  }
0x57: {  	_ =	shalt  }
0x58: {  	_ =	shalt  }
0x59: {  	_ =	shalt  }
0x5a: {  	_ =	shalt  }
0x5b: {  	_ =	shalt  }
0x5c: {  	_ =	shalt  }
0x5d: {  	_ =	shalt  }
0x5e: {  	_ =	shalt  }
0x5f: {  	_ =	shalt  }
0x60: {  	_ =	shalt  }
0x61: {  	_ =	shalt  }
0x62: {  	_ =	shalt  }
0x63: {  	_ =	shalt  }
0x64: {  	_ =	shalt  }
0x65: {  	_ =	shalt  }
0x66: {  	_ =	shalt  }
0x67: {  	_ =	shalt  }
0x68: {  	_ =	shalt  }
0x69: {  	_ =	shalt  }
0x6a: {  	_ =	shalt  }
0x6b: {  	_ =	shalt  }
0x6c: {  	_ =	shalt  }
0x6d: {  	_ =	shalt  }
0x6e: {  	_ =	shalt  }
0x6f: {  	_ =	shalt  }
0x70: {  	_ =	shalt  }
0x71: {  	_ =	shalt  }
0x72: {  	_ =	shalt  }
0x73: {  	_ =	shalt  }
0x74: {  	_ =	shalt  }
0x75: {  	_ =	shalt  }
0x76: {  	_ =	shalt  }
0x77: {  	_ =	shalt  }
0x78: {  	_ =	shalt  }
0x79: {  	_ =	shalt  }
0x7a: {  	_ =	shalt  }
0x7b: {  	_ =	shalt  }
0x7c: {  	_ =	shalt  }
0x7d: {  	_ =	shalt  }
0x7e: {  	_ =	shalt  }
0x7f: {  	_ =	shalt  }
0x80: {  	_ =	shalt  }
0x81: {  	_ =	shalt  }
0x82: {  	_ =	shalt  }
0x83: {  	_ =	shalt  }
0x84: {  	_ =	shalt  }
0x85: {  	_ =	shalt  }
0x86: {  	_ =	shalt  }
0x87: {  	_ =	shalt  }
.Lfunc_end0:
.L_simem_size_0:
called_computation.2_lowered:
.L_overlay_start_0:
0x88: {  	s2 =	sld [smem:$0x3FD9]  }
0x89: {  	s3 =	sld [smem:$0x3FFE];
	_ =	sdelay $0x1  }
0x8a: {  	s1 =	srdreg.scid  }
0x8b: {  	s0 =	sand.u32 $0x1, s1  }
0x8c: {  	s17 =	sshll.u32 s0, $0xA;
	s2 =	sadd.s32 s3, s2  }
0x8d: {  	s2 =	sadd.s32 s2, s17  }
0x8e: {  	[smem:$0x3FBA] =	sst s2  }
0x8f: {  	_ = 	snop  }
0x90: {  	s2 =	sld [smem:$0x3FD0];
	(tm) =	ssettm $0x1  }
0x91: {  	s18 =	sld [smem:$0x3FFB];
	_ =	sdelay $0x3  }
0x92: {  	_ =	strace s18  }
0x93: {  	s3 =	sld [smem:$0x3FFC];
	_ =	sdelay $0x3  }
0x94: {  	_ =	strace s3  }
0x95: {  	s3 =	sld [smem:$0x3FFD];
	_ =	sdelay $0x3  }
0x96: {  	_ =	strace s3  }
0x97: {  	_ =	strace $0x8FFFFFFF  }
0x98: {  	s19 =	sld [smem:$0x3FDB];
	_ =	sdelay $0x1  }
0x99: {  	s4 =	simm.s32 $_scs_section_size  }
0x9a: {  	s5 =	simm.s32 $_size__tile_overlayer_lowered;
	s6 =	simm.s32 $_tile_overlayer_lowered  }
0x9b: {  	s22 =	simm.s32 $0x1BFF;
	s21 =	sshll.u32 s6, $0x1;
	s3 =	sadd.s32 s4, s19  }
0x9c: {  	s7 =	simm.s32 $0x0;
	s20 =	sshll.u32 s5, $0x1;
	s5 =	sadd.s32 s21, s3  }
0x9d: {  	[timem:s7], [sflag:s22] =	dma.local [hbm:s5], s20  }
0x9e: {  	_ =	swait.ge [sflag:s22], s20  }
0x9f: {  	s4 =	ssub.s32 $0x0, s20;
	[sflag:s22] =	ssyncset.done $0x0  }
0xa0: {  	[sflag:s22] =	ssyncadd.s32 s4;
	_ =	sdelay $0x1  }
0xa1: {  	s23 =	simm.s32 $0x1B8B  }
0xa2: {  	_ =	swait.ge [sflag:s23], $0x1  }
0xa3: {  	[sflag:s23] =	ssyncset.done $0x0  }
0xa4: {  	s25 =	simm.s32 $0x1B8E;
	s24 =	sld [smem:$0x3FFE];
	[sflag:s23] =	ssyncadd.s32 $0xFFFFFFFF  }
0xa5: {  	s26 =	simm.s32 $execute0_lowered;
	[smem:$0x3FD2] =	sst s25  }
0xa6: {  	s5 =	sshll.u32 s26, $0x1;
	_ =	strace $0x8000004C;
	[dreg:$0x1] =	wrdreg $0xFFFFFFFF  }
0xa7: {  	s28 =	simm.s32 $_size_execute0_lowered;
	s3 =	sadd.s32 s3, s5;
	[dreg:$0x0] =	wrdreg $0x0  }
0xa8: {  	s5 =	sshll.u32 s28, $0x1;
	[dreg:$0x2] =	wrdreg s3  }
0xa9: {  	[dreg:$0x3] =	wrdreg s5  }
0xaa: {  	[dreg:$0x4] =	wrdreg $0xC0  }
0xab: {  	_ =	task [dreg:s7], $0x5FFFF  }
0xac: {  	[dreg:$0x1] =	wrdreg $0xFFFFFFFF  }
0xad: {  	[dreg:$0x0] =	wrdreg $0x60  }
0xae: {  	[dreg:$0x2] =	wrdreg s24  }
0xaf: {  	[dreg:$0x3] =	wrdreg s2  }
0xb0: {  	[dreg:$0x4] =	wrdreg $0x0  }
0xb1: {  	[dreg:$0x5] =	wrdreg $0x9  }
0xb2: {  	_ =	task.clear_ibuf [dreg:s7], $0x6FFFF;
	_ =	strace $0x9000004C  }
0xb3: {  	s29 =	simm.s32 $0x9;
	_ =	strace $0x8000004E  }
0xb4: {  	_ =	swait.ge [sflag:s29], $0x1  }
0xb5: {  	[sflag:s29] =	ssyncadd.s32 $0xFFFFFFFF  }
0xb6: {  	_ =	strace $0x9000004E  }
0xb7: {  	_ =	sfence  }
0xb8: {  	s30 =	sld [smem:$0x0];
	_ =	sdelay $0x2  }
0xb9: {  	s31 =	sshll.u32 s1, $0xD;
	s1 =	sshrl.u32 s1, $0x2  }
0xba: {  	s3 =	sand.u32 $0x4000, s31;
	s1 =	sadd.s32 s1, s30  }
0xbb: {  	s0 =	sor.u32 s3, s0;
	s1 =	sshll.u32 s1, $0x11  }
0xbc: {  	s0 =	sor.u32 s1, s0  }
0xbd: {  	s0 =	sadd.s32 $0x8F2B, s0  }
0xbe: {  	[sflag:s0] =	ssyncadd.remote.s32 $0x1  }
0xbf: {  	_ =	sfence.sel $0xFFFF  }
0xc0: {  	[dreg:$0x0] =	wrdreg $0xFFFFFFFF;
	(pc) =	sbr.abs _section_cstart, $3  }
0xc1: {  	[dreg:$0x1] =	wrdreg $0xFFFFFFFF  }
0xc2: {  	_ =	task.clear_ibuf [dreg:s7], $0x2FFFF;
	_ =	strace $0x9FFFFFFF  }
0xc3: {  	(tm) =	ssettm $0x7FFFFFFF  }
tec
execute0_lowered:
.L_overlay_start_1:
0x0: {  	(tag) =	ssettag $0x1  }
0x1: {  	s5 =	rddreg [dreg:$0x0]  }
0x2: {  	s7 =	rddreg [dreg:$0x1];
	s0 =	stileid.u32  }
0x3: {  	s1 =	srdreg.scid;
	s2 =	rddreg [dreg:$0x2]  }
0x4: {  	s3 =	simm.s32 $0x0;
	s15 =	simm.s32 $0x80;
	s16 =	simm.s32 $0x16800  }
0x5: {  	s17 =	simm.s32 $0x1A800;
	s18 =	simm.s32 $0x1;
	s19 =	simm.s32 $0x2  }
0x6: {  	s20 =	simm.s32 $0x16480;
	s21 =	simm.s32 $0x16500;
	s22 =	simm.s32 $0x16580  }
0x7: {  	s23 =	simm.s32 $0x16600;
	s24 =	simm.s32 $0x16680;
	s25 =	simm.s32 $0x16700  }
0x8: {  	s26 =	simm.s32 $0x16780;
	s28 =	simm.s32 $0x0;
	s8 =	smul.u32 $0x13C00, s0  }
0x9: {  	s6 =	sand.u32 $0x1, s1;
	[smem:$0x7FF] =	sst s3;
	s10 =	smul.u32 $0xA00, s0  }
0xa: {  	s4 =	sadd.s32 $0xD600, s5;
	s11 =	smul.u32 $0x4F000, s0;
	s12 =	sshll.u32 s0, $0x1  }
0xb: {  	s31 =	sshll.u32 s0, $0x6;
	s9 =	smul.u32 $0x13C000, s6;
	_ =	strace $0x8000004D  }
0xc: {  	s29 =	ssub.s32 $0x2, s6;
	s12 =	sor.u32 s6, s12;
	s14 =	smul.u32 $0x500, s6  }
0xd: {  	s6 =	sor.u32 $0x1C03, s31;
	s10 =	sadd.s32 s10, s5;
	s13 =	sshrl.u32 s29, $0x1  }
0xe: {  	s11 =	sshrl.u32 s11, $0x2;
	s12 =	smul.u32 $0x500, s12;
	s30 =	sshrl.u32 s8, $0x3  }
0xf: {  	s9 =	sadd.s32 s8, s9;
	s13 =	ssub.s32 s29, s13;
	s11 =	sadd.s32 s11, s2  }
0x10: {  	s10 =	sadd.s32 s14, s10;
	s14 =	simm.s32 $0x16400;
	s9 =	sshrl.u32 s9, $0x3  }
0x11: {  	s7 =	sadd.s32 s7, s12;
	s10 =	sadd.s32 $0x3600, s10;
	s11 =	sshrl.u32 s11, $0x3  }
0x12: {  	s12 =	simm.s32 $0x3;
	s9 =	sadd.s32 s9, s5;
	s5 =	sadd.s32 s4, s30  }
0x13: {  	s8 =	sadd.s32 $0x34E00, s9;
	s9 =	smax.u32 s13, $0x1;
	s13 =	simm.s32 $0x13C00  }
.LBB2_1:
0x14: {  	[spmem:s11], [sflag:s6] =	dma.local [hbm:s5], $0x2780  }
0x15: {  	_ =	swait.ge [sflag:s12], $0x2780  }
0x16: {  	[sflag:s12] =	ssyncset.done $0x0  }
0x17: {  	[sflag:s12] =	ssyncadd.s32 $0xFFFFD880  }
0x18: {  	[tilespmem:s13], [sflag:$0x3] =	stream.linear.gather [hbm4b:s7+s3], $0x2800, $0x38;
	[tilespmem:$0x1E800] =	vst v63  }
0x19: {  	_ =	swait.ge [sflag:s12], $0x2800  }
0x1a: {  	[sflag:s12] =	ssyncset.done $0x0  }
0x1b: {  	[sflag:s12] =	ssyncadd.s32 $0xFFFFD800  }
0x1c: {  	[bflag:$0x0] =	sbarrier.arrive $0xFFFF  }
0x1d: {  	[tilespmem:s14], [sflag:$0x3] =	stream.linear.gather [hbm4b:s10+s3], $0x400, $0x38;
	[tilespmem:$0x1E800] =	vst v63  }
0x1e: {  	_ =	swait.ge [sflag:s12], $0x400  }
0x1f: {  	[sflag:s12] =	ssyncset.done $0x0  }
0x20: {  	s29 =	simm.s32 $0x13C00;
	[sflag:s12] =	ssyncadd.s32 $0xFFFFFC00  }
0x21: {  	[tilespmem:s16], [sflag:$0x1] =	stream.indirect.gather [hbm4b:s4+s15], $0x80, s29, s15, $0xb8;
	[tilespmem:$0x1E800] =	vst v63  }
0x22: {  	s29 =	simm.s32 $0x13C80  }
0x23: {  	[tilespmem:s17], [sflag:$0x2] =	stream.indirect.gather [hbm4b:s4+s15], $0x80, s29, s15, $0xb8;
	[tilespmem:$0x1E800] =	vst v63  }
0x24: {  	_ =	swait.ge [sflag:s18], $0x4000  }
0x25: {  	[sflag:s18] =	ssyncset.done $0x0  }
0x26: {  	[sflag:s18] =	ssyncadd.s32 $0xFFFFC000  }
0x27: {  	[spmem:s2] =	stream.indirect.scatter.add.f32 [tilespmem:s16], [sflag:$0x3], $0x80, s14, s15, $0xb8;
	[tilespmem:$0x1E800] =	vst v63  }
0x28: {  	_ =	swait.ge [sflag:s12], $0x4000  }
0x29: {  	[sflag:s12] =	ssyncset.done $0x0  }
0x2a: {  	[sflag:s12] =	ssyncadd.s32 $0xFFFFC000  }
0x2b: {  	_ =	swait.ge [sflag:s19], $0x4000  }
0x2c: {  	[sflag:s19] =	ssyncset.done $0x0  }
0x2d: {  	[sflag:s19] =	ssyncadd.s32 $0xFFFFC000  }
0x2e: {  	[spmem:s2] =	stream.indirect.scatter.add.f32 [tilespmem:s17], [sflag:$0x3], $0x80, s20, s15, $0xb8;
	[tilespmem:$0x1E800] =	vst v63  }
0x2f: {  	_ =	swait.ge [sflag:s12], $0x4000  }
0x30: {  	[sflag:s12] =	ssyncset.done $0x0  }
0x31: {  	s29 =	simm.s32 $0x13D00;
	[sflag:s12] =	ssyncadd.s32 $0xFFFFC000  }
0x32: {  	[tilespmem:s16], [sflag:$0x1] =	stream.indirect.gather [hbm4b:s4+s15], $0x80, s29, s15, $0xb8;
	[tilespmem:$0x1E800] =	vst v63  }
0x33: {  	s29 =	simm.s32 $0x13D80  }
0x34: {  	[tilespmem:s17], [sflag:$0x2] =	stream.indirect.gather [hbm4b:s4+s15], $0x80, s29, s15, $0xb8;
	[tilespmem:$0x1E800] =	vst v63  }
0x35: {  	_ =	swait.ge [sflag:s18], $0x4000  }
0x36: {  	[sflag:s18] =	ssyncset.done $0x0  }
0x37: {  	[sflag:s18] =	ssyncadd.s32 $0xFFFFC000  }
0x38: {  	[spmem:s2] =	stream.indirect.scatter.add.f32 [tilespmem:s16], [sflag:$0x3], $0x80, s21, s15, $0xb8;
	[tilespmem:$0x1E800] =	vst v63  }
0x39: {  	_ =	swait.ge [sflag:s12], $0x4000  }
0x3a: {  	[sflag:s12] =	ssyncset.done $0x0  }
0x3b: {  	[sflag:s12] =	ssyncadd.s32 $0xFFFFC000  }
0x3c: {  	_ =	swait.ge [sflag:s19], $0x4000  }
0x3d: {  	[sflag:s19] =	ssyncset.done $0x0  }
0x3e: {  	[sflag:s19] =	ssyncadd.s32 $0xFFFFC000  }
0x3f: {  	[spmem:s2] =	stream.indirect.scatter.add.f32 [tilespmem:s17], [sflag:$0x3], $0x80, s22, s15, $0xb8;
	[tilespmem:$0x1E800] =	vst v63  }
0x40: {  	_ =	swait.ge [sflag:s12], $0x4000  }
0x41: {  	[sflag:s12] =	ssyncset.done $0x0  }
0x42: {  	s29 =	simm.s32 $0x13E00;
	[sflag:s12] =	ssyncadd.s32 $0xFFFFC000  }
0x43: {  	[tilespmem:s16], [sflag:$0x1] =	stream.indirect.gather [hbm4b:s4+s15], $0x80, s29, s15, $0xb8;
	[tilespmem:$0x1E800] =	vst v63  }
0x44: {  	s29 =	simm.s32 $0x13E80  }
0x45: {  	[tilespmem:s17], [sflag:$0x2] =	stream.indirect.gather [hbm4b:s4+s15], $0x80, s29, s15, $0xb8;
	[tilespmem:$0x1E800] =	vst v63  }
0x46: {  	_ =	swait.ge [sflag:s18], $0x4000  }
0x47: {  	[sflag:s18] =	ssyncset.done $0x0  }
0x48: {  	[sflag:s18] =	ssyncadd.s32 $0xFFFFC000  }
0x49: {  	[spmem:s2] =	stream.indirect.scatter.add.f32 [tilespmem:s16], [sflag:$0x3], $0x80, s23, s15, $0xb8;
	[tilespmem:$0x1E800] =	vst v63  }
0x4a: {  	_ =	swait.ge [sflag:s12], $0x4000  }
0x4b: {  	[sflag:s12] =	ssyncset.done $0x0  }
0x4c: {  	[sflag:s12] =	ssyncadd.s32 $0xFFFFC000  }
0x4d: {  	_ =	swait.ge [sflag:s19], $0x4000  }
0x4e: {  	[sflag:s19] =	ssyncset.done $0x0  }
0x4f: {  	[sflag:s19] =	ssyncadd.s32 $0xFFFFC000  }
0x50: {  	[spmem:s2] =	stream.indirect.scatter.add.f32 [tilespmem:s17], [sflag:$0x3], $0x80, s24, s15, $0xb8;
	[tilespmem:$0x1E800] =	vst v63  }
0x51: {  	_ =	swait.ge [sflag:s12], $0x4000  }
0x52: {  	[sflag:s12] =	ssyncset.done $0x0  }
0x53: {  	s29 =	simm.s32 $0x13F00;
	[sflag:s12] =	ssyncadd.s32 $0xFFFFC000  }
0x54: {  	[tilespmem:s16], [sflag:$0x1] =	stream.indirect.gather [hbm4b:s4+s15], $0x80, s29, s15, $0xb8;
	[tilespmem:$0x1E800] =	vst v63  }
0x55: {  	s29 =	simm.s32 $0x13F80  }
0x56: {  	[tilespmem:s17], [sflag:$0x2] =	stream.indirect.gather [hbm4b:s4+s15], $0x80, s29, s15, $0xb8;
	[tilespmem:$0x1E800] =	vst v63  }
0x57: {  	_ =	swait.ge [sflag:s18], $0x4000  }
0x58: {  	[sflag:s18] =	ssyncset.done $0x0  }
0x59: {  	[sflag:s18] =	ssyncadd.s32 $0xFFFFC000  }
0x5a: {  	[spmem:s2] =	stream.indirect.scatter.add.f32 [tilespmem:s16], [sflag:$0x3], $0x80, s25, s15, $0xb8;
	[tilespmem:$0x1E800] =	vst v63  }
0x5b: {  	_ =	swait.ge [sflag:s12], $0x4000  }
0x5c: {  	[sflag:s12] =	ssyncset.done $0x0  }
0x5d: {  	[sflag:s12] =	ssyncadd.s32 $0xFFFFC000  }
0x5e: {  	_ =	swait.ge [sflag:s19], $0x4000  }
0x5f: {  	[sflag:s19] =	ssyncset.done $0x0  }
0x60: {  	[sflag:s19] =	ssyncadd.s32 $0xFFFFC000  }
0x61: {  	[spmem:s2] =	stream.indirect.scatter.add.f32 [tilespmem:s17], [sflag:$0x3], $0x80, s26, s15, $0xb8;
	[tilespmem:$0x1E800] =	vst v63  }
0x62: {  	_ =	swait.ge [sflag:s12], $0x4000  }
0x63: {  	s30 =	smov.u32 s10;
	s29 =	simm.s32 $0x1000;
	[sflag:s12] =	ssyncset.done $0x0  }
.LBB2_2:
0x64: {  	p0 =	sne.s32 s29, $0x9000;
	[sflag:s12] =	ssyncadd.s32 $0xFFFFC000;
	s30 =	sadd.s32 $0x80, s30  }
0x65: {  	[tilespmem:s14], [sflag:$0x3] =	stream.linear.gather [hbm4b:s30+s3], $0x400, $0x38;
	[tilespmem:$0x1E800] =	vst v63  }
0x66: {  	s31 =	smov.u32 s29;
	s29 =	sadd.s32 $0x1000, s29;
	_ =	swait.ge [sflag:s12], $0x400  }
0x67: {  	s31 =	sshra.s32 s31, $0x2;
	[sflag:s12] =	ssyncset.done $0x0  }
0x68: {  	s1 =	sadd.s32 $0x13C00, s31;
	[sflag:s12] =	ssyncadd.s32 $0xFFFFFC00  }
0x69: {  	[tilespmem:s16], [sflag:$0x1] =	stream.indirect.gather [hbm4b:s4+s15], $0x80, s1, s15, $0xb8;
	[tilespmem:$0x1E800] =	vst v63  }
0x6a: {  	s1 =	sadd.s32 $0x13C80, s31  }
0x6b: {  	[tilespmem:s17], [sflag:$0x2] =	stream.indirect.gather [hbm4b:s4+s15], $0x80, s1, s15, $0xb8;
	[tilespmem:$0x1E800] =	vst v63  }
0x6c: {  	_ =	swait.ge [sflag:s18], $0x4000  }
0x6d: {  	[sflag:s18] =	ssyncset.done $0x0  }
0x6e: {  	[sflag:s18] =	ssyncadd.s32 $0xFFFFC000  }
0x6f: {  	[spmem:s2] =	stream.indirect.scatter.add.f32 [tilespmem:s16], [sflag:$0x3], $0x80, s14, s15, $0xb8;
	[tilespmem:$0x1E800] =	vst v63  }
0x70: {  	_ =	swait.ge [sflag:s12], $0x4000  }
0x71: {  	[sflag:s12] =	ssyncset.done $0x0  }
0x72: {  	[sflag:s12] =	ssyncadd.s32 $0xFFFFC000  }
0x73: {  	_ =	swait.ge [sflag:s19], $0x4000  }
0x74: {  	[sflag:s19] =	ssyncset.done $0x0  }
0x75: {  	[sflag:s19] =	ssyncadd.s32 $0xFFFFC000  }
0x76: {  	[spmem:s2] =	stream.indirect.scatter.add.f32 [tilespmem:s17], [sflag:$0x3], $0x80, s20, s15, $0xb8;
	[tilespmem:$0x1E800] =	vst v63  }
0x77: {  	_ =	swait.ge [sflag:s12], $0x4000  }
0x78: {  	[sflag:s12] =	ssyncset.done $0x0  }
0x79: {  	s1 =	sadd.s32 $0x13D00, s31;
	[sflag:s12] =	ssyncadd.s32 $0xFFFFC000  }
0x7a: {  	[tilespmem:s16], [sflag:$0x1] =	stream.indirect.gather [hbm4b:s4+s15], $0x80, s1, s15, $0xb8;
	[tilespmem:$0x1E800] =	vst v63  }
0x7b: {  	s1 =	sadd.s32 $0x13D80, s31  }
0x7c: {  	[tilespmem:s17], [sflag:$0x2] =	stream.indirect.gather [hbm4b:s4+s15], $0x80, s1, s15, $0xb8;
	[tilespmem:$0x1E800] =	vst v63  }
0x7d: {  	_ =	swait.ge [sflag:s18], $0x4000  }
0x7e: {  	[sflag:s18] =	ssyncset.done $0x0  }
0x7f: {  	[sflag:s18] =	ssyncadd.s32 $0xFFFFC000  }
0x80: {  	[spmem:s2] =	stream.indirect.scatter.add.f32 [tilespmem:s16], [sflag:$0x3], $0x80, s21, s15, $0xb8;
	[tilespmem:$0x1E800] =	vst v63  }
0x81: {  	_ =	swait.ge [sflag:s12], $0x4000  }
0x82: {  	[sflag:s12] =	ssyncset.done $0x0  }
0x83: {  	[sflag:s12] =	ssyncadd.s32 $0xFFFFC000  }
0x84: {  	_ =	swait.ge [sflag:s19], $0x4000  }
0x85: {  	[sflag:s19] =	ssyncset.done $0x0  }
0x86: {  	[sflag:s19] =	ssyncadd.s32 $0xFFFFC000  }
0x87: {  	[spmem:s2] =	stream.indirect.scatter.add.f32 [tilespmem:s17], [sflag:$0x3], $0x80, s22, s15, $0xb8;
	[tilespmem:$0x1E800] =	vst v63  }
0x88: {  	_ =	swait.ge [sflag:s12], $0x4000  }
0x89: {  	[sflag:s12] =	ssyncset.done $0x0  }
0x8a: {  	s1 =	sadd.s32 $0x13E00, s31;
	[sflag:s12] =	ssyncadd.s32 $0xFFFFC000  }
0x8b: {  	[tilespmem:s16], [sflag:$0x1] =	stream.indirect.gather [hbm4b:s4+s15], $0x80, s1, s15, $0xb8;
	[tilespmem:$0x1E800] =	vst v63  }
0x8c: {  	s1 =	sadd.s32 $0x13E80, s31  }
0x8d: {  	[tilespmem:s17], [sflag:$0x2] =	stream.indirect.gather [hbm4b:s4+s15], $0x80, s1, s15, $0xb8;
	[tilespmem:$0x1E800] =	vst v63  }
0x8e: {  	_ =	swait.ge [sflag:s18], $0x4000  }
0x8f: {  	[sflag:s18] =	ssyncset.done $0x0  }
0x90: {  	[sflag:s18] =	ssyncadd.s32 $0xFFFFC000  }
0x91: {  	[spmem:s2] =	stream.indirect.scatter.add.f32 [tilespmem:s16], [sflag:$0x3], $0x80, s23, s15, $0xb8;
	[tilespmem:$0x1E800] =	vst v63  }
0x92: {  	_ =	swait.ge [sflag:s12], $0x4000  }
0x93: {  	[sflag:s12] =	ssyncset.done $0x0  }
0x94: {  	[sflag:s12] =	ssyncadd.s32 $0xFFFFC000  }
0x95: {  	_ =	swait.ge [sflag:s19], $0x4000  }
0x96: {  	[sflag:s19] =	ssyncset.done $0x0  }
0x97: {  	[sflag:s19] =	ssyncadd.s32 $0xFFFFC000  }
0x98: {  	[spmem:s2] =	stream.indirect.scatter.add.f32 [tilespmem:s17], [sflag:$0x3], $0x80, s24, s15, $0xb8;
	[tilespmem:$0x1E800] =	vst v63  }
0x99: {  	_ =	swait.ge [sflag:s12], $0x4000  }
0x9a: {  	[sflag:s12] =	ssyncset.done $0x0  }
0x9b: {  	s1 =	sadd.s32 $0x13F00, s31;
	[sflag:s12] =	ssyncadd.s32 $0xFFFFC000  }
0x9c: {  	[tilespmem:s16], [sflag:$0x1] =	stream.indirect.gather [hbm4b:s4+s15], $0x80, s1, s15, $0xb8;
	[tilespmem:$0x1E800] =	vst v63  }
0x9d: {  	s1 =	sadd.s32 $0x13F80, s31  }
0x9e: {  	[tilespmem:s17], [sflag:$0x2] =	stream.indirect.gather [hbm4b:s4+s15], $0x80, s1, s15, $0xb8;
	[tilespmem:$0x1E800] =	vst v63  }
0x9f: {  	_ =	swait.ge [sflag:s18], $0x4000  }
0xa0: {  	[sflag:s18] =	ssyncset.done $0x0  }
0xa1: {  	[sflag:s18] =	ssyncadd.s32 $0xFFFFC000  }
0xa2: {  	[spmem:s2] =	stream.indirect.scatter.add.f32 [tilespmem:s16], [sflag:$0x3], $0x80, s25, s15, $0xb8;
	[tilespmem:$0x1E800] =	vst v63  }
0xa3: {  	_ =	swait.ge [sflag:s12], $0x4000  }
0xa4: {  	[sflag:s12] =	ssyncset.done $0x0  }
0xa5: {  	[sflag:s12] =	ssyncadd.s32 $0xFFFFC000  }
0xa6: {  	_ =	swait.ge [sflag:s19], $0x4000  }
.Ltmp0:
0xa7: {  	[sflag:s19] =	ssyncset.done $0x0;
	(pc) =	sbr.rel @p0 .LBB2_2-.Ltmp0, $4  }
0xa8: {  	[sflag:s19] =	ssyncadd.s32 $0xFFFFC000  }
0xa9: {  	[spmem:s2] =	stream.indirect.scatter.add.f32 [tilespmem:s17], [sflag:$0x3], $0x80, s26, s15, $0xb8;
	[tilespmem:$0x1E800] =	vst v63  }
0xaa: {  	_ =	swait.ge [sflag:s12], $0x4000  }
0xab: {  	[sflag:s12] =	ssyncset.done $0x0  }
0xac: {  	s28 =	sadd.s32 $0x1, s28  }
0xad: {  	[sflag:s12] =	ssyncadd.s32 $0xFFFFC000;
	p0 =	sne.s32 s28, s9  }
.Ltmp1:
0xae: {  	[bflag:$0x0] =	sbarrier.arrive $0xFFFF;
	(pc) =	sbr.rel @p0 .LBB2_1-.Ltmp1, $4  }
0xaf: {  	[hbm:s8], [sflag:s6] =	dma.local [spmem:s11], $0x2780  }
0xb0: {  	_ =	swait.ge [sflag:s12], $0x2780  }
0xb1: {  	[sflag:s12] =	ssyncset.done $0x0  }
0xb2: {  	[sflag:s12] =	ssyncadd.s32 $0xFFFFD880  }
0xb3: {  	_ =	sfence.sel $0x180000  }
0xb4: {  	[bflag:$0x0] =	sbarrier.arrive $0xFFFF  }
0xb5: {  	_ =	strace $0x9000004D  }
0xb6: {  	[bflag:$0x2] =	sbarrier.arrive $0xFFFF  }
0xb7: {  	p0 =	sne.s32 s0, $0x0;
	s0 =	rddreg [dreg:$0x3]  }
0xb8: {  	s0 =	sadd.s32 @!p0 $0x100000, s0  }
0xb9: {  	[sflag:s0] =	ssyncadd.tile.s32 @!p0 $0x1;
	_ =	shalt  }
.Lfunc_end2:
_tile_overlayer_lowered:
.L_overlay_start_2:
0xba: {  	(tag) =	ssettag $0x2  }
0xbb: {  	s0 =	rddreg [dreg:$0x0];
	s2 =	stileid.u32  }
0xbc: {  	s1 =	rddreg [dreg:$0x1];
	p0 =	sne.s32 s2, $0x0  }
0xbd: {  	s3 =	rddreg [dreg:$0x2];
	[bflag:$0x3] =	sbarrier.arrive $0xFFFF;
	s2 =	simm.s32 @!p0 $0x1C03  }
0xbe: {  	[timem:s3], [sflag:s2] =	dma.local @!p0 [hbm:s0], s1  }
0xbf: {  	s0 =	simm.s32 @!p0 $0x3  }
0xc0: {  	_ =	swait.ge @!p0 [sflag:s0], s1  }
0xc1: {  	s1 =	ssub.s32 @!p0 $0x0, s1;
	[sflag:s0] =	ssyncset.done @!p0 $0x0  }
0xc2: {  	[sflag:s0] =	ssyncadd.s32 @!p0 s1  }
0xc3: {  	[bflag:$0x3] =	sbarrier.arrive $0xFFFF  }
0xc4: {  	_ =	shalt  }

// kernel: kernel.8.cloned.1.call-start
scs
__scs_entry_jumppad:
0x0: {  	(pc) =	sbr.rel $0x88, $3  }
0x1: {  	(tag) =	ssettag $0x0;
	lr =	simm.s32 $0x1  }
0x2: {  	[smem:$0x3F93] =	sst lr;
	_ =	strace $0xD0000000  }
0x3: {  	_ = 	snop  }
0x4: {  	_ = 	snop  }
0x5: {  	_ = 	snop  }
0x6: {  	_ = 	snop  }
0x7: {  	_ = 	snop  }
__scs_overlays_trampoline_lowered:
0x8: {  	[smem:$0x3FA2] =	sst s0  }
0x9: {  	[smem:$0x3FA3] =	sst s1  }
0xa: {  	[smem:$0x3FA4] =	sst s2  }
0xb: {  	[smem:$0x3FA5] =	sst s3  }
0xc: {  	[smem:$0x3FA6] =	sst s4  }
0xd: {  	[smem:$0x3FA7] =	sst s5  }
0xe: {  	[smem:$0x3FA8] =	sst s6  }
0xf: {  	[smem:$0x3FA9] =	sst s7  }
0x10: {  	[smem:$0x3FAA] =	sst s8  }
0x11: {  	[smem:$0x3FAB] =	sst s9;
	s0 =	simm.s32 @!p0 $0x0  }
0x12: {  	s1 =	sld [smem:$0x3F91];
	s0 =	simm.s32 @p0 $0x1  }
0x13: {  	[smem:$0x3FAC] =	sst s0;
	s0 =	simm.s32 @!p1 $0x0  }
0x14: {  	s2 =	sld [smem:$0x3F90];
	s0 =	simm.s32 @p1 $0x1  }
0x15: {  	[smem:$0x3FAD] =	sst s0;
	s0 =	simm.s32 @!p2 $0x0  }
0x16: {  	s3 =	sld [smem:$0x3FDB];
	s0 =	simm.s32 @p2 $0x1  }
0x17: {  	s4 =	simm.s32 $0x1BF5;
	[smem:$0x3FAF] =	sst s0  }
0x18: {  	s0 =	sld [smem:$0x3F92];
	_ =	swait.ge [sflag:s4], $0x0  }
0x19: {  	s7 =	sld [smem:$0x3F93]  }
0x1a: {  	s8 =	sadd.s32 $0xFFFFE003, lr  }
0x1b: {  	s9 =	sadd.s32 $0xFFFFFEF7, lr;
	s5 =	simm.s32 $0xFFFFFFFF;
	p2 =	slt.u32 s8, $0xFFFFF086  }
0x1c: {  	p1 =	slt.u32 s9, $0xF7A;
	s5 =	simm.s32 @!p2 $0x0  }
0x1d: {  	s5 =	simm.s32 @p1 $0x1;
	p0 =	seq.s32 s7, s2  }
0x1e: {  	s7 =	smul.u32 @!p0 $0xF7A, s2;
	p2 =	seq.s32 @!p0 s5, $0x0  }
0x1f: {  	s9 =	smul.u32 $0xF7A, s1;
	s8 =	simm.s32 @!p0 $0x1BF5;
	p2 =	por !p2, p0  }
0x20: {  	[sflag:s8] =	ssyncset.s32 @!p0 $0xFFFFF086;
	s6 =	sadd.s32 @!p0 s3, s7;
	s7 =	simm.s32 @!p0 $0x108  }
0x21: {  	s3 =	sadd.s32 s3, s9;
	s6 =	sadd.s32 @!p0 $0x88, s6;
	s7 =	simm.s32 @p2 $0x1082  }
0x22: {  	[simem:s7], [sflag:s8] =	dma.local @!p0 [hbm:s6], $0xF7A  }
0x23: {  	s9 =	sor.u32 $0xD0000000, s2;
	s6 =	simm.s32 $0x108;
	_ =	swait.ge @!p0 [sflag:s8], $0x0  }
0x24: {  	s3 =	sadd.s32 $0x88, s3;
	s6 =	simm.s32 @!p1 $0x1082;
	[sflag:s4] =	ssyncset.s32 $0xFFFFF086  }
0x25: {  	[simem:s6], [sflag:s4] =	dma.local [hbm:s3], $0xF7A  }
0x26: {  	[smem:$0x3F93] =	sst s1;
	(tag) =	ssettag s2;
	_ =	strace s9  }
0x27: {  	s1 =	sld [smem:$0x3FA3]  }
0x28: {  	s2 =	sld [smem:$0x3FA4]  }
0x29: {  	s4 =	sld [smem:$0x3FA6]  }
0x2a: {  	p0 =	seq.s32 s5, $0x0;
	s5 =	sld [smem:$0x3FA7]  }
0x2b: {  	s6 =	sld [smem:$0x3FA8]  }
0x2c: {  	s7 =	sld [smem:$0x3FA9]  }
0x2d: {  	s3 =	simm.s32 $0x108;
	s8 =	sld [smem:$0x3FAA]  }
0x2e: {  	s3 =	simm.s32 @!p0 $0x1082;
	s9 =	sld [smem:$0x3FAB]  }
0x2f: {  	lr =	sadd.s32 s0, s3;
	s0 =	sld [smem:$0x3FA2]  }
0x30: {  	s3 =	sld [smem:$0x3FA5]  }
0x31: {  	[smem:$0x3FAE] =	sst s10  }
0x32: {  	s10 =	sld [smem:$0x3FAC];
	_ =	sdelay $0x3  }
0x33: {  	p0 =	seq.s32 s10, $0x1;
	s10 =	sld [smem:$0x3FAE];
	_ =	sdelay $0x3  }
0x34: {  	[smem:$0x3FAE] =	sst s10  }
0x35: {  	s10 =	sld [smem:$0x3FAD];
	_ =	sdelay $0x3  }
0x36: {  	p1 =	seq.s32 s10, $0x1;
	s10 =	sld [smem:$0x3FAE];
	_ =	sdelay $0x3  }
0x37: {  	[smem:$0x3FAE] =	sst s10  }
0x38: {  	s10 =	sld [smem:$0x3FAF]  }
0x39: {  	_ = 	snop;
	(pc) =	sbr.ind lr, $3  }
0x3a: {  	_ = 	snop  }
0x3b: {  	_ = 	snop  }
0x3c: {  	p2 =	seq.s32 s10, $0x1;
	s10 =	sld [smem:$0x3FAE]  }
0x3d: {  	_ =	shalt  }
0x3e: {  	_ =	shalt  }
0x3f: {  	_ =	shalt  }
0x40: {  	_ =	shalt  }
0x41: {  	_ =	shalt  }
0x42: {  	_ =	shalt  }
0x43: {  	_ =	shalt  }
0x44: {  	_ =	shalt  }
0x45: {  	_ =	shalt  }
0x46: {  	_ =	shalt  }
0x47: {  	_ =	shalt  }
0x48: {  	_ =	shalt  }
0x49: {  	_ =	shalt  }
0x4a: {  	_ =	shalt  }
0x4b: {  	_ =	shalt  }
0x4c: {  	_ =	shalt  }
0x4d: {  	_ =	shalt  }
0x4e: {  	_ =	shalt  }
0x4f: {  	_ =	shalt  }
0x50: {  	_ =	shalt  }
0x51: {  	_ =	shalt  }
0x52: {  	_ =	shalt  }
0x53: {  	_ =	shalt  }
0x54: {  	_ =	shalt  }
0x55: {  	_ =	shalt  }
0x56: {  	_ =	shalt  }
0x57: {  	_ =	shalt  }
0x58: {  	_ =	shalt  }
0x59: {  	_ =	shalt  }
0x5a: {  	_ =	shalt  }
0x5b: {  	_ =	shalt  }
0x5c: {  	_ =	shalt  }
0x5d: {  	_ =	shalt  }
0x5e: {  	_ =	shalt  }
0x5f: {  	_ =	shalt  }
0x60: {  	_ =	shalt  }
0x61: {  	_ =	shalt  }
0x62: {  	_ =	shalt  }
0x63: {  	_ =	shalt  }
0x64: {  	_ =	shalt  }
0x65: {  	_ =	shalt  }
0x66: {  	_ =	shalt  }
0x67: {  	_ =	shalt  }
0x68: {  	_ =	shalt  }
0x69: {  	_ =	shalt  }
0x6a: {  	_ =	shalt  }
0x6b: {  	_ =	shalt  }
0x6c: {  	_ =	shalt  }
0x6d: {  	_ =	shalt  }
0x6e: {  	_ =	shalt  }
0x6f: {  	_ =	shalt  }
0x70: {  	_ =	shalt  }
0x71: {  	_ =	shalt  }
0x72: {  	_ =	shalt  }
0x73: {  	_ =	shalt  }
0x74: {  	_ =	shalt  }
0x75: {  	_ =	shalt  }
0x76: {  	_ =	shalt  }
0x77: {  	_ =	shalt  }
0x78: {  	_ =	shalt  }
0x79: {  	_ =	shalt  }
0x7a: {  	_ =	shalt  }
0x7b: {  	_ =	shalt  }
0x7c: {  	_ =	shalt  }
0x7d: {  	_ =	shalt  }
0x7e: {  	_ =	shalt  }
0x7f: {  	_ =	shalt  }
0x80: {  	_ =	shalt  }
0x81: {  	_ =	shalt  }
0x82: {  	_ =	shalt  }
0x83: {  	_ =	shalt  }
0x84: {  	_ =	shalt  }
0x85: {  	_ =	shalt  }
0x86: {  	_ =	shalt  }
0x87: {  	_ =	shalt  }
.Lfunc_end0:
.L_simem_size_0:
called_computation_lowered:
.L_overlay_start_0:
0x88: {  	s2 =	sld [smem:$0x3FD9]  }
0x89: {  	s3 =	sld [smem:$0x3FFE];
	_ =	sdelay $0x1  }
0x8a: {  	s1 =	srdreg.scid  }
0x8b: {  	s0 =	sand.u32 $0x1, s1  }
0x8c: {  	s16 =	sshll.u32 s0, $0xA;
	s2 =	sadd.s32 s3, s2  }
0x8d: {  	s2 =	sadd.s32 s2, s16  }
0x8e: {  	[smem:$0x3FBA] =	sst s2  }
0x8f: {  	_ = 	snop  }
0x90: {  	(tm) =	ssettm $0x1  }
0x91: {  	s17 =	sld [smem:$0x3FFB];
	_ =	sdelay $0x3  }
0x92: {  	_ =	strace s17  }
0x93: {  	s2 =	sld [smem:$0x3FFC];
	_ =	sdelay $0x3  }
0x94: {  	_ =	strace s2  }
0x95: {  	s2 =	sld [smem:$0x3FFD];
	_ =	sdelay $0x3  }
0x96: {  	_ =	strace s2  }
0x97: {  	_ =	strace $0x8FFFFFFF  }
0x98: {  	s18 =	sld [smem:$0x3FDB];
	_ =	sdelay $0x1  }
0x99: {  	s19 =	simm.s32 $_scs_section_size  }
0x9a: {  	s4 =	simm.s32 $_size__tile_overlayer_lowered;
	s5 =	simm.s32 $_tile_overlayer_lowered  }
0x9b: {  	s22 =	simm.s32 $0x1BFF;
	s21 =	sshll.u32 s5, $0x1;
	s2 =	sadd.s32 s19, s18  }
0x9c: {  	s6 =	simm.s32 $0x0;
	s20 =	sshll.u32 s4, $0x1;
	s4 =	sadd.s32 s21, s2  }
0x9d: {  	[timem:s6], [sflag:s22] =	dma.local [hbm:s4], s20  }
0x9e: {  	_ =	swait.ge [sflag:s22], s20  }
0x9f: {  	s3 =	ssub.s32 $0x0, s20;
	[sflag:s22] =	ssyncset.done $0x0  }
0xa0: {  	[sflag:s22] =	ssyncadd.s32 s3;
	_ =	sdelay $0x1  }
0xa1: {  	s23 =	simm.s32 $0x1B8B  }
0xa2: {  	_ =	swait.ge [sflag:s23], $0x1  }
0xa3: {  	[sflag:s23] =	ssyncset.done $0x0  }
0xa4: {  	s25 =	simm.s32 $0x1B8E;
	s24 =	sld [smem:$0x3FFE];
	[sflag:s23] =	ssyncadd.s32 $0xFFFFFFFF  }
0xa5: {  	s26 =	simm.s32 $execute0_lowered;
	[smem:$0x3FD2] =	sst s25  }
0xa6: {  	s4 =	sshll.u32 s26, $0x1;
	_ =	strace $0x80000046;
	[dreg:$0x1] =	wrdreg $0xFFFFFFFF  }
0xa7: {  	s28 =	simm.s32 $_size_execute0_lowered;
	s2 =	sadd.s32 s2, s4;
	[dreg:$0x0] =	wrdreg $0x0  }
0xa8: {  	s4 =	sshll.u32 s28, $0x1;
	[dreg:$0x2] =	wrdreg s2  }
0xa9: {  	[dreg:$0x3] =	wrdreg s4  }
0xaa: {  	[dreg:$0x4] =	wrdreg $0xC0  }
0xab: {  	_ =	task [dreg:s6], $0x5FFFF  }
0xac: {  	[dreg:$0x1] =	wrdreg $0xFFFFFFFF  }
0xad: {  	[dreg:$0x0] =	wrdreg $0x60  }
0xae: {  	[dreg:$0x2] =	wrdreg s24  }
0xaf: {  	[dreg:$0x3] =	wrdreg $0x0  }
0xb0: {  	[dreg:$0x4] =	wrdreg $0x9  }
0xb1: {  	_ =	task.clear_ibuf [dreg:s6], $0x5FFFF;
	_ =	strace $0x90000046  }
0xb2: {  	s29 =	simm.s32 $0x9;
	_ =	strace $0x80000048  }
0xb3: {  	_ =	swait.ge [sflag:s29], $0x1  }
0xb4: {  	[sflag:s29] =	ssyncadd.s32 $0xFFFFFFFF  }
0xb5: {  	_ =	strace $0x90000048  }
0xb6: {  	_ =	sfence  }
0xb7: {  	s30 =	sld [smem:$0x0];
	_ =	sdelay $0x2  }
0xb8: {  	s31 =	sshll.u32 s1, $0xD;
	s1 =	sshrl.u32 s1, $0x2  }
0xb9: {  	s3 =	sand.u32 $0x4000, s31;
	s1 =	sadd.s32 s1, s30  }
0xba: {  	s0 =	sor.u32 s3, s0;
	s1 =	sshll.u32 s1, $0x11  }
0xbb: {  	s0 =	sor.u32 s1, s0  }
0xbc: {  	s0 =	sadd.s32 $0x8F2B, s0  }
0xbd: {  	[sflag:s0] =	ssyncadd.remote.s32 $0x1  }
0xbe: {  	_ =	sfence.sel $0xFFFF  }
0xbf: {  	[dreg:$0x0] =	wrdreg $0xFFFFFFFF;
	(pc) =	sbr.abs _section_cstart, $3  }
0xc0: {  	[dreg:$0x1] =	wrdreg $0xFFFFFFFF  }
0xc1: {  	_ =	task.clear_ibuf [dreg:s6], $0x2FFFF;
	_ =	strace $0x9FFFFFFF  }
0xc2: {  	(tm) =	ssettm $0x7FFFFFFF  }
0xc3: {  	_ =	shalt  }
tec
execute0_lowered:
.L_overlay_start_1:
0x0: {  	(tag) =	ssettag $0x1  }
0x1: {  	s1 =	srdreg.scid  }
0x2: {  	s0 =	stileid.u32;
	s4 =	rddreg [dreg:$0x0]  }
0x3: {  	s2 =	rddreg [dreg:$0x1];
	s3 =	simm.s32 $0x0;
	s10 =	simm.s32 $0x280  }
0x4: {  	s11 =	simm.s32 $0x80;
	s12 =	simm.s32 $0x2A80;
	s13 =	simm.s32 $0x1  }
0x5: {  	s16 =	simm.s32 $0x20;
	s17 =	simm.s32 $0x10;
	s18 =	simm.s32 $0x0  }
0x6: {  	s5 =	sand.u32 $0x1, s1;
	s1 =	rddreg [dreg:$0x2];
	s7 =	smul.u32 $0x500, s0  }
0x7: {  	s30 =	sshll.u32 s0, $0x1;
	[smem:$0x7FF] =	sst s3;
	s9 =	smul.u32 $0xA00, s0  }
0x8: {  	s14 =	sshll.u32 s0, $0x6;
	s6 =	sor.u32 s5, s30;
	_ =	strace $0x80000047  }
0x9: {  	s8 =	sshll.u32 s5, $0x7;
	s5 =	ssub.s32 $0x2, s5;
	s14 =	sor.u32 $0x1C02, s14  }
0xa: {  	s6 =	smul.u32 $0x500, s6;
	s7 =	sor.u32 s8, s7;
	s31 =	sshrl.u32 s5, $0x1  }
0xb: {  	s9 =	sshrl.u32 s9, $0x2;
	s7 =	sshrl.u32 s7, $0x3;
	s8 =	ssub.s32 s5, s31  }
0xc: {  	s6 =	sadd.s32 s6, s4;
	s7 =	sadd.s32 s7, s4;
	s4 =	sadd.s32 s9, s2  }
0xd: {  	s9 =	simm.s32 $0x2;
	s5 =	sadd.s32 $0x3600, s6;
	s6 =	sadd.s32 $0xD600, s7  }
0xe: {  	v0 =	vimm.f32 $1.000000000e+00;
	v1 =	vimm.f32 $0.0e+00;
	s7 =	smax.u32 s8, $0x1;
	s8 =	simm.s32 $0x2B00;
	s15 =	sshrl.u32 s4, $0x3  }
.LBB2_1:
0xf: {  	[tilespmem:$0x2A80] =	vst v0  }
0x10: {  	[tilespmem:$0x2A90] =	vst v0  }
0x11: {  	[tilespmem:$0x2AA0] =	vst v0  }
0x12: {  	[tilespmem:$0x2AB0] =	vst v0  }
0x13: {  	[tilespmem:$0x2AC0] =	vst v0  }
0x14: {  	[tilespmem:$0x2AD0] =	vst v0  }
0x15: {  	[tilespmem:$0x2AE0] =	vst v0  }
0x16: {  	[tilespmem:$0x2AF0] =	vst v0  }
0x17: {  	[tilespmem:$0x2B00] =	vst v1  }
0x18: {  	[tilespmem:$0x2B10] =	vst v1  }
0x19: {  	[tilespmem:$0x2B20] =	vst v1  }
0x1a: {  	[tilespmem:$0x2B30] =	vst v1  }
0x1b: {  	[tilespmem:$0x2B40] =	vst v1  }
0x1c: {  	[tilespmem:$0x2B50] =	vst v1  }
0x1d: {  	[tilespmem:$0x2B60] =	vst v1  }
0x1e: {  	[tilespmem:$0x2B70] =	vst v1  }
0x1f: {  	[tilespmem:$0x2B80] =	vst v1  }
0x20: {  	[tilespmem:$0x2B90] =	vst v1  }
0x21: {  	[tilespmem:$0x2BA0] =	vst v1  }
0x22: {  	[tilespmem:$0x2BB0] =	vst v1  }
0x23: {  	[tilespmem:$0x2BC0] =	vst v1  }
0x24: {  	[tilespmem:$0x2BD0] =	vst v1  }
0x25: {  	[tilespmem:$0x2BE0] =	vst v1  }
0x26: {  	[tilespmem:$0x2BF0] =	vst v1  }
0x27: {  	[tilespmem:$0x2C00] =	vst v1  }
0x28: {  	[tilespmem:$0x2C10] =	vst v1  }
0x29: {  	[tilespmem:$0x2C20] =	vst v1  }
0x2a: {  	[tilespmem:$0x2C30] =	vst v1  }
0x2b: {  	[tilespmem:$0x2C40] =	vst v1  }
0x2c: {  	[tilespmem:$0x2C50] =	vst v1  }
0x2d: {  	[tilespmem:$0x2C60] =	vst v1  }
0x2e: {  	[tilespmem:$0x2C70] =	vst v1  }
0x2f: {  	[tilespmem:$0x2C80] =	vst v1  }
0x30: {  	[tilespmem:$0x2C90] =	vst v1  }
0x31: {  	[tilespmem:$0x2CA0] =	vst v1  }
0x32: {  	[tilespmem:$0x2CB0] =	vst v1  }
0x33: {  	[tilespmem:$0x2CC0] =	vst v1  }
0x34: {  	[tilespmem:$0x2CD0] =	vst v1  }
0x35: {  	[tilespmem:$0x2CE0] =	vst v1  }
0x36: {  	[tilespmem:$0x2CF0] =	vst v1  }
0x37: {  	[tilespmem:$0x2D00] =	vst v1  }
0x38: {  	[tilespmem:$0x2D10] =	vst v1  }
0x39: {  	[tilespmem:$0x2D20] =	vst v1  }
0x3a: {  	[tilespmem:$0x2D30] =	vst v1  }
0x3b: {  	[tilespmem:$0x2D40] =	vst v1  }
0x3c: {  	[tilespmem:$0x2D50] =	vst v1  }
0x3d: {  	[tilespmem:$0x2D60] =	vst v1  }
0x3e: {  	[tilespmem:$0x2D70] =	vst v1  }
0x3f: {  	[spmem:s4] =	stream.linear.scatter [tilespmem:s8], [sflag:$0x2], $0x280, $0x38;
	[tilespmem:$0x2D80] =	vst v63  }
0x40: {  	_ =	swait.ge [sflag:s9], $0x280  }
0x41: {  	[sflag:s9] =	ssyncset.done $0x0  }
0x42: {  	[sflag:s9] =	ssyncadd.s32 $0xFFFFFD80  }
0x43: {  	[tilespmem:s10], [sflag:$0x2] =	stream.linear.gather [hbm4b:s5+s3], $0x2800, $0x38;
	[tilespmem:$0x2D80] =	vst v63  }
0x44: {  	_ =	swait.ge [sflag:s9], $0x2800  }
0x45: {  	[sflag:s9] =	ssyncset.done $0x0  }
0x46: {  	[sflag:s9] =	ssyncadd.s32 $0xFFFFD800  }
0x47: {  	s19 =	simm.s32 $0x0;
	[bflag:$0x0] =	sbarrier.arrive $0xFFFF  }
.LBB2_2:
0x48: {  	p0 =	sne.s32 s19, $0x9E00  }
.Ltmp0:
0x49: {  	_ = 	snop;
	(pc) =	sbr.rel @p0 .LBB2_2-.Ltmp0, $4  }
0x4a: {  	_ = 	snop  }
0x4b: {  	s20 =	sshra.s32 s19, $0x2  }
0x4c: {  	s19 =	sadd.s32 $0x200, s19;
	s20 =	sadd.s32 $0x280, s20  }
0x4d: {  	[spmem:s2] =	stream.indirect.scatter.add.f32 [tilespmem:s12], [sflag:$0x1], $0x1, s20, s11, $0xb8;
	[tilespmem:$0x2D80] =	vst v63  }
0x4e: {  	_ =	swait.ge [sflag:s13], $0x80  }
0x4f: {  	s19 =	simm.s32 $0x4F;
	[sflag:s13] =	ssyncset.done $0x0  }
.LBB2_4:
0x50: {  	p0 =	sne.s32 s19, $0x1;
	s19 =	sadd.s32 $0xFFFFFFFF, s19;
	[sflag:s13] =	ssyncadd.s32 $0xFFFFFF80  }
.Ltmp1:
0x51: {  	(pc) =	sbr.rel @p0 .LBB2_4-.Ltmp1, $3  }
0x52: {  	_ =	sdelay $0x1  }
0x53: {  	_ =	swait.ge [sflag:s13], $0x80  }
0x54: {  	[sflag:s13] =	ssyncset.done $0x0  }
0x55: {  	s18 =	sadd.s32 $0x1, s18  }
0x56: {  	[sflag:s13] =	ssyncadd.s32 $0xFFFFFF80;
	p0 =	sne.s32 s18, s7  }
.Ltmp2:
0x57: {  	[bflag:$0x0] =	sbarrier.arrive $0xFFFF;
	(pc) =	sbr.rel @p0 .LBB2_1-.Ltmp2, $4  }
0x58: {  	[hbm:s6@s16], [sflag:s14] =	dma.strided [spmem:s15@s17], $0x50, s13, $0x10   }
0x59: {  	_ =	swait.ge [sflag:s9], $0x50  }
0x5a: {  	[sflag:s9] =	ssyncset.done $0x0  }
0x5b: {  	[sflag:s9] =	ssyncadd.s32 $0xFFFFFFB0  }
0x5c: {  	_ =	sfence.sel $0x180000  }
0x5d: {  	[bflag:$0x0] =	sbarrier.arrive $0xFFFF  }
0x5e: {  	p0 =	sne.s32 s0, $0x0;
	_ =	strace $0x90000047  }
0x5f: {  	s0 =	sadd.s32 @!p0 $0x100000, s1;
	[bflag:$0x2] =	sbarrier.arrive $0xFFFF  }
0x60: {  	[sflag:s0] =	ssyncadd.tile.s32 @!p0 $0x1;
	_ =	shalt  }
.Lfunc_end2:
_tile_overlayer_lowered:
.L_overlay_start_2:
0x61: {  	(tag) =	ssettag $0x2  }
0x62: {  	s0 =	rddreg [dreg:$0x0];
	s2 =	stileid.u32  }
0x63: {  	s1 =	rddreg [dreg:$0x1];
	p0 =	sne.s32 s2, $0x0  }
0x64: {  	s3 =	rddreg [dreg:$0x2];
	[bflag:$0x3] =	sbarrier.arrive $0xFFFF;
	s2 =	simm.s32 @!p0 $0x1C02  }
0x65: {  	[timem:s3], [sflag:s2] =	dma.local @!p0 [hbm:s0], s1  }
0x66: {  	s0 =	simm.s32 @!p0 $0x2  }
0x67: {  	_ =	swait.ge @!p0 [sflag:s0], s1  }
0x68: {  	s1 =	ssub.s32 @!p0 $0x0, s1;
	[sflag:s0] =	ssyncset.done @!p0 $0x0  }
0x69: {  	[sflag:s0] =	ssyncadd.s32 @!p0 s1  }
0x6a: {  	[bflag:$0x3] =	sbarrier.arrive $0xFFFF  }
0x6b: {  	_ =	shalt  }

</sc_bundles>
